<compile_context>
chip_gen: v7x
topology: tpu7x:2x2x1
jax: 0.10.2.dev20260603
libtpu: 0.0.44.dev20260713+nightly
codegen_flags: <defaults>
</compile_context>

<pallas_src>
import functools

import jax
import jax.numpy as jnp
from jax import lax
from jax.experimental import pallas as pl
from jax.experimental.pallas import tpu as pltpu
from jax.experimental.pallas import tpu_sc as plsc

N_NODES = 50000
N_EDGES = 800000

NC = 2
NS = 16
NW = NC * NS

NP = 50176
ZROWS = NP // NS
EP = 819200
EPT = EP // NW
CHUNK = 256
NCHUNK = EPT // CHUNK
TRASH = NP - 1

ROW_TILE = 512
GRID = NP // ROW_TILE


NBUF = 2
NGROUP = NCHUNK // NBUF


def _make_agg(cb, dtype=jnp.float32):
  mesh = plsc.VectorSubcoreMesh(core_axis_name="c", subcore_axis_name="s",
                                num_cores=NC, num_subcores=NS)

  @functools.partial(
      pl.kernel,
      out_type=jax.ShapeDtypeStruct((NC, NP, cb), dtype),
      mesh=mesh,
      scratch_types=[
          pltpu.VMEM((2, NBUF, CHUNK), jnp.int32),
          pltpu.VMEM((2, NBUF, CHUNK), jnp.int32),
          pltpu.VMEM((NBUF, CHUNK, cb), dtype),
          pltpu.VMEM_SHARED((NP, cb), dtype),
      ] + [pltpu.SemaphoreType.DMA] * (2 * NBUF + 2),
      compiler_params=pltpu.CompilerParams(use_tc_tiling_on_sc=False),
  )
  def agg(x_hbm, src_hbm, dst_hbm, zeros_hbm, out_hbm,
          isrc, idst, rows, acc_sh, *sems):
    gsem = sems[:NBUF]
    ssem = sems[NBUF:2 * NBUF]
    xsem_s, xsem_d = sems[2 * NBUF], sems[2 * NBUF + 1]
    c = lax.axis_index("c")
    s = lax.axis_index("s")
    wid = c * NS + s

    pltpu.sync_copy(zeros_hbm, acc_sh.at[pl.ds(s * ZROWS, ZROWS)])
    pltpu.sync_copy(src_hbm.at[wid, pl.ds(0, NBUF)], isrc.at[0])
    pltpu.sync_copy(dst_hbm.at[wid, pl.ds(0, NBUF)], idst.at[0])
    plsc.subcore_barrier()

    def group(g, carry):
      p = lax.rem(g, 2)
      pn = 1 - p

      for b in range(NBUF):
        @pl.when(g > 0)
        def _():
          pltpu.make_async_copy(
              rows.at[b], acc_sh.at[idst.at[pn, b]], ssem[b]).wait()
        pltpu.async_copy(x_hbm.at[isrc.at[p, b]], rows.at[b], gsem[b])

      @pl.when(g + 1 < NGROUP)
      def _():
        nxt = (g + 1) * NBUF
        pltpu.async_copy(src_hbm.at[wid, pl.ds(nxt, NBUF)], isrc.at[pn],
                         xsem_s)
        pltpu.async_copy(dst_hbm.at[wid, pl.ds(nxt, NBUF)], idst.at[pn],
                         xsem_d)

      for b in range(NBUF):
        pltpu.make_async_copy(
            x_hbm.at[isrc.at[p, b]], rows.at[b], gsem[b]).wait()
        pltpu.async_copy(rows.at[b], acc_sh.at[idst.at[p, b]], ssem[b],
                         add=True)

      @pl.when(g + 1 < NGROUP)
      def _():
        nxt = (g + 1) * NBUF
        pltpu.make_async_copy(src_hbm.at[wid, pl.ds(nxt, NBUF)], isrc.at[pn],
                              xsem_s).wait()
        pltpu.make_async_copy(dst_hbm.at[wid, pl.ds(nxt, NBUF)], idst.at[pn],
                              xsem_d).wait()
      return carry

    lax.fori_loop(0, NGROUP, group, 0)
    pl_ = lax.rem(NGROUP - 1, 2)
    for b in range(NBUF):
      pltpu.make_async_copy(
          rows.at[b], acc_sh.at[idst.at[pl_, b]], ssem[b]).wait()
    plsc.subcore_barrier()

    pltpu.sync_copy(acc_sh.at[pl.ds(s * ZROWS, ZROWS)],
                    out_hbm.at[c, pl.ds(s * ZROWS, ZROWS)])

  return agg


_agg_cache = {}


def _agg16(*args):
  if 16 not in _agg_cache:
    _agg_cache[16] = _make_agg(16)
  return _agg_cache[16](*args)


def _agg64bf(*args):
  if 64 not in _agg_cache:
    _agg_cache[64] = _make_agg(64, jnp.bfloat16)
  return _agg_cache[64](*args)


def _d1_body(p1_ref, z_ref, wl_ref, wr_ref, b_ref, h1_ref, inv_ref):
  s = p1_ref[0] + p1_ref[1]
  cnt = s[:, 3:4]
  inv = 1.0 / jnp.maximum(cnt, 1.0)
  mean = s * inv
  h = (jnp.dot(mean, wl_ref[...], preferred_element_type=jnp.float32)
       + jnp.dot(z_ref[...], wr_ref[...], preferred_element_type=jnp.float32)
       + b_ref[...])
  h = jnp.maximum(h, 0.0)
  for p in range(2):
    h1_ref[p] = h[:, 64 * p:64 * (p + 1)].astype(jnp.bfloat16)
  inv_ref[...] = jnp.broadcast_to(inv, (ROW_TILE, 8))


def _d1(p1, zp, wl, wr, b):
  return pl.pallas_call(
      _d1_body,
      grid=(GRID,),
      in_specs=[
          pl.BlockSpec((NC, ROW_TILE, 16), lambda i: (0, i, 0)),
          pl.BlockSpec((ROW_TILE, 16), lambda i: (i, 0)),
          pl.BlockSpec((16, 128), lambda i: (0, 0)),
          pl.BlockSpec((16, 128), lambda i: (0, 0)),
          pl.BlockSpec((1, 128), lambda i: (0, 0)),
      ],
      out_specs=[
          pl.BlockSpec((2, ROW_TILE, 64), lambda i: (0, i, 0)),
          pl.BlockSpec((ROW_TILE, 8), lambda i: (i, 0)),
      ],
      out_shape=[
          jax.ShapeDtypeStruct((2, NP, 64), jnp.bfloat16),
          jax.ShapeDtypeStruct((NP, 8), jnp.float32),
      ],
  )(p1, zp, wl, wr, b)


def _d2_body(o0_ref, o1_ref, h1_ref, inv_ref,
             wl_ref, wr_ref, b_ref, w3l_ref, h2_ref, g3_ref):
  s2 = jnp.concatenate(
      [r[0].astype(jnp.float32) + r[1].astype(jnp.float32)
       for r in (o0_ref, o1_ref)], axis=1)
  mean2 = s2 * inv_ref[:, 0:1]
  h1 = jnp.concatenate(
      [h1_ref[p] for p in range(2)], axis=1).astype(jnp.float32)
  h2 = (jnp.dot(mean2, wl_ref[...], preferred_element_type=jnp.float32)
        + jnp.dot(h1, wr_ref[...], preferred_element_type=jnp.float32)
        + b_ref[...])
  h2 = jnp.maximum(h2, 0.0)
  h2_ref[...] = h2
  g = jnp.dot(h2, w3l_ref[...], preferred_element_type=jnp.float32)
  g3_ref[...] = g.astype(jnp.bfloat16)


def _d2(o2s, h1blk, inv8, wl, wr, b, w3l):
  spec_o = pl.BlockSpec((NC, ROW_TILE, 64), lambda i: (0, i, 0))
  return pl.pallas_call(
      _d2_body,
      grid=(GRID,),
      in_specs=[
          spec_o, spec_o,
          pl.BlockSpec((2, ROW_TILE, 64), lambda i: (0, i, 0)),
          pl.BlockSpec((ROW_TILE, 8), lambda i: (i, 0)),
          pl.BlockSpec((128, 128), lambda i: (0, 0)),
          pl.BlockSpec((128, 128), lambda i: (0, 0)),
          pl.BlockSpec((1, 128), lambda i: (0, 0)),
          pl.BlockSpec((128, 64), lambda i: (0, 0)),
      ],
      out_specs=[
          pl.BlockSpec((ROW_TILE, 128), lambda i: (i, 0)),
          pl.BlockSpec((ROW_TILE, 64), lambda i: (i, 0)),
      ],
      out_shape=[
          jax.ShapeDtypeStruct((NP, 128), jnp.float32),
          jax.ShapeDtypeStruct((NP, 64), jnp.bfloat16),
      ],
  )(*o2s, h1blk, inv8, wl, wr, b, w3l)


def _d3_body(o0_ref, h2_ref, inv_ref, w3r_ref, b3_ref,
             w4_ref, b4_ref, out_ref):
  sg = o0_ref[0].astype(jnp.float32) + o0_ref[1].astype(jnp.float32)
  h3 = (sg * inv_ref[:, 0:1]
        + jnp.dot(h2_ref[...], w3r_ref[...], preferred_element_type=jnp.float32)
        + b3_ref[...])
  h3 = jnp.maximum(h3, 0.0)
  out_ref[...] = (jnp.dot(h3, w4_ref[...], preferred_element_type=jnp.float32)
                  + b4_ref[...])


def _d3(o3, h2, inv8, w3r, b3, w4, b4):
  spec_o = pl.BlockSpec((NC, ROW_TILE, 64), lambda i: (0, i, 0))
  return pl.pallas_call(
      _d3_body,
      grid=(GRID,),
      in_specs=[
          spec_o,
          pl.BlockSpec((ROW_TILE, 128), lambda i: (i, 0)),
          pl.BlockSpec((ROW_TILE, 8), lambda i: (i, 0)),
          pl.BlockSpec((128, 64), lambda i: (0, 0)),
          pl.BlockSpec((1, 64), lambda i: (0, 0)),
          pl.BlockSpec((64, 40), lambda i: (0, 0)),
          pl.BlockSpec((1, 40), lambda i: (0, 0)),
      ],
      out_specs=pl.BlockSpec((ROW_TILE, 40), lambda i: (i, 0)),
      out_shape=jax.ShapeDtypeStruct((NP, 40), jnp.float32),
  )(o3, h2, inv8, w3r, b3, w4, b4)


@jax.jit
def kernel(z, edge_index, W1l, b1, W1r, W2l, b2, W2r, W3l, b3, W3r, W4, b4):
  ei = edge_index.astype(jnp.int32)
  pad = EP - N_EDGES
  src = jnp.concatenate([ei[0], jnp.zeros((pad,), jnp.int32)])
  dst = jnp.concatenate([ei[1], jnp.full((pad,), TRASH, jnp.int32)])
  src = src.reshape(NW, NCHUNK, CHUNK)
  dst = dst.reshape(NW, NCHUNK, CHUNK)

  zp = jnp.zeros((NP, 16), jnp.float32)
  zp = zp.at[:N_NODES, :3].set(z)
  zp = zp.at[:N_NODES, 3].set(1.0)

  w1l = jnp.zeros((16, 128), jnp.float32).at[:3].set(W1l.T)
  w1r = jnp.zeros((16, 128), jnp.float32).at[:3].set(W1r.T)

  zer16 = jnp.zeros((ZROWS, 16), jnp.float32)
  zer64 = jnp.zeros((ZROWS, 64), jnp.bfloat16)

  p1 = _agg16(zp, src, dst, zer16)
  h1blk, inv8 = _d1(p1, zp, w1l, w1r, b1.reshape(1, 128))

  o2s = [_agg64bf(h1blk[p], src, dst, zer64) for p in range(2)]
  h2, g3blk = _d2(o2s, h1blk, inv8, W2l.T, W2r.T, b2.reshape(1, 128), W3l.T)

  o3 = _agg64bf(g3blk, src, dst, zer64)
  out = _d3(o3, h2, inv8, W3r.T, b3.reshape(1, 64), W4.T, b4.reshape(1, 40))
  return out[:N_NODES]

# --- scband reference (transcript-rebuilt; emitter-appended) ---
"""Pipeline reference for scband-graph-decoder-41248865911346 (READ-ONLY COPY).

The authoritative reference and input builder live on the scoring server;
editing this copy changes nothing except your own understanding.
"""

import jax, jax.numpy as jnp
import numpy as np

N_NODES = 50000
N_EDGES = 800000
IN_CH = 40
HID = 64
OUT_CH = 3


def _sage_conv(x, edge_index, Wl, bl, Wr, num_nodes):
    # PyG SAGEConv with mean aggregation:
    #   out = lin_l(mean_{j in N(i)} x_j) + lin_r(x_i)
    src = edge_index[0]
    dst = edge_index[1]
    msg = x[src]                                   # gather [E, C]
    summed = jax.ops.segment_sum(msg, dst, num_segments=num_nodes)
    cnt = jax.ops.segment_sum(jnp.ones((edge_index.shape[1],), x.dtype), dst,
                              num_segments=num_nodes)
    mean = summed / jnp.clip(cnt, 1.0, None)[:, None]
    return mean @ Wl.T + bl + x @ Wr.T


def setup_inputs(seed: int = 0) -> dict:
    key = jax.random.key(seed)
    ks = [jax.random.fold_in(key, i) for i in range(16)]
    z = jax.random.normal(ks[0], (N_NODES, OUT_CH), dtype=jnp.float32)
    edge_index = jax.random.randint(ks[1], (2, N_EDGES), 0, N_NODES, dtype=jnp.int64)
    s = 0.1
    params = {
        # conv1: SAGEConv(3 -> 128)
        "W1l": jax.random.normal(ks[2], (2 * HID, OUT_CH), jnp.float32) * s,
        "b1": jnp.zeros((2 * HID,), jnp.float32),
        "W1r": jax.random.normal(ks[3], (2 * HID, OUT_CH), jnp.float32) * s,
        # conv2: SAGEConv(128 -> 128)
        "W2l": jax.random.normal(ks[4], (2 * HID, 2 * HID), jnp.float32) * s,
        "b2": jnp.zeros((2 * HID,), jnp.float32),
        "W2r": jax.random.normal(ks[5], (2 * HID, 2 * HID), jnp.float32) * s,
        # conv3: SAGEConv(128 -> 64)
        "W3l": jax.random.normal(ks[6], (HID, 2 * HID), jnp.float32) * s,
        "b3": jnp.zeros((HID,), jnp.float32),
        "W3r": jax.random.normal(ks[7], (HID, 2 * HID), jnp.float32) * s,
        # conv4: Linear(64 -> 40)
        "W4": jax.random.normal(ks[8], (IN_CH, HID), jnp.float32) * s,
        "b4": jnp.zeros((IN_CH,), jnp.float32),
    }
    return {"z": z, "edge_index": edge_index, **params}


def reference(z, edge_index, W1l, b1, W1r, W2l, b2, W2r, W3l, b3, W3r, W4, b4):
    n = z.shape[0]
    h = jax.nn.relu(_sage_conv(z, edge_index, W1l, b1, W1r, n))
    h = jax.nn.relu(_sage_conv(h, edge_index, W2l, b2, W2r, n))
    h = jax.nn.relu(_sage_conv(h, edge_index, W3l, b3, W3r, n))
    out = h @ W4.T + b4
    return out

if __name__ == "__main__":
    import jax
    _d = setup_inputs()
    print(jax.jit(kernel)(*tuple(_d.values())))

</pallas_src>

<mosaic_0001>
#map = affine_map<(d0, d1) -> (0, 0)>
#map1 = affine_map<(d0, d1) -> (0, 0, 0)>
module attributes {stable_mosaic.version = 14 : i64} {
  func.func @agg(%arg0: i32, %arg1: i32, %arg2: memref<50176x16xf32, #tpu.memory_space<hbm>>, %arg3: memref<32x100x256xi32, #tpu.memory_space<hbm>>, %arg4: memref<32x100x256xi32, #tpu.memory_space<hbm>>, %arg5: memref<3136x16xf32, #tpu.memory_space<hbm>>, %arg6: memref<2x50176x16xf32, #tpu.memory_space<hbm>>, %arg7: memref<2x2x256xi32, #tpu.memory_space<vmem>>, %arg8: memref<2x2x256xi32, #tpu.memory_space<vmem>>, %arg9: memref<2x256x16xf32, #tpu.memory_space<vmem>>, %arg10: memref<50176x16xf32, #tpu.memory_space<vmem_shared>>, %arg11: memref<!tpu.dma_semaphore, #tpu.memory_space<semaphore_mem>>, %arg12: memref<!tpu.dma_semaphore, #tpu.memory_space<semaphore_mem>>, %arg13: memref<!tpu.dma_semaphore, #tpu.memory_space<semaphore_mem>>, %arg14: memref<!tpu.dma_semaphore, #tpu.memory_space<semaphore_mem>>, %arg15: memref<!tpu.dma_semaphore, #tpu.memory_space<semaphore_mem>>, %arg16: memref<!tpu.dma_semaphore, #tpu.memory_space<semaphore_mem>>) attributes {dimension_semantics = [#tpu.dimension_semantics<core_parallel>, #tpu.dimension_semantics<subcore_parallel>], iteration_bounds = array<i64: 2, 16>, scalar_prefetch = 0 : i64, scratch_operands = 10 : i64, tpu.core_type = #tpu.core_type<sc_vector_subcore>, window_params = [{transform_indices = #map}, {transform_indices = #map1}, {transform_indices = #map1}, {transform_indices = #map}, {transform_indices = #map1}]} {
    %mul3A = arith.constant 16 : i32
    %mul3A_0 = arith.muli %arg0, %mul3A : i32
    %add3A = arith.addi %mul3A_0, %arg1 : i32
    %mul3A_1 = arith.constant 3136 : i32
    %mul3A_2 = arith.muli %arg1, %mul3A_1 : i32
    "tpu.region"() ({
      %run_scoped3A_39 = tpu.sem_alloc : memref<!tpu.dma_semaphore, #tpu.memory_space<semaphore_mem>>
      %dma_start3A = arith.constant 0 : i32
      %dma_start3A_40 = tpu.memref_slice %arg10[%mul3A_2, %dma_start3A] : memref<50176x16xf32, #tpu.memory_space<vmem_shared>> -> memref<3136x16xf32, #tpu.memory_space<vmem_shared>>
      tpu.enqueue_dma source(%arg5 : memref<3136x16xf32, #tpu.memory_space<hbm>>) target(%dma_start3A_40 : memref<3136x16xf32, #tpu.memory_space<vmem_shared>>) target_semaphore(%run_scoped3A_39 : memref<!tpu.dma_semaphore, #tpu.memory_space<semaphore_mem>>)
      %dma_wait3A_41 = arith.constant 0 : i32
      %dma_wait3A_42 = tpu.memref_slice %arg10[%mul3A_2, %dma_wait3A_41] : memref<50176x16xf32, #tpu.memory_space<vmem_shared>> -> memref<3136x16xf32, #tpu.memory_space<vmem_shared>>
      tpu.wait_dma2 semaphore(%run_scoped3A_39 : memref<!tpu.dma_semaphore, #tpu.memory_space<semaphore_mem>>) src(%arg5 : memref<3136x16xf32, #tpu.memory_space<hbm>>) dst(%dma_wait3A_42 : memref<3136x16xf32, #tpu.memory_space<vmem_shared>>)
      tpu.yield
    }) : () -> ()
    %run_scoped3A = arith.constant 0 : i32
    "tpu.region"() ({
      %run_scoped3A_39 = tpu.sem_alloc : memref<!tpu.dma_semaphore, #tpu.memory_space<semaphore_mem>>
      %dma_start3A = arith.constant 0 : i32
      %dma_start3A_40 = arith.constant 0 : i32
      %dma_start3A_41 = tpu.memref_slice %arg7[%run_scoped3A, %dma_start3A, %dma_start3A_40] : memref<2x2x256xi32, #tpu.memory_space<vmem>> -> memref<1x2x256xi32, #tpu.memory_space<vmem>>
      %dma_start3A_42 = tpu.memref_squeeze %dma_start3A_41 : memref<1x2x256xi32, #tpu.memory_space<vmem>> -> memref<2x256xi32, #tpu.memory_space<vmem>>
      %dma_start3A_43 = arith.constant 0 : i32
      %dma_start3A_44 = arith.constant 0 : i32
      %dma_start3A_45 = tpu.memref_slice %arg3[%add3A, %dma_start3A_43, %dma_start3A_44] : memref<32x100x256xi32, #tpu.memory_space<hbm>> -> memref<1x2x256xi32, #tpu.memory_space<hbm>>
      %dma_start3A_46 = tpu.memref_squeeze %dma_start3A_45 : memref<1x2x256xi32, #tpu.memory_space<hbm>> -> memref<2x256xi32, #tpu.memory_space<hbm>>
      %dma_start3A_47 = arith.constant 0 : i32
      %dma_start3A_48 = arith.constant 0 : i32
      %dma_start3A_49 = tpu.memref_slice %arg7[%run_scoped3A, %dma_start3A_47, %dma_start3A_48] : memref<2x2x256xi32, #tpu.memory_space<vmem>> -> memref<1x2x256xi32, #tpu.memory_space<vmem>>
      %dma_start3A_50 = tpu.memref_squeeze %dma_start3A_49 : memref<1x2x256xi32, #tpu.memory_space<vmem>> -> memref<2x256xi32, #tpu.memory_space<vmem>>
      %dma_start3A_51 = arith.constant 0 : i32
      %dma_start3A_52 = arith.constant 0 : i32
      %dma_start3A_53 = tpu.memref_slice %arg3[%add3A, %dma_start3A_51, %dma_start3A_52] : memref<32x100x256xi32, #tpu.memory_space<hbm>> -> memref<1x2x256xi32, #tpu.memory_space<hbm>>
      %dma_start3A_54 = tpu.memref_squeeze %dma_start3A_53 : memref<1x2x256xi32, #tpu.memory_space<hbm>> -> memref<2x256xi32, #tpu.memory_space<hbm>>
      tpu.enqueue_dma source(%dma_start3A_54 : memref<2x256xi32, #tpu.memory_space<hbm>>) target(%dma_start3A_50 : memref<2x256xi32, #tpu.memory_space<vmem>>) target_semaphore(%run_scoped3A_39 : memref<!tpu.dma_semaphore, #tpu.memory_space<semaphore_mem>>)
      %dma_wait3A_55 = arith.constant 0 : i32
      %dma_wait3A_56 = arith.constant 0 : i32
      %dma_wait3A_57 = tpu.memref_slice %arg7[%run_scoped3A, %dma_wait3A_55, %dma_wait3A_56] : memref<2x2x256xi32, #tpu.memory_space<vmem>> -> memref<1x2x256xi32, #tpu.memory_space<vmem>>
      %dma_wait3A_58 = tpu.memref_squeeze %dma_wait3A_57 : memref<1x2x256xi32, #tpu.memory_space<vmem>> -> memref<2x256xi32, #tpu.memory_space<vmem>>
      %dma_wait3A_59 = arith.constant 0 : i32
      %dma_wait3A_60 = arith.constant 0 : i32
      %dma_wait3A_61 = tpu.memref_slice %arg3[%add3A, %dma_wait3A_59, %dma_wait3A_60] : memref<32x100x256xi32, #tpu.memory_space<hbm>> -> memref<1x2x256xi32, #tpu.memory_space<hbm>>
      %dma_wait3A_62 = tpu.memref_squeeze %dma_wait3A_61 : memref<1x2x256xi32, #tpu.memory_space<hbm>> -> memref<2x256xi32, #tpu.memory_space<hbm>>
      %dma_wait3A_63 = arith.constant 0 : i32
      %dma_wait3A_64 = arith.constant 0 : i32
      %dma_wait3A_65 = tpu.memref_slice %arg7[%run_scoped3A, %dma_wait3A_63, %dma_wait3A_64] : memref<2x2x256xi32, #tpu.memory_space<vmem>> -> memref<1x2x256xi32, #tpu.memory_space<vmem>>
      %dma_wait3A_66 = tpu.memref_squeeze %dma_wait3A_65 : memref<1x2x256xi32, #tpu.memory_space<vmem>> -> memref<2x256xi32, #tpu.memory_space<vmem>>
      %dma_wait3A_67 = arith.constant 0 : i32
      %dma_wait3A_68 = arith.constant 0 : i32
      %dma_wait3A_69 = tpu.memref_slice %arg3[%add3A, %dma_wait3A_67, %dma_wait3A_68] : memref<32x100x256xi32, #tpu.memory_space<hbm>> -> memref<1x2x256xi32, #tpu.memory_space<hbm>>
      %dma_wait3A_70 = tpu.memref_squeeze %dma_wait3A_69 : memref<1x2x256xi32, #tpu.memory_space<hbm>> -> memref<2x256xi32, #tpu.memory_space<hbm>>
      tpu.wait_dma2 semaphore(%run_scoped3A_39 : memref<!tpu.dma_semaphore, #tpu.memory_space<semaphore_mem>>) src(%dma_wait3A_70 : memref<2x256xi32, #tpu.memory_space<hbm>>) dst(%dma_wait3A_66 : memref<2x256xi32, #tpu.memory_space<vmem>>)
      tpu.yield
    }) : () -> ()
    %run_scoped3A_3 = arith.constant 0 : i32
    "tpu.region"() ({
      %run_scoped3A_39 = tpu.sem_alloc : memref<!tpu.dma_semaphore, #tpu.memory_space<semaphore_mem>>
      %dma_start3A = arith.constant 0 : i32
      %dma_start3A_40 = arith.constant 0 : i32
      %dma_start3A_41 = tpu.memref_slice %arg8[%run_scoped3A_3, %dma_start3A, %dma_start3A_40] : memref<2x2x256xi32, #tpu.memory_space<vmem>> -> memref<1x2x256xi32, #tpu.memory_space<vmem>>
      %dma_start3A_42 = tpu.memref_squeeze %dma_start3A_41 : memref<1x2x256xi32, #tpu.memory_space<vmem>> -> memref<2x256xi32, #tpu.memory_space<vmem>>
      %dma_start3A_43 = arith.constant 0 : i32
      %dma_start3A_44 = arith.constant 0 : i32
      %dma_start3A_45 = tpu.memref_slice %arg4[%add3A, %dma_start3A_43, %dma_start3A_44] : memref<32x100x256xi32, #tpu.memory_space<hbm>> -> memref<1x2x256xi32, #tpu.memory_space<hbm>>
      %dma_start3A_46 = tpu.memref_squeeze %dma_start3A_45 : memref<1x2x256xi32, #tpu.memory_space<hbm>> -> memref<2x256xi32, #tpu.memory_space<hbm>>
      %dma_start3A_47 = arith.constant 0 : i32
      %dma_start3A_48 = arith.constant 0 : i32
      %dma_start3A_49 = tpu.memref_slice %arg8[%run_scoped3A_3, %dma_start3A_47, %dma_start3A_48] : memref<2x2x256xi32, #tpu.memory_space<vmem>> -> memref<1x2x256xi32, #tpu.memory_space<vmem>>
      %dma_start3A_50 = tpu.memref_squeeze %dma_start3A_49 : memref<1x2x256xi32, #tpu.memory_space<vmem>> -> memref<2x256xi32, #tpu.memory_space<vmem>>
      %dma_start3A_51 = arith.constant 0 : i32
      %dma_start3A_52 = arith.constant 0 : i32
      %dma_start3A_53 = tpu.memref_slice %arg4[%add3A, %dma_start3A_51, %dma_start3A_52] : memref<32x100x256xi32, #tpu.memory_space<hbm>> -> memref<1x2x256xi32, #tpu.memory_space<hbm>>
      %dma_start3A_54 = tpu.memref_squeeze %dma_start3A_53 : memref<1x2x256xi32, #tpu.memory_space<hbm>> -> memref<2x256xi32, #tpu.memory_space<hbm>>
      tpu.enqueue_dma source(%dma_start3A_54 : memref<2x256xi32, #tpu.memory_space<hbm>>) target(%dma_start3A_50 : memref<2x256xi32, #tpu.memory_space<vmem>>) target_semaphore(%run_scoped3A_39 : memref<!tpu.dma_semaphore, #tpu.memory_space<semaphore_mem>>)
      %dma_wait3A_55 = arith.constant 0 : i32
      %dma_wait3A_56 = arith.constant 0 : i32
      %dma_wait3A_57 = tpu.memref_slice %arg8[%run_scoped3A_3, %dma_wait3A_55, %dma_wait3A_56] : memref<2x2x256xi32, #tpu.memory_space<vmem>> -> memref<1x2x256xi32, #tpu.memory_space<vmem>>
      %dma_wait3A_58 = tpu.memref_squeeze %dma_wait3A_57 : memref<1x2x256xi32, #tpu.memory_space<vmem>> -> memref<2x256xi32, #tpu.memory_space<vmem>>
      %dma_wait3A_59 = arith.constant 0 : i32
      %dma_wait3A_60 = arith.constant 0 : i32
      %dma_wait3A_61 = tpu.memref_slice %arg4[%add3A, %dma_wait3A_59, %dma_wait3A_60] : memref<32x100x256xi32, #tpu.memory_space<hbm>> -> memref<1x2x256xi32, #tpu.memory_space<hbm>>
      %dma_wait3A_62 = tpu.memref_squeeze %dma_wait3A_61 : memref<1x2x256xi32, #tpu.memory_space<hbm>> -> memref<2x256xi32, #tpu.memory_space<hbm>>
      %dma_wait3A_63 = arith.constant 0 : i32
      %dma_wait3A_64 = arith.constant 0 : i32
      %dma_wait3A_65 = tpu.memref_slice %arg8[%run_scoped3A_3, %dma_wait3A_63, %dma_wait3A_64] : memref<2x2x256xi32, #tpu.memory_space<vmem>> -> memref<1x2x256xi32, #tpu.memory_space<vmem>>
      %dma_wait3A_66 = tpu.memref_squeeze %dma_wait3A_65 : memref<1x2x256xi32, #tpu.memory_space<vmem>> -> memref<2x256xi32, #tpu.memory_space<vmem>>
      %dma_wait3A_67 = arith.constant 0 : i32
      %dma_wait3A_68 = arith.constant 0 : i32
      %dma_wait3A_69 = tpu.memref_slice %arg4[%add3A, %dma_wait3A_67, %dma_wait3A_68] : memref<32x100x256xi32, #tpu.memory_space<hbm>> -> memref<1x2x256xi32, #tpu.memory_space<hbm>>
      %dma_wait3A_70 = tpu.memref_squeeze %dma_wait3A_69 : memref<1x2x256xi32, #tpu.memory_space<hbm>> -> memref<2x256xi32, #tpu.memory_space<hbm>>
      tpu.wait_dma2 semaphore(%run_scoped3A_39 : memref<!tpu.dma_semaphore, #tpu.memory_space<semaphore_mem>>) src(%dma_wait3A_70 : memref<2x256xi32, #tpu.memory_space<hbm>>) dst(%dma_wait3A_66 : memref<2x256xi32, #tpu.memory_space<vmem>>)
      tpu.yield
    }) : () -> ()
    %barrier3A = arith.constant 0 : index
    tpu.barrier barrier_id(%barrier3A)
    %scan3A = arith.constant 0 : i32
    %scan3A_4 = arith.constant 0 : i32
    %scan3A_5 = arith.constant 50 : i32
    %scan3A_6 = arith.addi %scan3A_4, %scan3A_5 : i32
    %scan3A_7 = arith.constant 1 : i32
    scf.for %scan3A_39 = %scan3A_4 to %scan3A_6 step %scan3A_7  : i32 {
      %rem3A_40 = arith.constant 2 : i32
      %rem3A_41 = arith.remsi %scan3A_39, %rem3A_40 : i32
      %sub3A = arith.constant 1 : i32
      %sub3A_42 = arith.subi %sub3A, %rem3A_41 : i32
      %gt3A = arith.constant 0 : i32
      %gt3A_43 = arith.cmpi sgt, %scan3A_39, %gt3A : i32
      %convert_element_type3A = arith.extui %gt3A_43 : i1 to i32
      %cond3A = arith.constant 0 : i32
      %cond3A_44 = arith.cmpi ne, %convert_element_type3A, %cond3A : i32
      scf.if %cond3A_44 {
        %dma_wait3A_134 = arith.constant 0 : i32
        %dma_wait3A_135 = arith.constant 0 : i32
        %dma_wait3A_136 = arith.constant 0 : i32
        %dma_wait3A_137 = arith.constant 0 : i32
        %dma_wait3A_138 = tpu.memref_slice %arg9[%dma_wait3A_134, %dma_wait3A_136, %dma_wait3A_137] : memref<2x256x16xf32, #tpu.memory_space<vmem>> -> memref<1x256x16xf32, #tpu.memory_space<vmem>>
        %dma_wait3A_139 = tpu.memref_squeeze %dma_wait3A_138 : memref<1x256x16xf32, #tpu.memory_space<vmem>> -> memref<256x16xf32, #tpu.memory_space<vmem>>
        %dma_wait3A_140 = arith.constant 0 : i32
        %dma_wait3A_141 = tpu.memref_slice %arg8[%sub3A_42, %dma_wait3A_135, %dma_wait3A_140] : memref<2x2x256xi32, #tpu.memory_space<vmem>> -> memref<1x1x256xi32, #tpu.memory_space<vmem>>
        %dma_wait3A_142 = tpu.memref_squeeze %dma_wait3A_141 : memref<1x1x256xi32, #tpu.memory_space<vmem>> -> memref<256xi32, #tpu.memory_space<vmem>>
        %dma_wait3A_143 = arith.constant 0 : i32
        %dma_wait3A_144 = arith.constant 0 : i32
        %dma_wait3A_145 = tpu.memref_slice %arg10[%dma_wait3A_143, %dma_wait3A_144] : memref<50176x16xf32, #tpu.memory_space<vmem_shared>> -> memref<50176x16xf32, #tpu.memory_space<vmem_shared>>
        tpu.wait_indirect_dma semaphore(%arg13 : memref<!tpu.dma_semaphore, #tpu.memory_space<semaphore_mem>>) src(%dma_wait3A_139 : memref<256x16xf32, #tpu.memory_space<vmem>>) dst(%dma_wait3A_145 : memref<50176x16xf32, #tpu.memory_space<vmem_shared>>)
      } else {
      }
      %dma_start3A = arith.constant 0 : i32
      %dma_start3A_45 = arith.constant 0 : i32
      %dma_start3A_46 = arith.constant 0 : i32
      %dma_start3A_47 = arith.constant 0 : i32
      %dma_start3A_48 = tpu.memref_slice %arg9[%dma_start3A_45, %dma_start3A_46, %dma_start3A_47] : memref<2x256x16xf32, #tpu.memory_space<vmem>> -> memref<1x256x16xf32, #tpu.memory_space<vmem>>
      %dma_start3A_49 = tpu.memref_squeeze %dma_start3A_48 : memref<1x256x16xf32, #tpu.memory_space<vmem>> -> memref<256x16xf32, #tpu.memory_space<vmem>>
      %dma_start3A_50 = arith.constant 0 : i32
      %dma_start3A_51 = tpu.memref_slice %arg7[%rem3A_41, %dma_start3A, %dma_start3A_50] : memref<2x2x256xi32, #tpu.memory_space<vmem>> -> memref<1x1x256xi32, #tpu.memory_space<vmem>>
      %dma_start3A_52 = tpu.memref_squeeze %dma_start3A_51 : memref<1x1x256xi32, #tpu.memory_space<vmem>> -> memref<256xi32, #tpu.memory_space<vmem>>
      %dma_start3A_53 = arith.constant 0 : i32
      %dma_start3A_54 = arith.constant 0 : i32
      %dma_start3A_55 = tpu.memref_slice %arg2[%dma_start3A_53, %dma_start3A_54] : memref<50176x16xf32, #tpu.memory_space<hbm>> -> memref<50176x16xf32, #tpu.memory_space<hbm>>
      tpu.enqueue_indirect_dma source(%dma_start3A_55 : memref<50176x16xf32, #tpu.memory_space<hbm>>) target(%dma_start3A_49 : memref<256x16xf32, #tpu.memory_space<vmem>>) offsets(%dma_start3A_52 : memref<256xi32, #tpu.memory_space<vmem>>) semaphore(%arg11 : memref<!tpu.dma_semaphore, #tpu.memory_space<semaphore_mem>>)
      %gt3A_56 = arith.constant 0 : i32
      %gt3A_57 = arith.cmpi sgt, %scan3A_39, %gt3A_56 : i32
      %convert_element_type3A_58 = arith.extui %gt3A_57 : i1 to i32
      %cond3A_59 = arith.constant 0 : i32
      %cond3A_60 = arith.cmpi ne, %convert_element_type3A_58, %cond3A_59 : i32
      scf.if %cond3A_60 {
        %dma_wait3A_134 = arith.constant 1 : i32
        %dma_wait3A_135 = arith.constant 1 : i32
        %dma_wait3A_136 = arith.constant 0 : i32
        %dma_wait3A_137 = arith.constant 0 : i32
        %dma_wait3A_138 = tpu.memref_slice %arg9[%dma_wait3A_134, %dma_wait3A_136, %dma_wait3A_137] : memref<2x256x16xf32, #tpu.memory_space<vmem>> -> memref<1x256x16xf32, #tpu.memory_space<vmem>>
        %dma_wait3A_139 = tpu.memref_squeeze %dma_wait3A_138 : memref<1x256x16xf32, #tpu.memory_space<vmem>> -> memref<256x16xf32, #tpu.memory_space<vmem>>
        %dma_wait3A_140 = arith.constant 0 : i32
        %dma_wait3A_141 = tpu.memref_slice %arg8[%sub3A_42, %dma_wait3A_135, %dma_wait3A_140] : memref<2x2x256xi32, #tpu.memory_space<vmem>> -> memref<1x1x256xi32, #tpu.memory_space<vmem>>
        %dma_wait3A_142 = tpu.memref_squeeze %dma_wait3A_141 : memref<1x1x256xi32, #tpu.memory_space<vmem>> -> memref<256xi32, #tpu.memory_space<vmem>>
        %dma_wait3A_143 = arith.constant 0 : i32
        %dma_wait3A_144 = arith.constant 0 : i32
        %dma_wait3A_145 = tpu.memref_slice %arg10[%dma_wait3A_143, %dma_wait3A_144] : memref<50176x16xf32, #tpu.memory_space<vmem_shared>> -> memref<50176x16xf32, #tpu.memory_space<vmem_shared>>
        tpu.wait_indirect_dma semaphore(%arg14 : memref<!tpu.dma_semaphore, #tpu.memory_space<semaphore_mem>>) src(%dma_wait3A_139 : memref<256x16xf32, #tpu.memory_space<vmem>>) dst(%dma_wait3A_145 : memref<50176x16xf32, #tpu.memory_space<vmem_shared>>)
      } else {
      }
      %dma_start3A_61 = arith.constant 1 : i32
      %dma_start3A_62 = arith.constant 1 : i32
      %dma_start3A_63 = arith.constant 0 : i32
      %dma_start3A_64 = arith.constant 0 : i32
      %dma_start3A_65 = tpu.memref_slice %arg9[%dma_start3A_62, %dma_start3A_63, %dma_start3A_64] : memref<2x256x16xf32, #tpu.memory_space<vmem>> -> memref<1x256x16xf32, #tpu.memory_space<vmem>>
      %dma_start3A_66 = tpu.memref_squeeze %dma_start3A_65 : memref<1x256x16xf32, #tpu.memory_space<vmem>> -> memref<256x16xf32, #tpu.memory_space<vmem>>
      %dma_start3A_67 = arith.constant 0 : i32
      %dma_start3A_68 = tpu.memref_slice %arg7[%rem3A_41, %dma_start3A_61, %dma_start3A_67] : memref<2x2x256xi32, #tpu.memory_space<vmem>> -> memref<1x1x256xi32, #tpu.memory_space<vmem>>
      %dma_start3A_69 = tpu.memref_squeeze %dma_start3A_68 : memref<1x1x256xi32, #tpu.memory_space<vmem>> -> memref<256xi32, #tpu.memory_space<vmem>>
      %dma_start3A_70 = arith.constant 0 : i32
      %dma_start3A_71 = arith.constant 0 : i32
      %dma_start3A_72 = tpu.memref_slice %arg2[%dma_start3A_70, %dma_start3A_71] : memref<50176x16xf32, #tpu.memory_space<hbm>> -> memref<50176x16xf32, #tpu.memory_space<hbm>>
      tpu.enqueue_indirect_dma source(%dma_start3A_72 : memref<50176x16xf32, #tpu.memory_space<hbm>>) target(%dma_start3A_66 : memref<256x16xf32, #tpu.memory_space<vmem>>) offsets(%dma_start3A_69 : memref<256xi32, #tpu.memory_space<vmem>>) semaphore(%arg12 : memref<!tpu.dma_semaphore, #tpu.memory_space<semaphore_mem>>)
      %add3A_73 = arith.constant 1 : i32
      %add3A_74 = arith.addi %scan3A_39, %add3A_73 : i32
      %lt3A = arith.constant 50 : i32
      %lt3A_75 = arith.cmpi slt, %add3A_74, %lt3A : i32
      %convert_element_type3A_76 = arith.extui %lt3A_75 : i1 to i32
      %cond3A_77 = arith.constant 0 : i32
      %cond3A_78 = arith.cmpi ne, %convert_element_type3A_76, %cond3A_77 : i32
      scf.if %cond3A_78 {
        %add3A_134 = arith.constant 1 : i32
        %add3A_135 = arith.addi %scan3A_39, %add3A_134 : i32
        %mul3A_136 = arith.constant 2 : i32
        %mul3A_137 = arith.muli %add3A_135, %mul3A_136 : i32
        %dma_start3A_138 = arith.constant 0 : i32
        %dma_start3A_139 = arith.constant 0 : i32
        %dma_start3A_140 = tpu.memref_slice %arg7[%sub3A_42, %dma_start3A_138, %dma_start3A_139] : memref<2x2x256xi32, #tpu.memory_space<vmem>> -> memref<1x2x256xi32, #tpu.memory_space<vmem>>
        %dma_start3A_141 = tpu.memref_squeeze %dma_start3A_140 : memref<1x2x256xi32, #tpu.memory_space<vmem>> -> memref<2x256xi32, #tpu.memory_space<vmem>>
        %dma_start3A_142 = arith.constant 0 : i32
        %dma_start3A_143 = tpu.memref_slice %arg3[%add3A, %mul3A_137, %dma_start3A_142] : memref<32x100x256xi32, #tpu.memory_space<hbm>> -> memref<1x2x256xi32, #tpu.memory_space<hbm>>
        %dma_start3A_144 = tpu.memref_squeeze %dma_start3A_143 : memref<1x2x256xi32, #tpu.memory_space<hbm>> -> memref<2x256xi32, #tpu.memory_space<hbm>>
        %dma_start3A_145 = arith.constant 0 : i32
        %dma_start3A_146 = arith.constant 0 : i32
        %dma_start3A_147 = tpu.memref_slice %arg7[%sub3A_42, %dma_start3A_145, %dma_start3A_146] : memref<2x2x256xi32, #tpu.memory_space<vmem>> -> memref<1x2x256xi32, #tpu.memory_space<vmem>>
        %dma_start3A_148 = tpu.memref_squeeze %dma_start3A_147 : memref<1x2x256xi32, #tpu.memory_space<vmem>> -> memref<2x256xi32, #tpu.memory_space<vmem>>
        %dma_start3A_149 = arith.constant 0 : i32
        %dma_start3A_150 = tpu.memref_slice %arg3[%add3A, %mul3A_137, %dma_start3A_149] : memref<32x100x256xi32, #tpu.memory_space<hbm>> -> memref<1x2x256xi32, #tpu.memory_space<hbm>>
        %dma_start3A_151 = tpu.memref_squeeze %dma_start3A_150 : memref<1x2x256xi32, #tpu.memory_space<hbm>> -> memref<2x256xi32, #tpu.memory_space<hbm>>
        tpu.enqueue_dma source(%dma_start3A_151 : memref<2x256xi32, #tpu.memory_space<hbm>>) target(%dma_start3A_148 : memref<2x256xi32, #tpu.memory_space<vmem>>) target_semaphore(%arg15 : memref<!tpu.dma_semaphore, #tpu.memory_space<semaphore_mem>>)
        %dma_start3A_152 = arith.constant 0 : i32
        %dma_start3A_153 = arith.constant 0 : i32
        %dma_start3A_154 = tpu.memref_slice %arg8[%sub3A_42, %dma_start3A_152, %dma_start3A_153] : memref<2x2x256xi32, #tpu.memory_space<vmem>> -> memref<1x2x256xi32, #tpu.memory_space<vmem>>
        %dma_start3A_155 = tpu.memref_squeeze %dma_start3A_154 : memref<1x2x256xi32, #tpu.memory_space<vmem>> -> memref<2x256xi32, #tpu.memory_space<vmem>>
        %dma_start3A_156 = arith.constant 0 : i32
        %dma_start3A_157 = tpu.memref_slice %arg4[%add3A, %mul3A_137, %dma_start3A_156] : memref<32x100x256xi32, #tpu.memory_space<hbm>> -> memref<1x2x256xi32, #tpu.memory_space<hbm>>
        %dma_start3A_158 = tpu.memref_squeeze %dma_start3A_157 : memref<1x2x256xi32, #tpu.memory_space<hbm>> -> memref<2x256xi32, #tpu.memory_space<hbm>>
        %dma_start3A_159 = arith.constant 0 : i32
        %dma_start3A_160 = arith.constant 0 : i32
        %dma_start3A_161 = tpu.memref_slice %arg8[%sub3A_42, %dma_start3A_159, %dma_start3A_160] : memref<2x2x256xi32, #tpu.memory_space<vmem>> -> memref<1x2x256xi32, #tpu.memory_space<vmem>>
        %dma_start3A_162 = tpu.memref_squeeze %dma_start3A_161 : memref<1x2x256xi32, #tpu.memory_space<vmem>> -> memref<2x256xi32, #tpu.memory_space<vmem>>
        %dma_start3A_163 = arith.constant 0 : i32
        %dma_start3A_164 = tpu.memref_slice %arg4[%add3A, %mul3A_137, %dma_start3A_163] : memref<32x100x256xi32, #tpu.memory_space<hbm>> -> memref<1x2x256xi32, #tpu.memory_space<hbm>>
        %dma_start3A_165 = tpu.memref_squeeze %dma_start3A_164 : memref<1x2x256xi32, #tpu.memory_space<hbm>> -> memref<2x256xi32, #tpu.memory_space<hbm>>
        tpu.enqueue_dma source(%dma_start3A_165 : memref<2x256xi32, #tpu.memory_space<hbm>>) target(%dma_start3A_162 : memref<2x256xi32, #tpu.memory_space<vmem>>) target_semaphore(%arg16 : memref<!tpu.dma_semaphore, #tpu.memory_space<semaphore_mem>>)
      } else {
      }
      %dma_wait3A_79 = arith.constant 0 : i32
      %dma_wait3A_80 = arith.constant 0 : i32
      %dma_wait3A_81 = arith.constant 0 : i32
      %dma_wait3A_82 = arith.constant 0 : i32
      %dma_wait3A_83 = tpu.memref_slice %arg9[%dma_wait3A_80, %dma_wait3A_81, %dma_wait3A_82] : memref<2x256x16xf32, #tpu.memory_space<vmem>> -> memref<1x256x16xf32, #tpu.memory_space<vmem>>
      %dma_wait3A_84 = tpu.memref_squeeze %dma_wait3A_83 : memref<1x256x16xf32, #tpu.memory_space<vmem>> -> memref<256x16xf32, #tpu.memory_space<vmem>>
      %dma_wait3A_85 = arith.constant 0 : i32
      %dma_wait3A_86 = tpu.memref_slice %arg7[%rem3A_41, %dma_wait3A_79, %dma_wait3A_85] : memref<2x2x256xi32, #tpu.memory_space<vmem>> -> memref<1x1x256xi32, #tpu.memory_space<vmem>>
      %dma_wait3A_87 = tpu.memref_squeeze %dma_wait3A_86 : memref<1x1x256xi32, #tpu.memory_space<vmem>> -> memref<256xi32, #tpu.memory_space<vmem>>
      %dma_wait3A_88 = arith.constant 0 : i32
      %dma_wait3A_89 = arith.constant 0 : i32
      %dma_wait3A_90 = tpu.memref_slice %arg2[%dma_wait3A_88, %dma_wait3A_89] : memref<50176x16xf32, #tpu.memory_space<hbm>> -> memref<50176x16xf32, #tpu.memory_space<hbm>>
      tpu.wait_indirect_dma semaphore(%arg11 : memref<!tpu.dma_semaphore, #tpu.memory_space<semaphore_mem>>) src(%dma_wait3A_90 : memref<50176x16xf32, #tpu.memory_space<hbm>>) dst(%dma_wait3A_84 : memref<256x16xf32, #tpu.memory_space<vmem>>)
      %dma_start3A_91 = arith.constant 0 : i32
      %dma_start3A_92 = arith.constant 0 : i32
      %dma_start3A_93 = arith.constant 0 : i32
      %dma_start3A_94 = arith.constant 0 : i32
      %dma_start3A_95 = tpu.memref_slice %arg9[%dma_start3A_91, %dma_start3A_93, %dma_start3A_94] : memref<2x256x16xf32, #tpu.memory_space<vmem>> -> memref<1x256x16xf32, #tpu.memory_space<vmem>>
      %dma_start3A_96 = tpu.memref_squeeze %dma_start3A_95 : memref<1x256x16xf32, #tpu.memory_space<vmem>> -> memref<256x16xf32, #tpu.memory_space<vmem>>
      %dma_start3A_97 = arith.constant 0 : i32
      %dma_start3A_98 = tpu.memref_slice %arg8[%rem3A_41, %dma_start3A_92, %dma_start3A_97] : memref<2x2x256xi32, #tpu.memory_space<vmem>> -> memref<1x1x256xi32, #tpu.memory_space<vmem>>
      %dma_start3A_99 = tpu.memref_squeeze %dma_start3A_98 : memref<1x1x256xi32, #tpu.memory_space<vmem>> -> memref<256xi32, #tpu.memory_space<vmem>>
      %dma_start3A_100 = arith.constant 0 : i32
      %dma_start3A_101 = arith.constant 0 : i32
      %dma_start3A_102 = tpu.memref_slice %arg10[%dma_start3A_100, %dma_start3A_101] : memref<50176x16xf32, #tpu.memory_space<vmem_shared>> -> memref<50176x16xf32, #tpu.memory_space<vmem_shared>>
      tpu.enqueue_indirect_dma source(%dma_start3A_96 : memref<256x16xf32, #tpu.memory_space<vmem>>) target(%dma_start3A_102 : memref<50176x16xf32, #tpu.memory_space<vmem_shared>>) offsets(%dma_start3A_99 : memref<256xi32, #tpu.memory_space<vmem>>) semaphore(%arg13 : memref<!tpu.dma_semaphore, #tpu.memory_space<semaphore_mem>>) {add = true}
      %dma_wait3A_103 = arith.constant 1 : i32
      %dma_wait3A_104 = arith.constant 1 : i32
      %dma_wait3A_105 = arith.constant 0 : i32
      %dma_wait3A_106 = arith.constant 0 : i32
      %dma_wait3A_107 = tpu.memref_slice %arg9[%dma_wait3A_104, %dma_wait3A_105, %dma_wait3A_106] : memref<2x256x16xf32, #tpu.memory_space<vmem>> -> memref<1x256x16xf32, #tpu.memory_space<vmem>>
      %dma_wait3A_108 = tpu.memref_squeeze %dma_wait3A_107 : memref<1x256x16xf32, #tpu.memory_space<vmem>> -> memref<256x16xf32, #tpu.memory_space<vmem>>
      %dma_wait3A_109 = arith.constant 0 : i32
      %dma_wait3A_110 = tpu.memref_slice %arg7[%rem3A_41, %dma_wait3A_103, %dma_wait3A_109] : memref<2x2x256xi32, #tpu.memory_space<vmem>> -> memref<1x1x256xi32, #tpu.memory_space<vmem>>
      %dma_wait3A_111 = tpu.memref_squeeze %dma_wait3A_110 : memref<1x1x256xi32, #tpu.memory_space<vmem>> -> memref<256xi32, #tpu.memory_space<vmem>>
      %dma_wait3A_112 = arith.constant 0 : i32
      %dma_wait3A_113 = arith.constant 0 : i32
      %dma_wait3A_114 = tpu.memref_slice %arg2[%dma_wait3A_112, %dma_wait3A_113] : memref<50176x16xf32, #tpu.memory_space<hbm>> -> memref<50176x16xf32, #tpu.memory_space<hbm>>
      tpu.wait_indirect_dma semaphore(%arg12 : memref<!tpu.dma_semaphore, #tpu.memory_space<semaphore_mem>>) src(%dma_wait3A_114 : memref<50176x16xf32, #tpu.memory_space<hbm>>) dst(%dma_wait3A_108 : memref<256x16xf32, #tpu.memory_space<vmem>>)
      %dma_start3A_115 = arith.constant 1 : i32
      %dma_start3A_116 = arith.constant 1 : i32
      %dma_start3A_117 = arith.constant 0 : i32
      %dma_start3A_118 = arith.constant 0 : i32
      %dma_start3A_119 = tpu.memref_slice %arg9[%dma_start3A_115, %dma_start3A_117, %dma_start3A_118] : memref<2x256x16xf32, #tpu.memory_space<vmem>> -> memref<1x256x16xf32, #tpu.memory_space<vmem>>
      %dma_start3A_120 = tpu.memref_squeeze %dma_start3A_119 : memref<1x256x16xf32, #tpu.memory_space<vmem>> -> memref<256x16xf32, #tpu.memory_space<vmem>>
      %dma_start3A_121 = arith.constant 0 : i32
      %dma_start3A_122 = tpu.memref_slice %arg8[%rem3A_41, %dma_start3A_116, %dma_start3A_121] : memref<2x2x256xi32, #tpu.memory_space<vmem>> -> memref<1x1x256xi32, #tpu.memory_space<vmem>>
      %dma_start3A_123 = tpu.memref_squeeze %dma_start3A_122 : memref<1x1x256xi32, #tpu.memory_space<vmem>> -> memref<256xi32, #tpu.memory_space<vmem>>
      %dma_start3A_124 = arith.constant 0 : i32
      %dma_start3A_125 = arith.constant 0 : i32
      %dma_start3A_126 = tpu.memref_slice %arg10[%dma_start3A_124, %dma_start3A_125] : memref<50176x16xf32, #tpu.memory_space<vmem_shared>> -> memref<50176x16xf32, #tpu.memory_space<vmem_shared>>
      tpu.enqueue_indirect_dma source(%dma_start3A_120 : memref<256x16xf32, #tpu.memory_space<vmem>>) target(%dma_start3A_126 : memref<50176x16xf32, #tpu.memory_space<vmem_shared>>) offsets(%dma_start3A_123 : memref<256xi32, #tpu.memory_space<vmem>>) semaphore(%arg14 : memref<!tpu.dma_semaphore, #tpu.memory_space<semaphore_mem>>) {add = true}
      %add3A_127 = arith.constant 1 : i32
      %add3A_128 = arith.addi %scan3A_39, %add3A_127 : i32
      %lt3A_129 = arith.constant 50 : i32
      %lt3A_130 = arith.cmpi slt, %add3A_128, %lt3A_129 : i32
      %convert_element_type3A_131 = arith.extui %lt3A_130 : i1 to i32
      %cond3A_132 = arith.constant 0 : i32
      %cond3A_133 = arith.cmpi ne, %convert_element_type3A_131, %cond3A_132 : i32
      scf.if %cond3A_133 {
        %add3A_134 = arith.constant 1 : i32
        %add3A_135 = arith.addi %scan3A_39, %add3A_134 : i32
        %mul3A_136 = arith.constant 2 : i32
        %mul3A_137 = arith.muli %add3A_135, %mul3A_136 : i32
        %dma_wait3A_138 = arith.constant 0 : i32
        %dma_wait3A_139 = arith.constant 0 : i32
        %dma_wait3A_140 = tpu.memref_slice %arg7[%sub3A_42, %dma_wait3A_138, %dma_wait3A_139] : memref<2x2x256xi32, #tpu.memory_space<vmem>> -> memref<1x2x256xi32, #tpu.memory_space<vmem>>
        %dma_wait3A_141 = tpu.memref_squeeze %dma_wait3A_140 : memref<1x2x256xi32, #tpu.memory_space<vmem>> -> memref<2x256xi32, #tpu.memory_space<vmem>>
        %dma_wait3A_142 = arith.constant 0 : i32
        %dma_wait3A_143 = tpu.memref_slice %arg3[%add3A, %mul3A_137, %dma_wait3A_142] : memref<32x100x256xi32, #tpu.memory_space<hbm>> -> memref<1x2x256xi32, #tpu.memory_space<hbm>>
        %dma_wait3A_144 = tpu.memref_squeeze %dma_wait3A_143 : memref<1x2x256xi32, #tpu.memory_space<hbm>> -> memref<2x256xi32, #tpu.memory_space<hbm>>
        %dma_wait3A_145 = arith.constant 0 : i32
        %dma_wait3A_146 = arith.constant 0 : i32
        %dma_wait3A_147 = tpu.memref_slice %arg7[%sub3A_42, %dma_wait3A_145, %dma_wait3A_146] : memref<2x2x256xi32, #tpu.memory_space<vmem>> -> memref<1x2x256xi32, #tpu.memory_space<vmem>>
        %dma_wait3A_148 = tpu.memref_squeeze %dma_wait3A_147 : memref<1x2x256xi32, #tpu.memory_space<vmem>> -> memref<2x256xi32, #tpu.memory_space<vmem>>
        %dma_wait3A_149 = arith.constant 0 : i32
        %dma_wait3A_150 = tpu.memref_slice %arg3[%add3A, %mul3A_137, %dma_wait3A_149] : memref<32x100x256xi32, #tpu.memory_space<hbm>> -> memref<1x2x256xi32, #tpu.memory_space<hbm>>
        %dma_wait3A_151 = tpu.memref_squeeze %dma_wait3A_150 : memref<1x2x256xi32, #tpu.memory_space<hbm>> -> memref<2x256xi32, #tpu.memory_space<hbm>>
        tpu.wait_dma2 semaphore(%arg15 : memref<!tpu.dma_semaphore, #tpu.memory_space<semaphore_mem>>) src(%dma_wait3A_151 : memref<2x256xi32, #tpu.memory_space<hbm>>) dst(%dma_wait3A_148 : memref<2x256xi32, #tpu.memory_space<vmem>>)
        %dma_wait3A_152 = arith.constant 0 : i32
        %dma_wait3A_153 = arith.constant 0 : i32
        %dma_wait3A_154 = tpu.memref_slice %arg8[%sub3A_42, %dma_wait3A_152, %dma_wait3A_153] : memref<2x2x256xi32, #tpu.memory_space<vmem>> -> memref<1x2x256xi32, #tpu.memory_space<vmem>>
        %dma_wait3A_155 = tpu.memref_squeeze %dma_wait3A_154 : memref<1x2x256xi32, #tpu.memory_space<vmem>> -> memref<2x256xi32, #tpu.memory_space<vmem>>
        %dma_wait3A_156 = arith.constant 0 : i32
        %dma_wait3A_157 = tpu.memref_slice %arg4[%add3A, %mul3A_137, %dma_wait3A_156] : memref<32x100x256xi32, #tpu.memory_space<hbm>> -> memref<1x2x256xi32, #tpu.memory_space<hbm>>
        %dma_wait3A_158 = tpu.memref_squeeze %dma_wait3A_157 : memref<1x2x256xi32, #tpu.memory_space<hbm>> -> memref<2x256xi32, #tpu.memory_space<hbm>>
        %dma_wait3A_159 = arith.constant 0 : i32
        %dma_wait3A_160 = arith.constant 0 : i32
        %dma_wait3A_161 = tpu.memref_slice %arg8[%sub3A_42, %dma_wait3A_159, %dma_wait3A_160] : memref<2x2x256xi32, #tpu.memory_space<vmem>> -> memref<1x2x256xi32, #tpu.memory_space<vmem>>
        %dma_wait3A_162 = tpu.memref_squeeze %dma_wait3A_161 : memref<1x2x256xi32, #tpu.memory_space<vmem>> -> memref<2x256xi32, #tpu.memory_space<vmem>>
        %dma_wait3A_163 = arith.constant 0 : i32
        %dma_wait3A_164 = tpu.memref_slice %arg4[%add3A, %mul3A_137, %dma_wait3A_163] : memref<32x100x256xi32, #tpu.memory_space<hbm>> -> memref<1x2x256xi32, #tpu.memory_space<hbm>>
        %dma_wait3A_165 = tpu.memref_squeeze %dma_wait3A_164 : memref<1x2x256xi32, #tpu.memory_space<hbm>> -> memref<2x256xi32, #tpu.memory_space<hbm>>
        tpu.wait_dma2 semaphore(%arg16 : memref<!tpu.dma_semaphore, #tpu.memory_space<semaphore_mem>>) src(%dma_wait3A_165 : memref<2x256xi32, #tpu.memory_space<hbm>>) dst(%dma_wait3A_162 : memref<2x256xi32, #tpu.memory_space<vmem>>)
      } else {
      }
    }
    %scan3A_8 = arith.constant 50 : i32
    %rem3A = arith.constant 49 : i32
    %rem3A_9 = arith.constant 2 : i32
    %rem3A_10 = arith.remsi %rem3A, %rem3A_9 : i32
    %dma_wait3A = arith.constant 0 : i32
    %dma_wait3A_11 = arith.constant 0 : i32
    %dma_wait3A_12 = arith.constant 0 : i32
    %dma_wait3A_13 = arith.constant 0 : i32
    %dma_wait3A_14 = tpu.memref_slice %arg9[%dma_wait3A, %dma_wait3A_12, %dma_wait3A_13] : memref<2x256x16xf32, #tpu.memory_space<vmem>> -> memref<1x256x16xf32, #tpu.memory_space<vmem>>
    %dma_wait3A_15 = tpu.memref_squeeze %dma_wait3A_14 : memref<1x256x16xf32, #tpu.memory_space<vmem>> -> memref<256x16xf32, #tpu.memory_space<vmem>>
    %dma_wait3A_16 = arith.constant 0 : i32
    %dma_wait3A_17 = tpu.memref_slice %arg8[%rem3A_10, %dma_wait3A_11, %dma_wait3A_16] : memref<2x2x256xi32, #tpu.memory_space<vmem>> -> memref<1x1x256xi32, #tpu.memory_space<vmem>>
    %dma_wait3A_18 = tpu.memref_squeeze %dma_wait3A_17 : memref<1x1x256xi32, #tpu.memory_space<vmem>> -> memref<256xi32, #tpu.memory_space<vmem>>
    %dma_wait3A_19 = arith.constant 0 : i32
    %dma_wait3A_20 = arith.constant 0 : i32
    %dma_wait3A_21 = tpu.memref_slice %arg10[%dma_wait3A_19, %dma_wait3A_20] : memref<50176x16xf32, #tpu.memory_space<vmem_shared>> -> memref<50176x16xf32, #tpu.memory_space<vmem_shared>>
    tpu.wait_indirect_dma semaphore(%arg13 : memref<!tpu.dma_semaphore, #tpu.memory_space<semaphore_mem>>) src(%dma_wait3A_15 : memref<256x16xf32, #tpu.memory_space<vmem>>) dst(%dma_wait3A_21 : memref<50176x16xf32, #tpu.memory_space<vmem_shared>>)
    %dma_wait3A_22 = arith.constant 1 : i32
    %dma_wait3A_23 = arith.constant 1 : i32
    %dma_wait3A_24 = arith.constant 0 : i32
    %dma_wait3A_25 = arith.constant 0 : i32
    %dma_wait3A_26 = tpu.memref_slice %arg9[%dma_wait3A_22, %dma_wait3A_24, %dma_wait3A_25] : memref<2x256x16xf32, #tpu.memory_space<vmem>> -> memref<1x256x16xf32, #tpu.memory_space<vmem>>
    %dma_wait3A_27 = tpu.memref_squeeze %dma_wait3A_26 : memref<1x256x16xf32, #tpu.memory_space<vmem>> -> memref<256x16xf32, #tpu.memory_space<vmem>>
    %dma_wait3A_28 = arith.constant 0 : i32
    %dma_wait3A_29 = tpu.memref_slice %arg8[%rem3A_10, %dma_wait3A_23, %dma_wait3A_28] : memref<2x2x256xi32, #tpu.memory_space<vmem>> -> memref<1x1x256xi32, #tpu.memory_space<vmem>>
    %dma_wait3A_30 = tpu.memref_squeeze %dma_wait3A_29 : memref<1x1x256xi32, #tpu.memory_space<vmem>> -> memref<256xi32, #tpu.memory_space<vmem>>
    %dma_wait3A_31 = arith.constant 0 : i32
    %dma_wait3A_32 = arith.constant 0 : i32
    %dma_wait3A_33 = tpu.memref_slice %arg10[%dma_wait3A_31, %dma_wait3A_32] : memref<50176x16xf32, #tpu.memory_space<vmem_shared>> -> memref<50176x16xf32, #tpu.memory_space<vmem_shared>>
    tpu.wait_indirect_dma semaphore(%arg14 : memref<!tpu.dma_semaphore, #tpu.memory_space<semaphore_mem>>) src(%dma_wait3A_27 : memref<256x16xf32, #tpu.memory_space<vmem>>) dst(%dma_wait3A_33 : memref<50176x16xf32, #tpu.memory_space<vmem_shared>>)
    %barrier3A_34 = arith.constant 0 : index
    tpu.barrier barrier_id(%barrier3A_34)
    %mul3A_35 = arith.constant 3136 : i32
    %mul3A_36 = arith.muli %arg1, %mul3A_35 : i32
    %mul3A_37 = arith.constant 3136 : i32
    %mul3A_38 = arith.muli %arg1, %mul3A_37 : i32
    "tpu.region"() ({
      %run_scoped3A_39 = tpu.sem_alloc : memref<!tpu.dma_semaphore, #tpu.memory_space<semaphore_mem>>
      %dma_start3A = arith.constant 0 : i32
      %dma_start3A_40 = tpu.memref_slice %arg6[%arg0, %mul3A_38, %dma_start3A] : memref<2x50176x16xf32, #tpu.memory_space<hbm>> -> memref<1x3136x16xf32, #tpu.memory_space<hbm>>
      %dma_start3A_41 = tpu.memref_squeeze %dma_start3A_40 : memref<1x3136x16xf32, #tpu.memory_space<hbm>> -> memref<3136x16xf32, #tpu.memory_space<hbm>>
      %dma_start3A_42 = arith.constant 0 : i32
      %dma_start3A_43 = tpu.memref_slice %arg10[%mul3A_36, %dma_start3A_42] : memref<50176x16xf32, #tpu.memory_space<vmem_shared>> -> memref<3136x16xf32, #tpu.memory_space<vmem_shared>>
      tpu.enqueue_dma source(%dma_start3A_43 : memref<3136x16xf32, #tpu.memory_space<vmem_shared>>) target(%dma_start3A_41 : memref<3136x16xf32, #tpu.memory_space<hbm>>) target_semaphore(%run_scoped3A_39 : memref<!tpu.dma_semaphore, #tpu.memory_space<semaphore_mem>>)
      %dma_wait3A_44 = arith.constant 0 : i32
      %dma_wait3A_45 = tpu.memref_slice %arg6[%arg0, %mul3A_38, %dma_wait3A_44] : memref<2x50176x16xf32, #tpu.memory_space<hbm>> -> memref<1x3136x16xf32, #tpu.memory_space<hbm>>
      %dma_wait3A_46 = tpu.memref_squeeze %dma_wait3A_45 : memref<1x3136x16xf32, #tpu.memory_space<hbm>> -> memref<3136x16xf32, #tpu.memory_space<hbm>>
      %dma_wait3A_47 = arith.constant 0 : i32
      %dma_wait3A_48 = tpu.memref_slice %arg10[%mul3A_36, %dma_wait3A_47] : memref<50176x16xf32, #tpu.memory_space<vmem_shared>> -> memref<3136x16xf32, #tpu.memory_space<vmem_shared>>
      tpu.wait_dma2 semaphore(%run_scoped3A_39 : memref<!tpu.dma_semaphore, #tpu.memory_space<semaphore_mem>>) src(%dma_wait3A_48 : memref<3136x16xf32, #tpu.memory_space<vmem_shared>>) dst(%dma_wait3A_46 : memref<3136x16xf32, #tpu.memory_space<hbm>>)
      tpu.yield
    }) : () -> ()
    return
  }
}

#map = affine_map<(d0, d1) -> (0, 0)>
#map1 = affine_map<(d0, d1) -> (0, 0, 0)>
module attributes {stable_mosaic.version = 14 : i64} {
  func.func @agg(%arg0: i32, %arg1: i32, %arg2: memref<50176x64xbf16, #tpu.memory_space<hbm>>, %arg3: memref<32x100x256xi32, #tpu.memory_space<hbm>>, %arg4: memref<32x100x256xi32, #tpu.memory_space<hbm>>, %arg5: memref<3136x64xbf16, #tpu.memory_space<hbm>>, %arg6: memref<2x50176x64xbf16, #tpu.memory_space<hbm>>, %arg7: memref<2x2x256xi32, #tpu.memory_space<vmem>>, %arg8: memref<2x2x256xi32, #tpu.memory_space<vmem>>, %arg9: memref<2x256x64xbf16, #tpu.memory_space<vmem>>, %arg10: memref<50176x64xbf16, #tpu.memory_space<vmem_shared>>, %arg11: memref<!tpu.dma_semaphore, #tpu.memory_space<semaphore_mem>>, %arg12: memref<!tpu.dma_semaphore, #tpu.memory_space<semaphore_mem>>, %arg13: memref<!tpu.dma_semaphore, #tpu.memory_space<semaphore_mem>>, %arg14: memref<!tpu.dma_semaphore, #tpu.memory_space<semaphore_mem>>, %arg15: memref<!tpu.dma_semaphore, #tpu.memory_space<semaphore_mem>>, %arg16: memref<!tpu.dma_semaphore, #tpu.memory_space<semaphore_mem>>) attributes {dimension_semantics = [#tpu.dimension_semantics<core_parallel>, #tpu.dimension_semantics<subcore_parallel>], iteration_bounds = array<i64: 2, 16>, scalar_prefetch = 0 : i64, scratch_operands = 10 : i64, tpu.core_type = #tpu.core_type<sc_vector_subcore>, window_params = [{transform_indices = #map}, {transform_indices = #map1}, {transform_indices = #map1}, {transform_indices = #map}, {transform_indices = #map1}]} {
    %mul3A = arith.constant 16 : i32
    %mul3A_0 = arith.muli %arg0, %mul3A : i32
    %add3A = arith.addi %mul3A_0, %arg1 : i32
    %mul3A_1 = arith.constant 3136 : i32
    %mul3A_2 = arith.muli %arg1, %mul3A_1 : i32
    "tpu.region"() ({
      %run_scoped3A_39 = tpu.sem_alloc : memref<!tpu.dma_semaphore, #tpu.memory_space<semaphore_mem>>
      %dma_start3A = arith.constant 0 : i32
      %dma_start3A_40 = tpu.memref_slice %arg10[%mul3A_2, %dma_start3A] : memref<50176x64xbf16, #tpu.memory_space<vmem_shared>> -> memref<3136x64xbf16, #tpu.memory_space<vmem_shared>>
      tpu.enqueue_dma source(%arg5 : memref<3136x64xbf16, #tpu.memory_space<hbm>>) target(%dma_start3A_40 : memref<3136x64xbf16, #tpu.memory_space<vmem_shared>>) target_semaphore(%run_scoped3A_39 : memref<!tpu.dma_semaphore, #tpu.memory_space<semaphore_mem>>)
      %dma_wait3A_41 = arith.constant 0 : i32
      %dma_wait3A_42 = tpu.memref_slice %arg10[%mul3A_2, %dma_wait3A_41] : memref<50176x64xbf16, #tpu.memory_space<vmem_shared>> -> memref<3136x64xbf16, #tpu.memory_space<vmem_shared>>
      tpu.wait_dma2 semaphore(%run_scoped3A_39 : memref<!tpu.dma_semaphore, #tpu.memory_space<semaphore_mem>>) src(%arg5 : memref<3136x64xbf16, #tpu.memory_space<hbm>>) dst(%dma_wait3A_42 : memref<3136x64xbf16, #tpu.memory_space<vmem_shared>>)
      tpu.yield
    }) : () -> ()
    %run_scoped3A = arith.constant 0 : i32
    "tpu.region"() ({
      %run_scoped3A_39 = tpu.sem_alloc : memref<!tpu.dma_semaphore, #tpu.memory_space<semaphore_mem>>
      %dma_start3A = arith.constant 0 : i32
      %dma_start3A_40 = arith.constant 0 : i32
      %dma_start3A_41 = tpu.memref_slice %arg7[%run_scoped3A, %dma_start3A, %dma_start3A_40] : memref<2x2x256xi32, #tpu.memory_space<vmem>> -> memref<1x2x256xi32, #tpu.memory_space<vmem>>
      %dma_start3A_42 = tpu.memref_squeeze %dma_start3A_41 : memref<1x2x256xi32, #tpu.memory_space<vmem>> -> memref<2x256xi32, #tpu.memory_space<vmem>>
      %dma_start3A_43 = arith.constant 0 : i32
      %dma_start3A_44 = arith.constant 0 : i32
      %dma_start3A_45 = tpu.memref_slice %arg3[%add3A, %dma_start3A_43, %dma_start3A_44] : memref<32x100x256xi32, #tpu.memory_space<hbm>> -> memref<1x2x256xi32, #tpu.memory_space<hbm>>
      %dma_start3A_46 = tpu.memref_squeeze %dma_start3A_45 : memref<1x2x256xi32, #tpu.memory_space<hbm>> -> memref<2x256xi32, #tpu.memory_space<hbm>>
      %dma_start3A_47 = arith.constant 0 : i32
      %dma_start3A_48 = arith.constant 0 : i32
      %dma_start3A_49 = tpu.memref_slice %arg7[%run_scoped3A, %dma_start3A_47, %dma_start3A_48] : memref<2x2x256xi32, #tpu.memory_space<vmem>> -> memref<1x2x256xi32, #tpu.memory_space<vmem>>
      %dma_start3A_50 = tpu.memref_squeeze %dma_start3A_49 : memref<1x2x256xi32, #tpu.memory_space<vmem>> -> memref<2x256xi32, #tpu.memory_space<vmem>>
      %dma_start3A_51 = arith.constant 0 : i32
      %dma_start3A_52 = arith.constant 0 : i32
      %dma_start3A_53 = tpu.memref_slice %arg3[%add3A, %dma_start3A_51, %dma_start3A_52] : memref<32x100x256xi32, #tpu.memory_space<hbm>> -> memref<1x2x256xi32, #tpu.memory_space<hbm>>
      %dma_start3A_54 = tpu.memref_squeeze %dma_start3A_53 : memref<1x2x256xi32, #tpu.memory_space<hbm>> -> memref<2x256xi32, #tpu.memory_space<hbm>>
      tpu.enqueue_dma source(%dma_start3A_54 : memref<2x256xi32, #tpu.memory_space<hbm>>) target(%dma_start3A_50 : memref<2x256xi32, #tpu.memory_space<vmem>>) target_semaphore(%run_scoped3A_39 : memref<!tpu.dma_semaphore, #tpu.memory_space<semaphore_mem>>)
      %dma_wait3A_55 = arith.constant 0 : i32
      %dma_wait3A_56 = arith.constant 0 : i32
      %dma_wait3A_57 = tpu.memref_slice %arg7[%run_scoped3A, %dma_wait3A_55, %dma_wait3A_56] : memref<2x2x256xi32, #tpu.memory_space<vmem>> -> memref<1x2x256xi32, #tpu.memory_space<vmem>>
      %dma_wait3A_58 = tpu.memref_squeeze %dma_wait3A_57 : memref<1x2x256xi32, #tpu.memory_space<vmem>> -> memref<2x256xi32, #tpu.memory_space<vmem>>
      %dma_wait3A_59 = arith.constant 0 : i32
      %dma_wait3A_60 = arith.constant 0 : i32
      %dma_wait3A_61 = tpu.memref_slice %arg3[%add3A, %dma_wait3A_59, %dma_wait3A_60] : memref<32x100x256xi32, #tpu.memory_space<hbm>> -> memref<1x2x256xi32, #tpu.memory_space<hbm>>
      %dma_wait3A_62 = tpu.memref_squeeze %dma_wait3A_61 : memref<1x2x256xi32, #tpu.memory_space<hbm>> -> memref<2x256xi32, #tpu.memory_space<hbm>>
      %dma_wait3A_63 = arith.constant 0 : i32
      %dma_wait3A_64 = arith.constant 0 : i32
      %dma_wait3A_65 = tpu.memref_slice %arg7[%run_scoped3A, %dma_wait3A_63, %dma_wait3A_64] : memref<2x2x256xi32, #tpu.memory_space<vmem>> -> memref<1x2x256xi32, #tpu.memory_space<vmem>>
      %dma_wait3A_66 = tpu.memref_squeeze %dma_wait3A_65 : memref<1x2x256xi32, #tpu.memory_space<vmem>> -> memref<2x256xi32, #tpu.memory_space<vmem>>
      %dma_wait3A_67 = arith.constant 0 : i32
      %dma_wait3A_68 = arith.constant 0 : i32
      %dma_wait3A_69 = tpu.memref_slice %arg3[%add3A, %dma_wait3A_67, %dma_wait3A_68] : memref<32x100x256xi32, #tpu.memory_space<hbm>> -> memref<1x2x256xi32, #tpu.memory_space<hbm>>
      %dma_wait3A_70 = tpu.memref_squeeze %dma_wait3A_69 : memref<1x2x256xi32, #tpu.memory_space<hbm>> -> memref<2x256xi32, #tpu.memory_space<hbm>>
      tpu.wait_dma2 semaphore(%run_scoped3A_39 : memref<!tpu.dma_semaphore, #tpu.memory_space<semaphore_mem>>) src(%dma_wait3A_70 : memref<2x256xi32, #tpu.memory_space<hbm>>) dst(%dma_wait3A_66 : memref<2x256xi32, #tpu.memory_space<vmem>>)
      tpu.yield
    }) : () -> ()
    %run_scoped3A_3 = arith.constant 0 : i32
    "tpu.region"() ({
      %run_scoped3A_39 = tpu.sem_alloc : memref<!tpu.dma_semaphore, #tpu.memory_space<semaphore_mem>>
      %dma_start3A = arith.constant 0 : i32
      %dma_start3A_40 = arith.constant 0 : i32
      %dma_start3A_41 = tpu.memref_slice %arg8[%run_scoped3A_3, %dma_start3A, %dma_start3A_40] : memref<2x2x256xi32, #tpu.memory_space<vmem>> -> memref<1x2x256xi32, #tpu.memory_space<vmem>>
      %dma_start3A_42 = tpu.memref_squeeze %dma_start3A_41 : memref<1x2x256xi32, #tpu.memory_space<vmem>> -> memref<2x256xi32, #tpu.memory_space<vmem>>
      %dma_start3A_43 = arith.constant 0 : i32
      %dma_start3A_44 = arith.constant 0 : i32
      %dma_start3A_45 = tpu.memref_slice %arg4[%add3A, %dma_start3A_43, %dma_start3A_44] : memref<32x100x256xi32, #tpu.memory_space<hbm>> -> memref<1x2x256xi32, #tpu.memory_space<hbm>>
      %dma_start3A_46 = tpu.memref_squeeze %dma_start3A_45 : memref<1x2x256xi32, #tpu.memory_space<hbm>> -> memref<2x256xi32, #tpu.memory_space<hbm>>
      %dma_start3A_47 = arith.constant 0 : i32
      %dma_start3A_48 = arith.constant 0 : i32
      %dma_start3A_49 = tpu.memref_slice %arg8[%run_scoped3A_3, %dma_start3A_47, %dma_start3A_48] : memref<2x2x256xi32, #tpu.memory_space<vmem>> -> memref<1x2x256xi32, #tpu.memory_space<vmem>>
      %dma_start3A_50 = tpu.memref_squeeze %dma_start3A_49 : memref<1x2x256xi32, #tpu.memory_space<vmem>> -> memref<2x256xi32, #tpu.memory_space<vmem>>
      %dma_start3A_51 = arith.constant 0 : i32
      %dma_start3A_52 = arith.constant 0 : i32
      %dma_start3A_53 = tpu.memref_slice %arg4[%add3A, %dma_start3A_51, %dma_start3A_52] : memref<32x100x256xi32, #tpu.memory_space<hbm>> -> memref<1x2x256xi32, #tpu.memory_space<hbm>>
      %dma_start3A_54 = tpu.memref_squeeze %dma_start3A_53 : memref<1x2x256xi32, #tpu.memory_space<hbm>> -> memref<2x256xi32, #tpu.memory_space<hbm>>
      tpu.enqueue_dma source(%dma_start3A_54 : memref<2x256xi32, #tpu.memory_space<hbm>>) target(%dma_start3A_50 : memref<2x256xi32, #tpu.memory_space<vmem>>) target_semaphore(%run_scoped3A_39 : memref<!tpu.dma_semaphore, #tpu.memory_space<semaphore_mem>>)
      %dma_wait3A_55 = arith.constant 0 : i32
      %dma_wait3A_56 = arith.constant 0 : i32
      %dma_wait3A_57 = tpu.memref_slice %arg8[%run_scoped3A_3, %dma_wait3A_55, %dma_wait3A_56] : memref<2x2x256xi32, #tpu.memory_space<vmem>> -> memref<1x2x256xi32, #tpu.memory_space<vmem>>
      %dma_wait3A_58 = tpu.memref_squeeze %dma_wait3A_57 : memref<1x2x256xi32, #tpu.memory_space<vmem>> -> memref<2x256xi32, #tpu.memory_space<vmem>>
      %dma_wait3A_59 = arith.constant 0 : i32
      %dma_wait3A_60 = arith.constant 0 : i32
      %dma_wait3A_61 = tpu.memref_slice %arg4[%add3A, %dma_wait3A_59, %dma_wait3A_60] : memref<32x100x256xi32, #tpu.memory_space<hbm>> -> memref<1x2x256xi32, #tpu.memory_space<hbm>>
      %dma_wait3A_62 = tpu.memref_squeeze %dma_wait3A_61 : memref<1x2x256xi32, #tpu.memory_space<hbm>> -> memref<2x256xi32, #tpu.memory_space<hbm>>
      %dma_wait3A_63 = arith.constant 0 : i32
      %dma_wait3A_64 = arith.constant 0 : i32
      %dma_wait3A_65 = tpu.memref_slice %arg8[%run_scoped3A_3, %dma_wait3A_63, %dma_wait3A_64] : memref<2x2x256xi32, #tpu.memory_space<vmem>> -> memref<1x2x256xi32, #tpu.memory_space<vmem>>
      %dma_wait3A_66 = tpu.memref_squeeze %dma_wait3A_65 : memref<1x2x256xi32, #tpu.memory_space<vmem>> -> memref<2x256xi32, #tpu.memory_space<vmem>>
      %dma_wait3A_67 = arith.constant 0 : i32
      %dma_wait3A_68 = arith.constant 0 : i32
      %dma_wait3A_69 = tpu.memref_slice %arg4[%add3A, %dma_wait3A_67, %dma_wait3A_68] : memref<32x100x256xi32, #tpu.memory_space<hbm>> -> memref<1x2x256xi32, #tpu.memory_space<hbm>>
      %dma_wait3A_70 = tpu.memref_squeeze %dma_wait3A_69 : memref<1x2x256xi32, #tpu.memory_space<hbm>> -> memref<2x256xi32, #tpu.memory_space<hbm>>
      tpu.wait_dma2 semaphore(%run_scoped3A_39 : memref<!tpu.dma_semaphore, #tpu.memory_space<semaphore_mem>>) src(%dma_wait3A_70 : memref<2x256xi32, #tpu.memory_space<hbm>>) dst(%dma_wait3A_66 : memref<2x256xi32, #tpu.memory_space<vmem>>)
      tpu.yield
    }) : () -> ()
    %barrier3A = arith.constant 0 : index
    tpu.barrier barrier_id(%barrier3A)
    %scan3A = arith.constant 0 : i32
    %scan3A_4 = arith.constant 0 : i32
    %scan3A_5 = arith.constant 50 : i32
    %scan3A_6 = arith.addi %scan3A_4, %scan3A_5 : i32
    %scan3A_7 = arith.constant 1 : i32
    scf.for %scan3A_39 = %scan3A_4 to %scan3A_6 step %scan3A_7  : i32 {
      %rem3A_40 = arith.constant 2 : i32
      %rem3A_41 = arith.remsi %scan3A_39, %rem3A_40 : i32
      %sub3A = arith.constant 1 : i32
      %sub3A_42 = arith.subi %sub3A, %rem3A_41 : i32
      %gt3A = arith.constant 0 : i32
      %gt3A_43 = arith.cmpi sgt, %scan3A_39, %gt3A : i32
      %convert_element_type3A = arith.extui %gt3A_43 : i1 to i32
      %cond3A = arith.constant 0 : i32
      %cond3A_44 = arith.cmpi ne, %convert_element_type3A, %cond3A : i32
      scf.if %cond3A_44 {
        %dma_wait3A_134 = arith.constant 0 : i32
        %dma_wait3A_135 = arith.constant 0 : i32
        %dma_wait3A_136 = arith.constant 0 : i32
        %dma_wait3A_137 = arith.constant 0 : i32
        %dma_wait3A_138 = tpu.memref_slice %arg9[%dma_wait3A_134, %dma_wait3A_136, %dma_wait3A_137] : memref<2x256x64xbf16, #tpu.memory_space<vmem>> -> memref<1x256x64xbf16, #tpu.memory_space<vmem>>
        %dma_wait3A_139 = tpu.memref_squeeze %dma_wait3A_138 : memref<1x256x64xbf16, #tpu.memory_space<vmem>> -> memref<256x64xbf16, #tpu.memory_space<vmem>>
        %dma_wait3A_140 = arith.constant 0 : i32
        %dma_wait3A_141 = tpu.memref_slice %arg8[%sub3A_42, %dma_wait3A_135, %dma_wait3A_140] : memref<2x2x256xi32, #tpu.memory_space<vmem>> -> memref<1x1x256xi32, #tpu.memory_space<vmem>>
        %dma_wait3A_142 = tpu.memref_squeeze %dma_wait3A_141 : memref<1x1x256xi32, #tpu.memory_space<vmem>> -> memref<256xi32, #tpu.memory_space<vmem>>
        %dma_wait3A_143 = arith.constant 0 : i32
        %dma_wait3A_144 = arith.constant 0 : i32
        %dma_wait3A_145 = tpu.memref_slice %arg10[%dma_wait3A_143, %dma_wait3A_144] : memref<50176x64xbf16, #tpu.memory_space<vmem_shared>> -> memref<50176x64xbf16, #tpu.memory_space<vmem_shared>>
        tpu.wait_indirect_dma semaphore(%arg13 : memref<!tpu.dma_semaphore, #tpu.memory_space<semaphore_mem>>) src(%dma_wait3A_139 : memref<256x64xbf16, #tpu.memory_space<vmem>>) dst(%dma_wait3A_145 : memref<50176x64xbf16, #tpu.memory_space<vmem_shared>>)
      } else {
      }
      %dma_start3A = arith.constant 0 : i32
      %dma_start3A_45 = arith.constant 0 : i32
      %dma_start3A_46 = arith.constant 0 : i32
      %dma_start3A_47 = arith.constant 0 : i32
      %dma_start3A_48 = tpu.memref_slice %arg9[%dma_start3A_45, %dma_start3A_46, %dma_start3A_47] : memref<2x256x64xbf16, #tpu.memory_space<vmem>> -> memref<1x256x64xbf16, #tpu.memory_space<vmem>>
      %dma_start3A_49 = tpu.memref_squeeze %dma_start3A_48 : memref<1x256x64xbf16, #tpu.memory_space<vmem>> -> memref<256x64xbf16, #tpu.memory_space<vmem>>
      %dma_start3A_50 = arith.constant 0 : i32
      %dma_start3A_51 = tpu.memref_slice %arg7[%rem3A_41, %dma_start3A, %dma_start3A_50] : memref<2x2x256xi32, #tpu.memory_space<vmem>> -> memref<1x1x256xi32, #tpu.memory_space<vmem>>
      %dma_start3A_52 = tpu.memref_squeeze %dma_start3A_51 : memref<1x1x256xi32, #tpu.memory_space<vmem>> -> memref<256xi32, #tpu.memory_space<vmem>>
      %dma_start3A_53 = arith.constant 0 : i32
      %dma_start3A_54 = arith.constant 0 : i32
      %dma_start3A_55 = tpu.memref_slice %arg2[%dma_start3A_53, %dma_start3A_54] : memref<50176x64xbf16, #tpu.memory_space<hbm>> -> memref<50176x64xbf16, #tpu.memory_space<hbm>>
      tpu.enqueue_indirect_dma source(%dma_start3A_55 : memref<50176x64xbf16, #tpu.memory_space<hbm>>) target(%dma_start3A_49 : memref<256x64xbf16, #tpu.memory_space<vmem>>) offsets(%dma_start3A_52 : memref<256xi32, #tpu.memory_space<vmem>>) semaphore(%arg11 : memref<!tpu.dma_semaphore, #tpu.memory_space<semaphore_mem>>)
      %gt3A_56 = arith.constant 0 : i32
      %gt3A_57 = arith.cmpi sgt, %scan3A_39, %gt3A_56 : i32
      %convert_element_type3A_58 = arith.extui %gt3A_57 : i1 to i32
      %cond3A_59 = arith.constant 0 : i32
      %cond3A_60 = arith.cmpi ne, %convert_element_type3A_58, %cond3A_59 : i32
      scf.if %cond3A_60 {
        %dma_wait3A_134 = arith.constant 1 : i32
        %dma_wait3A_135 = arith.constant 1 : i32
        %dma_wait3A_136 = arith.constant 0 : i32
        %dma_wait3A_137 = arith.constant 0 : i32
        %dma_wait3A_138 = tpu.memref_slice %arg9[%dma_wait3A_134, %dma_wait3A_136, %dma_wait3A_137] : memref<2x256x64xbf16, #tpu.memory_space<vmem>> -> memref<1x256x64xbf16, #tpu.memory_space<vmem>>
        %dma_wait3A_139 = tpu.memref_squeeze %dma_wait3A_138 : memref<1x256x64xbf16, #tpu.memory_space<vmem>> -> memref<256x64xbf16, #tpu.memory_space<vmem>>
        %dma_wait3A_140 = arith.constant 0 : i32
        %dma_wait3A_141 = tpu.memref_slice %arg8[%sub3A_42, %dma_wait3A_135, %dma_wait3A_140] : memref<2x2x256xi32, #tpu.memory_space<vmem>> -> memref<1x1x256xi32, #tpu.memory_space<vmem>>
        %dma_wait3A_142 = tpu.memref_squeeze %dma_wait3A_141 : memref<1x1x256xi32, #tpu.memory_space<vmem>> -> memref<256xi32, #tpu.memory_space<vmem>>
        %dma_wait3A_143 = arith.constant 0 : i32
        %dma_wait3A_144 = arith.constant 0 : i32
        %dma_wait3A_145 = tpu.memref_slice %arg10[%dma_wait3A_143, %dma_wait3A_144] : memref<50176x64xbf16, #tpu.memory_space<vmem_shared>> -> memref<50176x64xbf16, #tpu.memory_space<vmem_shared>>
        tpu.wait_indirect_dma semaphore(%arg14 : memref<!tpu.dma_semaphore, #tpu.memory_space<semaphore_mem>>) src(%dma_wait3A_139 : memref<256x64xbf16, #tpu.memory_space<vmem>>) dst(%dma_wait3A_145 : memref<50176x64xbf16, #tpu.memory_space<vmem_shared>>)
      } else {
      }
      %dma_start3A_61 = arith.constant 1 : i32
      %dma_start3A_62 = arith.constant 1 : i32
      %dma_start3A_63 = arith.constant 0 : i32
      %dma_start3A_64 = arith.constant 0 : i32
      %dma_start3A_65 = tpu.memref_slice %arg9[%dma_start3A_62, %dma_start3A_63, %dma_start3A_64] : memref<2x256x64xbf16, #tpu.memory_space<vmem>> -> memref<1x256x64xbf16, #tpu.memory_space<vmem>>
      %dma_start3A_66 = tpu.memref_squeeze %dma_start3A_65 : memref<1x256x64xbf16, #tpu.memory_space<vmem>> -> memref<256x64xbf16, #tpu.memory_space<vmem>>
      %dma_start3A_67 = arith.constant 0 : i32
      %dma_start3A_68 = tpu.memref_slice %arg7[%rem3A_41, %dma_start3A_61, %dma_start3A_67] : memref<2x2x256xi32, #tpu.memory_space<vmem>> -> memref<1x1x256xi32, #tpu.memory_space<vmem>>
      %dma_start3A_69 = tpu.memref_squeeze %dma_start3A_68 : memref<1x1x256xi32, #tpu.memory_space<vmem>> -> memref<256xi32, #tpu.memory_space<vmem>>
      %dma_start3A_70 = arith.constant 0 : i32
      %dma_start3A_71 = arith.constant 0 : i32
      %dma_start3A_72 = tpu.memref_slice %arg2[%dma_start3A_70, %dma_start3A_71] : memref<50176x64xbf16, #tpu.memory_space<hbm>> -> memref<50176x64xbf16, #tpu.memory_space<hbm>>
      tpu.enqueue_indirect_dma source(%dma_start3A_72 : memref<50176x64xbf16, #tpu.memory_space<hbm>>) target(%dma_start3A_66 : memref<256x64xbf16, #tpu.memory_space<vmem>>) offsets(%dma_start3A_69 : memref<256xi32, #tpu.memory_space<vmem>>) semaphore(%arg12 : memref<!tpu.dma_semaphore, #tpu.memory_space<semaphore_mem>>)
      %add3A_73 = arith.constant 1 : i32
      %add3A_74 = arith.addi %scan3A_39, %add3A_73 : i32
      %lt3A = arith.constant 50 : i32
      %lt3A_75 = arith.cmpi slt, %add3A_74, %lt3A : i32
      %convert_element_type3A_76 = arith.extui %lt3A_75 : i1 to i32
      %cond3A_77 = arith.constant 0 : i32
      %cond3A_78 = arith.cmpi ne, %convert_element_type3A_76, %cond3A_77 : i32
      scf.if %cond3A_78 {
        %add3A_134 = arith.constant 1 : i32
        %add3A_135 = arith.addi %scan3A_39, %add3A_134 : i32
        %mul3A_136 = arith.constant 2 : i32
        %mul3A_137 = arith.muli %add3A_135, %mul3A_136 : i32
        %dma_start3A_138 = arith.constant 0 : i32
        %dma_start3A_139 = arith.constant 0 : i32
        %dma_start3A_140 = tpu.memref_slice %arg7[%sub3A_42, %dma_start3A_138, %dma_start3A_139] : memref<2x2x256xi32, #tpu.memory_space<vmem>> -> memref<1x2x256xi32, #tpu.memory_space<vmem>>
        %dma_start3A_141 = tpu.memref_squeeze %dma_start3A_140 : memref<1x2x256xi32, #tpu.memory_space<vmem>> -> memref<2x256xi32, #tpu.memory_space<vmem>>
        %dma_start3A_142 = arith.constant 0 : i32
        %dma_start3A_143 = tpu.memref_slice %arg3[%add3A, %mul3A_137, %dma_start3A_142] : memref<32x100x256xi32, #tpu.memory_space<hbm>> -> memref<1x2x256xi32, #tpu.memory_space<hbm>>
        %dma_start3A_144 = tpu.memref_squeeze %dma_start3A_143 : memref<1x2x256xi32, #tpu.memory_space<hbm>> -> memref<2x256xi32, #tpu.memory_space<hbm>>
        %dma_start3A_145 = arith.constant 0 : i32
        %dma_start3A_146 = arith.constant 0 : i32
        %dma_start3A_147 = tpu.memref_slice %arg7[%sub3A_42, %dma_start3A_145, %dma_start3A_146] : memref<2x2x256xi32, #tpu.memory_space<vmem>> -> memref<1x2x256xi32, #tpu.memory_space<vmem>>
        %dma_start3A_148 = tpu.memref_squeeze %dma_start3A_147 : memref<1x2x256xi32, #tpu.memory_space<vmem>> -> memref<2x256xi32, #tpu.memory_space<vmem>>
        %dma_start3A_149 = arith.constant 0 : i32
        %dma_start3A_150 = tpu.memref_slice %arg3[%add3A, %mul3A_137, %dma_start3A_149] : memref<32x100x256xi32, #tpu.memory_space<hbm>> -> memref<1x2x256xi32, #tpu.memory_space<hbm>>
        %dma_start3A_151 = tpu.memref_squeeze %dma_start3A_150 : memref<1x2x256xi32, #tpu.memory_space<hbm>> -> memref<2x256xi32, #tpu.memory_space<hbm>>
        tpu.enqueue_dma source(%dma_start3A_151 : memref<2x256xi32, #tpu.memory_space<hbm>>) target(%dma_start3A_148 : memref<2x256xi32, #tpu.memory_space<vmem>>) target_semaphore(%arg15 : memref<!tpu.dma_semaphore, #tpu.memory_space<semaphore_mem>>)
        %dma_start3A_152 = arith.constant 0 : i32
        %dma_start3A_153 = arith.constant 0 : i32
        %dma_start3A_154 = tpu.memref_slice %arg8[%sub3A_42, %dma_start3A_152, %dma_start3A_153] : memref<2x2x256xi32, #tpu.memory_space<vmem>> -> memref<1x2x256xi32, #tpu.memory_space<vmem>>
        %dma_start3A_155 = tpu.memref_squeeze %dma_start3A_154 : memref<1x2x256xi32, #tpu.memory_space<vmem>> -> memref<2x256xi32, #tpu.memory_space<vmem>>
        %dma_start3A_156 = arith.constant 0 : i32
        %dma_start3A_157 = tpu.memref_slice %arg4[%add3A, %mul3A_137, %dma_start3A_156] : memref<32x100x256xi32, #tpu.memory_space<hbm>> -> memref<1x2x256xi32, #tpu.memory_space<hbm>>
        %dma_start3A_158 = tpu.memref_squeeze %dma_start3A_157 : memref<1x2x256xi32, #tpu.memory_space<hbm>> -> memref<2x256xi32, #tpu.memory_space<hbm>>
        %dma_start3A_159 = arith.constant 0 : i32
        %dma_start3A_160 = arith.constant 0 : i32
        %dma_start3A_161 = tpu.memref_slice %arg8[%sub3A_42, %dma_start3A_159, %dma_start3A_160] : memref<2x2x256xi32, #tpu.memory_space<vmem>> -> memref<1x2x256xi32, #tpu.memory_space<vmem>>
        %dma_start3A_162 = tpu.memref_squeeze %dma_start3A_161 : memref<1x2x256xi32, #tpu.memory_space<vmem>> -> memref<2x256xi32, #tpu.memory_space<vmem>>
        %dma_start3A_163 = arith.constant 0 : i32
        %dma_start3A_164 = tpu.memref_slice %arg4[%add3A, %mul3A_137, %dma_start3A_163] : memref<32x100x256xi32, #tpu.memory_space<hbm>> -> memref<1x2x256xi32, #tpu.memory_space<hbm>>
        %dma_start3A_165 = tpu.memref_squeeze %dma_start3A_164 : memref<1x2x256xi32, #tpu.memory_space<hbm>> -> memref<2x256xi32, #tpu.memory_space<hbm>>
        tpu.enqueue_dma source(%dma_start3A_165 : memref<2x256xi32, #tpu.memory_space<hbm>>) target(%dma_start3A_162 : memref<2x256xi32, #tpu.memory_space<vmem>>) target_semaphore(%arg16 : memref<!tpu.dma_semaphore, #tpu.memory_space<semaphore_mem>>)
      } else {
      }
      %dma_wait3A_79 = arith.constant 0 : i32
      %dma_wait3A_80 = arith.constant 0 : i32
      %dma_wait3A_81 = arith.constant 0 : i32
      %dma_wait3A_82 = arith.constant 0 : i32
      %dma_wait3A_83 = tpu.memref_slice %arg9[%dma_wait3A_80, %dma_wait3A_81, %dma_wait3A_82] : memref<2x256x64xbf16, #tpu.memory_space<vmem>> -> memref<1x256x64xbf16, #tpu.memory_space<vmem>>
      %dma_wait3A_84 = tpu.memref_squeeze %dma_wait3A_83 : memref<1x256x64xbf16, #tpu.memory_space<vmem>> -> memref<256x64xbf16, #tpu.memory_space<vmem>>
      %dma_wait3A_85 = arith.constant 0 : i32
      %dma_wait3A_86 = tpu.memref_slice %arg7[%rem3A_41, %dma_wait3A_79, %dma_wait3A_85] : memref<2x2x256xi32, #tpu.memory_space<vmem>> -> memref<1x1x256xi32, #tpu.memory_space<vmem>>
      %dma_wait3A_87 = tpu.memref_squeeze %dma_wait3A_86 : memref<1x1x256xi32, #tpu.memory_space<vmem>> -> memref<256xi32, #tpu.memory_space<vmem>>
      %dma_wait3A_88 = arith.constant 0 : i32
      %dma_wait3A_89 = arith.constant 0 : i32
      %dma_wait3A_90 = tpu.memref_slice %arg2[%dma_wait3A_88, %dma_wait3A_89] : memref<50176x64xbf16, #tpu.memory_space<hbm>> -> memref<50176x64xbf16, #tpu.memory_space<hbm>>
      tpu.wait_indirect_dma semaphore(%arg11 : memref<!tpu.dma_semaphore, #tpu.memory_space<semaphore_mem>>) src(%dma_wait3A_90 : memref<50176x64xbf16, #tpu.memory_space<hbm>>) dst(%dma_wait3A_84 : memref<256x64xbf16, #tpu.memory_space<vmem>>)
      %dma_start3A_91 = arith.constant 0 : i32
      %dma_start3A_92 = arith.constant 0 : i32
      %dma_start3A_93 = arith.constant 0 : i32
      %dma_start3A_94 = arith.constant 0 : i32
      %dma_start3A_95 = tpu.memref_slice %arg9[%dma_start3A_91, %dma_start3A_93, %dma_start3A_94] : memref<2x256x64xbf16, #tpu.memory_space<vmem>> -> memref<1x256x64xbf16, #tpu.memory_space<vmem>>
      %dma_start3A_96 = tpu.memref_squeeze %dma_start3A_95 : memref<1x256x64xbf16, #tpu.memory_space<vmem>> -> memref<256x64xbf16, #tpu.memory_space<vmem>>
      %dma_start3A_97 = arith.constant 0 : i32
      %dma_start3A_98 = tpu.memref_slice %arg8[%rem3A_41, %dma_start3A_92, %dma_start3A_97] : memref<2x2x256xi32, #tpu.memory_space<vmem>> -> memref<1x1x256xi32, #tpu.memory_space<vmem>>
      %dma_start3A_99 = tpu.memref_squeeze %dma_start3A_98 : memref<1x1x256xi32, #tpu.memory_space<vmem>> -> memref<256xi32, #tpu.memory_space<vmem>>
      %dma_start3A_100 = arith.constant 0 : i32
      %dma_start3A_101 = arith.constant 0 : i32
      %dma_start3A_102 = tpu.memref_slice %arg10[%dma_start3A_100, %dma_start3A_101] : memref<50176x64xbf16, #tpu.memory_space<vmem_shared>> -> memref<50176x64xbf16, #tpu.memory_space<vmem_shared>>
      tpu.enqueue_indirect_dma source(%dma_start3A_96 : memref<256x64xbf16, #tpu.memory_space<vmem>>) target(%dma_start3A_102 : memref<50176x64xbf16, #tpu.memory_space<vmem_shared>>) offsets(%dma_start3A_99 : memref<256xi32, #tpu.memory_space<vmem>>) semaphore(%arg13 : memref<!tpu.dma_semaphore, #tpu.memory_space<semaphore_mem>>) {add = true}
      %dma_wait3A_103 = arith.constant 1 : i32
      %dma_wait3A_104 = arith.constant 1 : i32
      %dma_wait3A_105 = arith.constant 0 : i32
      %dma_wait3A_106 = arith.constant 0 : i32
      %dma_wait3A_107 = tpu.memref_slice %arg9[%dma_wait3A_104, %dma_wait3A_105, %dma_wait3A_106] : memref<2x256x64xbf16, #tpu.memory_space<vmem>> -> memref<1x256x64xbf16, #tpu.memory_space<vmem>>
      %dma_wait3A_108 = tpu.memref_squeeze %dma_wait3A_107 : memref<1x256x64xbf16, #tpu.memory_space<vmem>> -> memref<256x64xbf16, #tpu.memory_space<vmem>>
      %dma_wait3A_109 = arith.constant 0 : i32
      %dma_wait3A_110 = tpu.memref_slice %arg7[%rem3A_41, %dma_wait3A_103, %dma_wait3A_109] : memref<2x2x256xi32, #tpu.memory_space<vmem>> -> memref<1x1x256xi32, #tpu.memory_space<vmem>>
      %dma_wait3A_111 = tpu.memref_squeeze %dma_wait3A_110 : memref<1x1x256xi32, #tpu.memory_space<vmem>> -> memref<256xi32, #tpu.memory_space<vmem>>
      %dma_wait3A_112 = arith.constant 0 : i32
      %dma_wait3A_113 = arith.constant 0 : i32
      %dma_wait3A_114 = tpu.memref_slice %arg2[%dma_wait3A_112, %dma_wait3A_113] : memref<50176x64xbf16, #tpu.memory_space<hbm>> -> memref<50176x64xbf16, #tpu.memory_space<hbm>>
      tpu.wait_indirect_dma semaphore(%arg12 : memref<!tpu.dma_semaphore, #tpu.memory_space<semaphore_mem>>) src(%dma_wait3A_114 : memref<50176x64xbf16, #tpu.memory_space<hbm>>) dst(%dma_wait3A_108 : memref<256x64xbf16, #tpu.memory_space<vmem>>)
      %dma_start3A_115 = arith.constant 1 : i32
      %dma_start3A_116 = arith.constant 1 : i32
      %dma_start3A_117 = arith.constant 0 : i32
      %dma_start3A_118 = arith.constant 0 : i32
      %dma_start3A_119 = tpu.memref_slice %arg9[%dma_start3A_115, %dma_start3A_117, %dma_start3A_118] : memref<2x256x64xbf16, #tpu.memory_space<vmem>> -> memref<1x256x64xbf16, #tpu.memory_space<vmem>>
      %dma_start3A_120 = tpu.memref_squeeze %dma_start3A_119 : memref<1x256x64xbf16, #tpu.memory_space<vmem>> -> memref<256x64xbf16, #tpu.memory_space<vmem>>
      %dma_start3A_121 = arith.constant 0 : i32
      %dma_start3A_122 = tpu.memref_slice %arg8[%rem3A_41, %dma_start3A_116, %dma_start3A_121] : memref<2x2x256xi32, #tpu.memory_space<vmem>> -> memref<1x1x256xi32, #tpu.memory_space<vmem>>
      %dma_start3A_123 = tpu.memref_squeeze %dma_start3A_122 : memref<1x1x256xi32, #tpu.memory_space<vmem>> -> memref<256xi32, #tpu.memory_space<vmem>>
      %dma_start3A_124 = arith.constant 0 : i32
      %dma_start3A_125 = arith.constant 0 : i32
      %dma_start3A_126 = tpu.memref_slice %arg10[%dma_start3A_124, %dma_start3A_125] : memref<50176x64xbf16, #tpu.memory_space<vmem_shared>> -> memref<50176x64xbf16, #tpu.memory_space<vmem_shared>>
      tpu.enqueue_indirect_dma source(%dma_start3A_120 : memref<256x64xbf16, #tpu.memory_space<vmem>>) target(%dma_start3A_126 : memref<50176x64xbf16, #tpu.memory_space<vmem_shared>>) offsets(%dma_start3A_123 : memref<256xi32, #tpu.memory_space<vmem>>) semaphore(%arg14 : memref<!tpu.dma_semaphore, #tpu.memory_space<semaphore_mem>>) {add = true}
      %add3A_127 = arith.constant 1 : i32
      %add3A_128 = arith.addi %scan3A_39, %add3A_127 : i32
      %lt3A_129 = arith.constant 50 : i32
      %lt3A_130 = arith.cmpi slt, %add3A_128, %lt3A_129 : i32
      %convert_element_type3A_131 = arith.extui %lt3A_130 : i1 to i32
      %cond3A_132 = arith.constant 0 : i32
      %cond3A_133 = arith.cmpi ne, %convert_element_type3A_131, %cond3A_132 : i32
      scf.if %cond3A_133 {
        %add3A_134 = arith.constant 1 : i32
        %add3A_135 = arith.addi %scan3A_39, %add3A_134 : i32
        %mul3A_136 = arith.constant 2 : i32
        %mul3A_137 = arith.muli %add3A_135, %mul3A_136 : i32
        %dma_wait3A_138 = arith.constant 0 : i32
        %dma_wait3A_139 = arith.constant 0 : i32
        %dma_wait3A_140 = tpu.memref_slice %arg7[%sub3A_42, %dma_wait3A_138, %dma_wait3A_139] : memref<2x2x256xi32, #tpu.memory_space<vmem>> -> memref<1x2x256xi32, #tpu.memory_space<vmem>>
        %dma_wait3A_141 = tpu.memref_squeeze %dma_wait3A_140 : memref<1x2x256xi32, #tpu.memory_space<vmem>> -> memref<2x256xi32, #tpu.memory_space<vmem>>
        %dma_wait3A_142 = arith.constant 0 : i32
        %dma_wait3A_143 = tpu.memref_slice %arg3[%add3A, %mul3A_137, %dma_wait3A_142] : memref<32x100x256xi32, #tpu.memory_space<hbm>> -> memref<1x2x256xi32, #tpu.memory_space<hbm>>
        %dma_wait3A_144 = tpu.memref_squeeze %dma_wait3A_143 : memref<1x2x256xi32, #tpu.memory_space<hbm>> -> memref<2x256xi32, #tpu.memory_space<hbm>>
        %dma_wait3A_145 = arith.constant 0 : i32
        %dma_wait3A_146 = arith.constant 0 : i32
        %dma_wait3A_147 = tpu.memref_slice %arg7[%sub3A_42, %dma_wait3A_145, %dma_wait3A_146] : memref<2x2x256xi32, #tpu.memory_space<vmem>> -> memref<1x2x256xi32, #tpu.memory_space<vmem>>
        %dma_wait3A_148 = tpu.memref_squeeze %dma_wait3A_147 : memref<1x2x256xi32, #tpu.memory_space<vmem>> -> memref<2x256xi32, #tpu.memory_space<vmem>>
        %dma_wait3A_149 = arith.constant 0 : i32
        %dma_wait3A_150 = tpu.memref_slice %arg3[%add3A, %mul3A_137, %dma_wait3A_149] : memref<32x100x256xi32, #tpu.memory_space<hbm>> -> memref<1x2x256xi32, #tpu.memory_space<hbm>>
        %dma_wait3A_151 = tpu.memref_squeeze %dma_wait3A_150 : memref<1x2x256xi32, #tpu.memory_space<hbm>> -> memref<2x256xi32, #tpu.memory_space<hbm>>
        tpu.wait_dma2 semaphore(%arg15 : memref<!tpu.dma_semaphore, #tpu.memory_space<semaphore_mem>>) src(%dma_wait3A_151 : memref<2x256xi32, #tpu.memory_space<hbm>>) dst(%dma_wait3A_148 : memref<2x256xi32, #tpu.memory_space<vmem>>)
        %dma_wait3A_152 = arith.constant 0 : i32
        %dma_wait3A_153 = arith.constant 0 : i32
        %dma_wait3A_154 = tpu.memref_slice %arg8[%sub3A_42, %dma_wait3A_152, %dma_wait3A_153] : memref<2x2x256xi32, #tpu.memory_space<vmem>> -> memref<1x2x256xi32, #tpu.memory_space<vmem>>
        %dma_wait3A_155 = tpu.memref_squeeze %dma_wait3A_154 : memref<1x2x256xi32, #tpu.memory_space<vmem>> -> memref<2x256xi32, #tpu.memory_space<vmem>>
        %dma_wait3A_156 = arith.constant 0 : i32
        %dma_wait3A_157 = tpu.memref_slice %arg4[%add3A, %mul3A_137, %dma_wait3A_156] : memref<32x100x256xi32, #tpu.memory_space<hbm>> -> memref<1x2x256xi32, #tpu.memory_space<hbm>>
        %dma_wait3A_158 = tpu.memref_squeeze %dma_wait3A_157 : memref<1x2x256xi32, #tpu.memory_space<hbm>> -> memref<2x256xi32, #tpu.memory_space<hbm>>
        %dma_wait3A_159 = arith.constant 0 : i32
        %dma_wait3A_160 = arith.constant 0 : i32
        %dma_wait3A_161 = tpu.memref_slice %arg8[%sub3A_42, %dma_wait3A_159, %dma_wait3A_160] : memref<2x2x256xi32, #tpu.memory_space<vmem>> -> memref<1x2x256xi32, #tpu.memory_space<vmem>>
        %dma_wait3A_162 = tpu.memref_squeeze %dma_wait3A_161 : memref<1x2x256xi32, #tpu.memory_space<vmem>> -> memref<2x256xi32, #tpu.memory_space<vmem>>
        %dma_wait3A_163 = arith.constant 0 : i32
        %dma_wait3A_164 = tpu.memref_slice %arg4[%add3A, %mul3A_137, %dma_wait3A_163] : memref<32x100x256xi32, #tpu.memory_space<hbm>> -> memref<1x2x256xi32, #tpu.memory_space<hbm>>
        %dma_wait3A_165 = tpu.memref_squeeze %dma_wait3A_164 : memref<1x2x256xi32, #tpu.memory_space<hbm>> -> memref<2x256xi32, #tpu.memory_space<hbm>>
        tpu.wait_dma2 semaphore(%arg16 : memref<!tpu.dma_semaphore, #tpu.memory_space<semaphore_mem>>) src(%dma_wait3A_165 : memref<2x256xi32, #tpu.memory_space<hbm>>) dst(%dma_wait3A_162 : memref<2x256xi32, #tpu.memory_space<vmem>>)
      } else {
      }
    }
    %scan3A_8 = arith.constant 50 : i32
    %rem3A = arith.constant 49 : i32
    %rem3A_9 = arith.constant 2 : i32
    %rem3A_10 = arith.remsi %rem3A, %rem3A_9 : i32
    %dma_wait3A = arith.constant 0 : i32
    %dma_wait3A_11 = arith.constant 0 : i32
    %dma_wait3A_12 = arith.constant 0 : i32
    %dma_wait3A_13 = arith.constant 0 : i32
    %dma_wait3A_14 = tpu.memref_slice %arg9[%dma_wait3A, %dma_wait3A_12, %dma_wait3A_13] : memref<2x256x64xbf16, #tpu.memory_space<vmem>> -> memref<1x256x64xbf16, #tpu.memory_space<vmem>>
    %dma_wait3A_15 = tpu.memref_squeeze %dma_wait3A_14 : memref<1x256x64xbf16, #tpu.memory_space<vmem>> -> memref<256x64xbf16, #tpu.memory_space<vmem>>
    %dma_wait3A_16 = arith.constant 0 : i32
    %dma_wait3A_17 = tpu.memref_slice %arg8[%rem3A_10, %dma_wait3A_11, %dma_wait3A_16] : memref<2x2x256xi32, #tpu.memory_space<vmem>> -> memref<1x1x256xi32, #tpu.memory_space<vmem>>
    %dma_wait3A_18 = tpu.memref_squeeze %dma_wait3A_17 : memref<1x1x256xi32, #tpu.memory_space<vmem>> -> memref<256xi32, #tpu.memory_space<vmem>>
    %dma_wait3A_19 = arith.constant 0 : i32
    %dma_wait3A_20 = arith.constant 0 : i32
    %dma_wait3A_21 = tpu.memref_slice %arg10[%dma_wait3A_19, %dma_wait3A_20] : memref<50176x64xbf16, #tpu.memory_space<vmem_shared>> -> memref<50176x64xbf16, #tpu.memory_space<vmem_shared>>
    tpu.wait_indirect_dma semaphore(%arg13 : memref<!tpu.dma_semaphore, #tpu.memory_space<semaphore_mem>>) src(%dma_wait3A_15 : memref<256x64xbf16, #tpu.memory_space<vmem>>) dst(%dma_wait3A_21 : memref<50176x64xbf16, #tpu.memory_space<vmem_shared>>)
    %dma_wait3A_22 = arith.constant 1 : i32
    %dma_wait3A_23 = arith.constant 1 : i32
    %dma_wait3A_24 = arith.constant 0 : i32
    %dma_wait3A_25 = arith.constant 0 : i32
    %dma_wait3A_26 = tpu.memref_slice %arg9[%dma_wait3A_22, %dma_wait3A_24, %dma_wait3A_25] : memref<2x256x64xbf16, #tpu.memory_space<vmem>> -> memref<1x256x64xbf16, #tpu.memory_space<vmem>>
    %dma_wait3A_27 = tpu.memref_squeeze %dma_wait3A_26 : memref<1x256x64xbf16, #tpu.memory_space<vmem>> -> memref<256x64xbf16, #tpu.memory_space<vmem>>
    %dma_wait3A_28 = arith.constant 0 : i32
    %dma_wait3A_29 = tpu.memref_slice %arg8[%rem3A_10, %dma_wait3A_23, %dma_wait3A_28] : memref<2x2x256xi32, #tpu.memory_space<vmem>> -> memref<1x1x256xi32, #tpu.memory_space<vmem>>
    %dma_wait3A_30 = tpu.memref_squeeze %dma_wait3A_29 : memref<1x1x256xi32, #tpu.memory_space<vmem>> -> memref<256xi32, #tpu.memory_space<vmem>>
    %dma_wait3A_31 = arith.constant 0 : i32
    %dma_wait3A_32 = arith.constant 0 : i32
    %dma_wait3A_33 = tpu.memref_slice %arg10[%dma_wait3A_31, %dma_wait3A_32] : memref<50176x64xbf16, #tpu.memory_space<vmem_shared>> -> memref<50176x64xbf16, #tpu.memory_space<vmem_shared>>
    tpu.wait_indirect_dma semaphore(%arg14 : memref<!tpu.dma_semaphore, #tpu.memory_space<semaphore_mem>>) src(%dma_wait3A_27 : memref<256x64xbf16, #tpu.memory_space<vmem>>) dst(%dma_wait3A_33 : memref<50176x64xbf16, #tpu.memory_space<vmem_shared>>)
    %barrier3A_34 = arith.constant 0 : index
    tpu.barrier barrier_id(%barrier3A_34)
    %mul3A_35 = arith.constant 3136 : i32
    %mul3A_36 = arith.muli %arg1, %mul3A_35 : i32
    %mul3A_37 = arith.constant 3136 : i32
    %mul3A_38 = arith.muli %arg1, %mul3A_37 : i32
    "tpu.region"() ({
      %run_scoped3A_39 = tpu.sem_alloc : memref<!tpu.dma_semaphore, #tpu.memory_space<semaphore_mem>>
      %dma_start3A = arith.constant 0 : i32
      %dma_start3A_40 = tpu.memref_slice %arg6[%arg0, %mul3A_38, %dma_start3A] : memref<2x50176x64xbf16, #tpu.memory_space<hbm>> -> memref<1x3136x64xbf16, #tpu.memory_space<hbm>>
      %dma_start3A_41 = tpu.memref_squeeze %dma_start3A_40 : memref<1x3136x64xbf16, #tpu.memory_space<hbm>> -> memref<3136x64xbf16, #tpu.memory_space<hbm>>
      %dma_start3A_42 = arith.constant 0 : i32
      %dma_start3A_43 = tpu.memref_slice %arg10[%mul3A_36, %dma_start3A_42] : memref<50176x64xbf16, #tpu.memory_space<vmem_shared>> -> memref<3136x64xbf16, #tpu.memory_space<vmem_shared>>
      tpu.enqueue_dma source(%dma_start3A_43 : memref<3136x64xbf16, #tpu.memory_space<vmem_shared>>) target(%dma_start3A_41 : memref<3136x64xbf16, #tpu.memory_space<hbm>>) target_semaphore(%run_scoped3A_39 : memref<!tpu.dma_semaphore, #tpu.memory_space<semaphore_mem>>)
      %dma_wait3A_44 = arith.constant 0 : i32
      %dma_wait3A_45 = tpu.memref_slice %arg6[%arg0, %mul3A_38, %dma_wait3A_44] : memref<2x50176x64xbf16, #tpu.memory_space<hbm>> -> memref<1x3136x64xbf16, #tpu.memory_space<hbm>>
      %dma_wait3A_46 = tpu.memref_squeeze %dma_wait3A_45 : memref<1x3136x64xbf16, #tpu.memory_space<hbm>> -> memref<3136x64xbf16, #tpu.memory_space<hbm>>
      %dma_wait3A_47 = arith.constant 0 : i32
      %dma_wait3A_48 = tpu.memref_slice %arg10[%mul3A_36, %dma_wait3A_47] : memref<50176x64xbf16, #tpu.memory_space<vmem_shared>> -> memref<3136x64xbf16, #tpu.memory_space<vmem_shared>>
      tpu.wait_dma2 semaphore(%run_scoped3A_39 : memref<!tpu.dma_semaphore, #tpu.memory_space<semaphore_mem>>) src(%dma_wait3A_48 : memref<3136x64xbf16, #tpu.memory_space<vmem_shared>>) dst(%dma_wait3A_46 : memref<3136x64xbf16, #tpu.memory_space<hbm>>)
      tpu.yield
    }) : () -> ()
    return
  }
}

#map = affine_map<(d0, d1) -> (0, 0)>
#map1 = affine_map<(d0, d1) -> (0, 0, 0)>
module attributes {stable_mosaic.version = 14 : i64} {
  func.func @agg(%arg0: i32, %arg1: i32, %arg2: memref<50176x64xbf16, #tpu.memory_space<hbm>>, %arg3: memref<32x100x256xi32, #tpu.memory_space<hbm>>, %arg4: memref<32x100x256xi32, #tpu.memory_space<hbm>>, %arg5: memref<3136x64xbf16, #tpu.memory_space<hbm>>, %arg6: memref<2x50176x64xbf16, #tpu.memory_space<hbm>>, %arg7: memref<2x2x256xi32, #tpu.memory_space<vmem>>, %arg8: memref<2x2x256xi32, #tpu.memory_space<vmem>>, %arg9: memref<2x256x64xbf16, #tpu.memory_space<vmem>>, %arg10: memref<50176x64xbf16, #tpu.memory_space<vmem_shared>>, %arg11: memref<!tpu.dma_semaphore, #tpu.memory_space<semaphore_mem>>, %arg12: memref<!tpu.dma_semaphore, #tpu.memory_space<semaphore_mem>>, %arg13: memref<!tpu.dma_semaphore, #tpu.memory_space<semaphore_mem>>, %arg14: memref<!tpu.dma_semaphore, #tpu.memory_space<semaphore_mem>>, %arg15: memref<!tpu.dma_semaphore, #tpu.memory_space<semaphore_mem>>, %arg16: memref<!tpu.dma_semaphore, #tpu.memory_space<semaphore_mem>>) attributes {dimension_semantics = [#tpu.dimension_semantics<core_parallel>, #tpu.dimension_semantics<subcore_parallel>], iteration_bounds = array<i64: 2, 16>, scalar_prefetch = 0 : i64, scratch_operands = 10 : i64, tpu.core_type = #tpu.core_type<sc_vector_subcore>, window_params = [{transform_indices = #map}, {transform_indices = #map1}, {transform_indices = #map1}, {transform_indices = #map}, {transform_indices = #map1}]} {
    %mul3A = arith.constant 16 : i32
    %mul3A_0 = arith.muli %arg0, %mul3A : i32
    %add3A = arith.addi %mul3A_0, %arg1 : i32
    %mul3A_1 = arith.constant 3136 : i32
    %mul3A_2 = arith.muli %arg1, %mul3A_1 : i32
    "tpu.region"() ({
      %run_scoped3A_39 = tpu.sem_alloc : memref<!tpu.dma_semaphore, #tpu.memory_space<semaphore_mem>>
      %dma_start3A = arith.constant 0 : i32
      %dma_start3A_40 = tpu.memref_slice %arg10[%mul3A_2, %dma_start3A] : memref<50176x64xbf16, #tpu.memory_space<vmem_shared>> -> memref<3136x64xbf16, #tpu.memory_space<vmem_shared>>
      tpu.enqueue_dma source(%arg5 : memref<3136x64xbf16, #tpu.memory_space<hbm>>) target(%dma_start3A_40 : memref<3136x64xbf16, #tpu.memory_space<vmem_shared>>) target_semaphore(%run_scoped3A_39 : memref<!tpu.dma_semaphore, #tpu.memory_space<semaphore_mem>>)
      %dma_wait3A_41 = arith.constant 0 : i32
      %dma_wait3A_42 = tpu.memref_slice %arg10[%mul3A_2, %dma_wait3A_41] : memref<50176x64xbf16, #tpu.memory_space<vmem_shared>> -> memref<3136x64xbf16, #tpu.memory_space<vmem_shared>>
      tpu.wait_dma2 semaphore(%run_scoped3A_39 : memref<!tpu.dma_semaphore, #tpu.memory_space<semaphore_mem>>) src(%arg5 : memref<3136x64xbf16, #tpu.memory_space<hbm>>) dst(%dma_wait3A_42 : memref<3136x64xbf16, #tpu.memory_space<vmem_shared>>)
      tpu.yield
    }) : () -> ()
    %run_scoped3A = arith.constant 0 : i32
    "tpu.region"() ({
      %run_scoped3A_39 = tpu.sem_alloc : memref<!tpu.dma_semaphore, #tpu.memory_space<semaphore_mem>>
      %dma_start3A = arith.constant 0 : i32
      %dma_start3A_40 = arith.constant 0 : i32
      %dma_start3A_41 = tpu.memref_slice %arg7[%run_scoped3A, %dma_start3A, %dma_start3A_40] : memref<2x2x256xi32, #tpu.memory_space<vmem>> -> memref<1x2x256xi32, #tpu.memory_space<vmem>>
      %dma_start3A_42 = tpu.memref_squeeze %dma_start3A_41 : memref<1x2x256xi32, #tpu.memory_space<vmem>> -> memref<2x256xi32, #tpu.memory_space<vmem>>
      %dma_start3A_43 = arith.constant 0 : i32
      %dma_start3A_44 = arith.constant 0 : i32
      %dma_start3A_45 = tpu.memref_slice %arg3[%add3A, %dma_start3A_43, %dma_start3A_44] : memref<32x100x256xi32, #tpu.memory_space<hbm>> -> memref<1x2x256xi32, #tpu.memory_space<hbm>>
      %dma_start3A_46 = tpu.memref_squeeze %dma_start3A_45 : memref<1x2x256xi32, #tpu.memory_space<hbm>> -> memref<2x256xi32, #tpu.memory_space<hbm>>
      %dma_start3A_47 = arith.constant 0 : i32
      %dma_start3A_48 = arith.constant 0 : i32
      %dma_start3A_49 = tpu.memref_slice %arg7[%run_scoped3A, %dma_start3A_47, %dma_start3A_48] : memref<2x2x256xi32, #tpu.memory_space<vmem>> -> memref<1x2x256xi32, #tpu.memory_space<vmem>>
      %dma_start3A_50 = tpu.memref_squeeze %dma_start3A_49 : memref<1x2x256xi32, #tpu.memory_space<vmem>> -> memref<2x256xi32, #tpu.memory_space<vmem>>
      %dma_start3A_51 = arith.constant 0 : i32
      %dma_start3A_52 = arith.constant 0 : i32
      %dma_start3A_53 = tpu.memref_slice %arg3[%add3A, %dma_start3A_51, %dma_start3A_52] : memref<32x100x256xi32, #tpu.memory_space<hbm>> -> memref<1x2x256xi32, #tpu.memory_space<hbm>>
      %dma_start3A_54 = tpu.memref_squeeze %dma_start3A_53 : memref<1x2x256xi32, #tpu.memory_space<hbm>> -> memref<2x256xi32, #tpu.memory_space<hbm>>
      tpu.enqueue_dma source(%dma_start3A_54 : memref<2x256xi32, #tpu.memory_space<hbm>>) target(%dma_start3A_50 : memref<2x256xi32, #tpu.memory_space<vmem>>) target_semaphore(%run_scoped3A_39 : memref<!tpu.dma_semaphore, #tpu.memory_space<semaphore_mem>>)
      %dma_wait3A_55 = arith.constant 0 : i32
      %dma_wait3A_56 = arith.constant 0 : i32
      %dma_wait3A_57 = tpu.memref_slice %arg7[%run_scoped3A, %dma_wait3A_55, %dma_wait3A_56] : memref<2x2x256xi32, #tpu.memory_space<vmem>> -> memref<1x2x256xi32, #tpu.memory_space<vmem>>
      %dma_wait3A_58 = tpu.memref_squeeze %dma_wait3A_57 : memref<1x2x256xi32, #tpu.memory_space<vmem>> -> memref<2x256xi32, #tpu.memory_space<vmem>>
      %dma_wait3A_59 = arith.constant 0 : i32
      %dma_wait3A_60 = arith.constant 0 : i32
      %dma_wait3A_61 = tpu.memref_slice %arg3[%add3A, %dma_wait3A_59, %dma_wait3A_60] : memref<32x100x256xi32, #tpu.memory_space<hbm>> -> memref<1x2x256xi32, #tpu.memory_space<hbm>>
      %dma_wait3A_62 = tpu.memref_squeeze %dma_wait3A_61 : memref<1x2x256xi32, #tpu.memory_space<hbm>> -> memref<2x256xi32, #tpu.memory_space<hbm>>
      %dma_wait3A_63 = arith.constant 0 : i32
      %dma_wait3A_64 = arith.constant 0 : i32
      %dma_wait3A_65 = tpu.memref_slice %arg7[%run_scoped3A, %dma_wait3A_63, %dma_wait3A_64] : memref<2x2x256xi32, #tpu.memory_space<vmem>> -> memref<1x2x256xi32, #tpu.memory_space<vmem>>
      %dma_wait3A_66 = tpu.memref_squeeze %dma_wait3A_65 : memref<1x2x256xi32, #tpu.memory_space<vmem>> -> memref<2x256xi32, #tpu.memory_space<vmem>>
      %dma_wait3A_67 = arith.constant 0 : i32
      %dma_wait3A_68 = arith.constant 0 : i32
      %dma_wait3A_69 = tpu.memref_slice %arg3[%add3A, %dma_wait3A_67, %dma_wait3A_68] : memref<32x100x256xi32, #tpu.memory_space<hbm>> -> memref<1x2x256xi32, #tpu.memory_space<hbm>>
      %dma_wait3A_70 = tpu.memref_squeeze %dma_wait3A_69 : memref<1x2x256xi32, #tpu.memory_space<hbm>> -> memref<2x256xi32, #tpu.memory_space<hbm>>
      tpu.wait_dma2 semaphore(%run_scoped3A_39 : memref<!tpu.dma_semaphore, #tpu.memory_space<semaphore_mem>>) src(%dma_wait3A_70 : memref<2x256xi32, #tpu.memory_space<hbm>>) dst(%dma_wait3A_66 : memref<2x256xi32, #tpu.memory_space<vmem>>)
      tpu.yield
    }) : () -> ()
    %run_scoped3A_3 = arith.constant 0 : i32
    "tpu.region"() ({
      %run_scoped3A_39 = tpu.sem_alloc : memref<!tpu.dma_semaphore, #tpu.memory_space<semaphore_mem>>
      %dma_start3A = arith.constant 0 : i32
      %dma_start3A_40 = arith.constant 0 : i32
      %dma_start3A_41 = tpu.memref_slice %arg8[%run_scoped3A_3, %dma_start3A, %dma_start3A_40] : memref<2x2x256xi32, #tpu.memory_space<vmem>> -> memref<1x2x256xi32, #tpu.memory_space<vmem>>
      %dma_start3A_42 = tpu.memref_squeeze %dma_start3A_41 : memref<1x2x256xi32, #tpu.memory_space<vmem>> -> memref<2x256xi32, #tpu.memory_space<vmem>>
      %dma_start3A_43 = arith.constant 0 : i32
      %dma_start3A_44 = arith.constant 0 : i32
      %dma_start3A_45 = tpu.memref_slice %arg4[%add3A, %dma_start3A_43, %dma_start3A_44] : memref<32x100x256xi32, #tpu.memory_space<hbm>> -> memref<1x2x256xi32, #tpu.memory_space<hbm>>
      %dma_start3A_46 = tpu.memref_squeeze %dma_start3A_45 : memref<1x2x256xi32, #tpu.memory_space<hbm>> -> memref<2x256xi32, #tpu.memory_space<hbm>>
      %dma_start3A_47 = arith.constant 0 : i32
      %dma_start3A_48 = arith.constant 0 : i32
      %dma_start3A_49 = tpu.memref_slice %arg8[%run_scoped3A_3, %dma_start3A_47, %dma_start3A_48] : memref<2x2x256xi32, #tpu.memory_space<vmem>> -> memref<1x2x256xi32, #tpu.memory_space<vmem>>
      %dma_start3A_50 = tpu.memref_squeeze %dma_start3A_49 : memref<1x2x256xi32, #tpu.memory_space<vmem>> -> memref<2x256xi32, #tpu.memory_space<vmem>>
      %dma_start3A_51 = arith.constant 0 : i32
      %dma_start3A_52 = arith.constant 0 : i32
      %dma_start3A_53 = tpu.memref_slice %arg4[%add3A, %dma_start3A_51, %dma_start3A_52] : memref<32x100x256xi32, #tpu.memory_space<hbm>> -> memref<1x2x256xi32, #tpu.memory_space<hbm>>
      %dma_start3A_54 = tpu.memref_squeeze %dma_start3A_53 : memref<1x2x256xi32, #tpu.memory_space<hbm>> -> memref<2x256xi32, #tpu.memory_space<hbm>>
      tpu.enqueue_dma source(%dma_start3A_54 : memref<2x256xi32, #tpu.memory_space<hbm>>) target(%dma_start3A_50 : memref<2x256xi32, #tpu.memory_space<vmem>>) target_semaphore(%run_scoped3A_39 : memref<!tpu.dma_semaphore, #tpu.memory_space<semaphore_mem>>)
      %dma_wait3A_55 = arith.constant 0 : i32
      %dma_wait3A_56 = arith.constant 0 : i32
      %dma_wait3A_57 = tpu.memref_slice %arg8[%run_scoped3A_3, %dma_wait3A_55, %dma_wait3A_56] : memref<2x2x256xi32, #tpu.memory_space<vmem>> -> memref<1x2x256xi32, #tpu.memory_space<vmem>>
      %dma_wait3A_58 = tpu.memref_squeeze %dma_wait3A_57 : memref<1x2x256xi32, #tpu.memory_space<vmem>> -> memref<2x256xi32, #tpu.memory_space<vmem>>
      %dma_wait3A_59 = arith.constant 0 : i32
      %dma_wait3A_60 = arith.constant 0 : i32
      %dma_wait3A_61 = tpu.memref_slice %arg4[%add3A, %dma_wait3A_59, %dma_wait3A_60] : memref<32x100x256xi32, #tpu.memory_space<hbm>> -> memref<1x2x256xi32, #tpu.memory_space<hbm>>
      %dma_wait3A_62 = tpu.memref_squeeze %dma_wait3A_61 : memref<1x2x256xi32, #tpu.memory_space<hbm>> -> memref<2x256xi32, #tpu.memory_space<hbm>>
      %dma_wait3A_63 = arith.constant 0 : i32
      %dma_wait3A_64 = arith.constant 0 : i32
      %dma_wait3A_65 = tpu.memref_slice %arg8[%run_scoped3A_3, %dma_wait3A_63, %dma_wait3A_64] : memref<2x2x256xi32, #tpu.memory_space<vmem>> -> memref<1x2x256xi32, #tpu.memory_space<vmem>>
      %dma_wait3A_66 = tpu.memref_squeeze %dma_wait3A_65 : memref<1x2x256xi32, #tpu.memory_space<vmem>> -> memref<2x256xi32, #tpu.memory_space<vmem>>
      %dma_wait3A_67 = arith.constant 0 : i32
      %dma_wait3A_68 = arith.constant 0 : i32
      %dma_wait3A_69 = tpu.memref_slice %arg4[%add3A, %dma_wait3A_67, %dma_wait3A_68] : memref<32x100x256xi32, #tpu.memory_space<hbm>> -> memref<1x2x256xi32, #tpu.memory_space<hbm>>
      %dma_wait3A_70 = tpu.memref_squeeze %dma_wait3A_69 : memref<1x2x256xi32, #tpu.memory_space<hbm>> -> memref<2x256xi32, #tpu.memory_space<hbm>>
      tpu.wait_dma2 semaphore(%run_scoped3A_39 : memref<!tpu.dma_semaphore, #tpu.memory_space<semaphore_mem>>) src(%dma_wait3A_70 : memref<2x256xi32, #tpu.memory_space<hbm>>) dst(%dma_wait3A_66 : memref<2x256xi32, #tpu.memory_space<vmem>>)
      tpu.yield
    }) : () -> ()
    %barrier3A = arith.constant 0 : index
    tpu.barrier barrier_id(%barrier3A)
    %scan3A = arith.constant 0 : i32
    %scan3A_4 = arith.constant 0 : i32
    %scan3A_5 = arith.constant 50 : i32
    %scan3A_6 = arith.addi %scan3A_4, %scan3A_5 : i32
    %scan3A_7 = arith.constant 1 : i32
    scf.for %scan3A_39 = %scan3A_4 to %scan3A_6 step %scan3A_7  : i32 {
      %rem3A_40 = arith.constant 2 : i32
      %rem3A_41 = arith.remsi %scan3A_39, %rem3A_40 : i32
      %sub3A = arith.constant 1 : i32
      %sub3A_42 = arith.subi %sub3A, %rem3A_41 : i32
      %gt3A = arith.constant 0 : i32
      %gt3A_43 = arith.cmpi sgt, %scan3A_39, %gt3A : i32
      %convert_element_type3A = arith.extui %gt3A_43 : i1 to i32
      %cond3A = arith.constant 0 : i32
      %cond3A_44 = arith.cmpi ne, %convert_element_type3A, %cond3A : i32
      scf.if %cond3A_44 {
        %dma_wait3A_134 = arith.constant 0 : i32
        %dma_wait3A_135 = arith.constant 0 : i32
        %dma_wait3A_136 = arith.constant 0 : i32
        %dma_wait3A_137 = arith.constant 0 : i32
        %dma_wait3A_138 = tpu.memref_slice %arg9[%dma_wait3A_134, %dma_wait3A_136, %dma_wait3A_137] : memref<2x256x64xbf16, #tpu.memory_space<vmem>> -> memref<1x256x64xbf16, #tpu.memory_space<vmem>>
        %dma_wait3A_139 = tpu.memref_squeeze %dma_wait3A_138 : memref<1x256x64xbf16, #tpu.memory_space<vmem>> -> memref<256x64xbf16, #tpu.memory_space<vmem>>
        %dma_wait3A_140 = arith.constant 0 : i32
        %dma_wait3A_141 = tpu.memref_slice %arg8[%sub3A_42, %dma_wait3A_135, %dma_wait3A_140] : memref<2x2x256xi32, #tpu.memory_space<vmem>> -> memref<1x1x256xi32, #tpu.memory_space<vmem>>
        %dma_wait3A_142 = tpu.memref_squeeze %dma_wait3A_141 : memref<1x1x256xi32, #tpu.memory_space<vmem>> -> memref<256xi32, #tpu.memory_space<vmem>>
        %dma_wait3A_143 = arith.constant 0 : i32
        %dma_wait3A_144 = arith.constant 0 : i32
        %dma_wait3A_145 = tpu.memref_slice %arg10[%dma_wait3A_143, %dma_wait3A_144] : memref<50176x64xbf16, #tpu.memory_space<vmem_shared>> -> memref<50176x64xbf16, #tpu.memory_space<vmem_shared>>
        tpu.wait_indirect_dma semaphore(%arg13 : memref<!tpu.dma_semaphore, #tpu.memory_space<semaphore_mem>>) src(%dma_wait3A_139 : memref<256x64xbf16, #tpu.memory_space<vmem>>) dst(%dma_wait3A_145 : memref<50176x64xbf16, #tpu.memory_space<vmem_shared>>)
      } else {
      }
      %dma_start3A = arith.constant 0 : i32
      %dma_start3A_45 = arith.constant 0 : i32
      %dma_start3A_46 = arith.constant 0 : i32
      %dma_start3A_47 = arith.constant 0 : i32
      %dma_start3A_48 = tpu.memref_slice %arg9[%dma_start3A_45, %dma_start3A_46, %dma_start3A_47] : memref<2x256x64xbf16, #tpu.memory_space<vmem>> -> memref<1x256x64xbf16, #tpu.memory_space<vmem>>
      %dma_start3A_49 = tpu.memref_squeeze %dma_start3A_48 : memref<1x256x64xbf16, #tpu.memory_space<vmem>> -> memref<256x64xbf16, #tpu.memory_space<vmem>>
      %dma_start3A_50 = arith.constant 0 : i32
      %dma_start3A_51 = tpu.memref_slice %arg7[%rem3A_41, %dma_start3A, %dma_start3A_50] : memref<2x2x256xi32, #tpu.memory_space<vmem>> -> memref<1x1x256xi32, #tpu.memory_space<vmem>>
      %dma_start3A_52 = tpu.memref_squeeze %dma_start3A_51 : memref<1x1x256xi32, #tpu.memory_space<vmem>> -> memref<256xi32, #tpu.memory_space<vmem>>
      %dma_start3A_53 = arith.constant 0 : i32
      %dma_start3A_54 = arith.constant 0 : i32
      %dma_start3A_55 = tpu.memref_slice %arg2[%dma_start3A_53, %dma_start3A_54] : memref<50176x64xbf16, #tpu.memory_space<hbm>> -> memref<50176x64xbf16, #tpu.memory_space<hbm>>
      tpu.enqueue_indirect_dma source(%dma_start3A_55 : memref<50176x64xbf16, #tpu.memory_space<hbm>>) target(%dma_start3A_49 : memref<256x64xbf16, #tpu.memory_space<vmem>>) offsets(%dma_start3A_52 : memref<256xi32, #tpu.memory_space<vmem>>) semaphore(%arg11 : memref<!tpu.dma_semaphore, #tpu.memory_space<semaphore_mem>>)
      %gt3A_56 = arith.constant 0 : i32
      %gt3A_57 = arith.cmpi sgt, %scan3A_39, %gt3A_56 : i32
      %convert_element_type3A_58 = arith.extui %gt3A_57 : i1 to i32
      %cond3A_59 = arith.constant 0 : i32
      %cond3A_60 = arith.cmpi ne, %convert_element_type3A_58, %cond3A_59 : i32
      scf.if %cond3A_60 {
        %dma_wait3A_134 = arith.constant 1 : i32
        %dma_wait3A_135 = arith.constant 1 : i32
        %dma_wait3A_136 = arith.constant 0 : i32
        %dma_wait3A_137 = arith.constant 0 : i32
        %dma_wait3A_138 = tpu.memref_slice %arg9[%dma_wait3A_134, %dma_wait3A_136, %dma_wait3A_137] : memref<2x256x64xbf16, #tpu.memory_space<vmem>> -> memref<1x256x64xbf16, #tpu.memory_space<vmem>>
        %dma_wait3A_139 = tpu.memref_squeeze %dma_wait3A_138 : memref<1x256x64xbf16, #tpu.memory_space<vmem>> -> memref<256x64xbf16, #tpu.memory_space<vmem>>
        %dma_wait3A_140 = arith.constant 0 : i32
        %dma_wait3A_141 = tpu.memref_slice %arg8[%sub3A_42, %dma_wait3A_135, %dma_wait3A_140] : memref<2x2x256xi32, #tpu.memory_space<vmem>> -> memref<1x1x256xi32, #tpu.memory_space<vmem>>
        %dma_wait3A_142 = tpu.memref_squeeze %dma_wait3A_141 : memref<1x1x256xi32, #tpu.memory_space<vmem>> -> memref<256xi32, #tpu.memory_space<vmem>>
        %dma_wait3A_143 = arith.constant 0 : i32
        %dma_wait3A_144 = arith.constant 0 : i32
        %dma_wait3A_145 = tpu.memref_slice %arg10[%dma_wait3A_143, %dma_wait3A_144] : memref<50176x64xbf16, #tpu.memory_space<vmem_shared>> -> memref<50176x64xbf16, #tpu.memory_space<vmem_shared>>
        tpu.wait_indirect_dma semaphore(%arg14 : memref<!tpu.dma_semaphore, #tpu.memory_space<semaphore_mem>>) src(%dma_wait3A_139 : memref<256x64xbf16, #tpu.memory_space<vmem>>) dst(%dma_wait3A_145 : memref<50176x64xbf16, #tpu.memory_space<vmem_shared>>)
      } else {
      }
      %dma_start3A_61 = arith.constant 1 : i32
      %dma_start3A_62 = arith.constant 1 : i32
      %dma_start3A_63 = arith.constant 0 : i32
      %dma_start3A_64 = arith.constant 0 : i32
      %dma_start3A_65 = tpu.memref_slice %arg9[%dma_start3A_62, %dma_start3A_63, %dma_start3A_64] : memref<2x256x64xbf16, #tpu.memory_space<vmem>> -> memref<1x256x64xbf16, #tpu.memory_space<vmem>>
      %dma_start3A_66 = tpu.memref_squeeze %dma_start3A_65 : memref<1x256x64xbf16, #tpu.memory_space<vmem>> -> memref<256x64xbf16, #tpu.memory_space<vmem>>
      %dma_start3A_67 = arith.constant 0 : i32
      %dma_start3A_68 = tpu.memref_slice %arg7[%rem3A_41, %dma_start3A_61, %dma_start3A_67] : memref<2x2x256xi32, #tpu.memory_space<vmem>> -> memref<1x1x256xi32, #tpu.memory_space<vmem>>
      %dma_start3A_69 = tpu.memref_squeeze %dma_start3A_68 : memref<1x1x256xi32, #tpu.memory_space<vmem>> -> memref<256xi32, #tpu.memory_space<vmem>>
      %dma_start3A_70 = arith.constant 0 : i32
      %dma_start3A_71 = arith.constant 0 : i32
      %dma_start3A_72 = tpu.memref_slice %arg2[%dma_start3A_70, %dma_start3A_71] : memref<50176x64xbf16, #tpu.memory_space<hbm>> -> memref<50176x64xbf16, #tpu.memory_space<hbm>>
      tpu.enqueue_indirect_dma source(%dma_start3A_72 : memref<50176x64xbf16, #tpu.memory_space<hbm>>) target(%dma_start3A_66 : memref<256x64xbf16, #tpu.memory_space<vmem>>) offsets(%dma_start3A_69 : memref<256xi32, #tpu.memory_space<vmem>>) semaphore(%arg12 : memref<!tpu.dma_semaphore, #tpu.memory_space<semaphore_mem>>)
      %add3A_73 = arith.constant 1 : i32
      %add3A_74 = arith.addi %scan3A_39, %add3A_73 : i32
      %lt3A = arith.constant 50 : i32
      %lt3A_75 = arith.cmpi slt, %add3A_74, %lt3A : i32
      %convert_element_type3A_76 = arith.extui %lt3A_75 : i1 to i32
      %cond3A_77 = arith.constant 0 : i32
      %cond3A_78 = arith.cmpi ne, %convert_element_type3A_76, %cond3A_77 : i32
      scf.if %cond3A_78 {
        %add3A_134 = arith.constant 1 : i32
        %add3A_135 = arith.addi %scan3A_39, %add3A_134 : i32
        %mul3A_136 = arith.constant 2 : i32
        %mul3A_137 = arith.muli %add3A_135, %mul3A_136 : i32
        %dma_start3A_138 = arith.constant 0 : i32
        %dma_start3A_139 = arith.constant 0 : i32
        %dma_start3A_140 = tpu.memref_slice %arg7[%sub3A_42, %dma_start3A_138, %dma_start3A_139] : memref<2x2x256xi32, #tpu.memory_space<vmem>> -> memref<1x2x256xi32, #tpu.memory_space<vmem>>
        %dma_start3A_141 = tpu.memref_squeeze %dma_start3A_140 : memref<1x2x256xi32, #tpu.memory_space<vmem>> -> memref<2x256xi32, #tpu.memory_space<vmem>>
        %dma_start3A_142 = arith.constant 0 : i32
        %dma_start3A_143 = tpu.memref_slice %arg3[%add3A, %mul3A_137, %dma_start3A_142] : memref<32x100x256xi32, #tpu.memory_space<hbm>> -> memref<1x2x256xi32, #tpu.memory_space<hbm>>
        %dma_start3A_144 = tpu.memref_squeeze %dma_start3A_143 : memref<1x2x256xi32, #tpu.memory_space<hbm>> -> memref<2x256xi32, #tpu.memory_space<hbm>>
        %dma_start3A_145 = arith.constant 0 : i32
        %dma_start3A_146 = arith.constant 0 : i32
        %dma_start3A_147 = tpu.memref_slice %arg7[%sub3A_42, %dma_start3A_145, %dma_start3A_146] : memref<2x2x256xi32, #tpu.memory_space<vmem>> -> memref<1x2x256xi32, #tpu.memory_space<vmem>>
        %dma_start3A_148 = tpu.memref_squeeze %dma_start3A_147 : memref<1x2x256xi32, #tpu.memory_space<vmem>> -> memref<2x256xi32, #tpu.memory_space<vmem>>
        %dma_start3A_149 = arith.constant 0 : i32
        %dma_start3A_150 = tpu.memref_slice %arg3[%add3A, %mul3A_137, %dma_start3A_149] : memref<32x100x256xi32, #tpu.memory_space<hbm>> -> memref<1x2x256xi32, #tpu.memory_space<hbm>>
        %dma_start3A_151 = tpu.memref_squeeze %dma_start3A_150 : memref<1x2x256xi32, #tpu.memory_space<hbm>> -> memref<2x256xi32, #tpu.memory_space<hbm>>
        tpu.enqueue_dma source(%dma_start3A_151 : memref<2x256xi32, #tpu.memory_space<hbm>>) target(%dma_start3A_148 : memref<2x256xi32, #tpu.memory_space<vmem>>) target_semaphore(%arg15 : memref<!tpu.dma_semaphore, #tpu.memory_space<semaphore_mem>>)
        %dma_start3A_152 = arith.constant 0 : i32
        %dma_start3A_153 = arith.constant 0 : i32
        %dma_start3A_154 = tpu.memref_slice %arg8[%sub3A_42, %dma_start3A_152, %dma_start3A_153] : memref<2x2x256xi32, #tpu.memory_space<vmem>> -> memref<1x2x256xi32, #tpu.memory_space<vmem>>
        %dma_start3A_155 = tpu.memref_squeeze %dma_start3A_154 : memref<1x2x256xi32, #tpu.memory_space<vmem>> -> memref<2x256xi32, #tpu.memory_space<vmem>>
        %dma_start3A_156 = arith.constant 0 : i32
        %dma_start3A_157 = tpu.memref_slice %arg4[%add3A, %mul3A_137, %dma_start3A_156] : memref<32x100x256xi32, #tpu.memory_space<hbm>> -> memref<1x2x256xi32, #tpu.memory_space<hbm>>
        %dma_start3A_158 = tpu.memref_squeeze %dma_start3A_157 : memref<1x2x256xi32, #tpu.memory_space<hbm>> -> memref<2x256xi32, #tpu.memory_space<hbm>>
        %dma_start3A_159 = arith.constant 0 : i32
        %dma_start3A_160 = arith.constant 0 : i32
        %dma_start3A_161 = tpu.memref_slice %arg8[%sub3A_42, %dma_start3A_159, %dma_start3A_160] : memref<2x2x256xi32, #tpu.memory_space<vmem>> -> memref<1x2x256xi32, #tpu.memory_space<vmem>>
        %dma_start3A_162 = tpu.memref_squeeze %dma_start3A_161 : memref<1x2x256xi32, #tpu.memory_space<vmem>> -> memref<2x256xi32, #tpu.memory_space<vmem>>
        %dma_start3A_163 = arith.constant 0 : i32
        %dma_start3A_164 = tpu.memref_slice %arg4[%add3A, %mul3A_137, %dma_start3A_163] : memref<32x100x256xi32, #tpu.memory_space<hbm>> -> memref<1x2x256xi32, #tpu.memory_space<hbm>>
        %dma_start3A_165 = tpu.memref_squeeze %dma_start3A_164 : memref<1x2x256xi32, #tpu.memory_space<hbm>> -> memref<2x256xi32, #tpu.memory_space<hbm>>
        tpu.enqueue_dma source(%dma_start3A_165 : memref<2x256xi32, #tpu.memory_space<hbm>>) target(%dma_start3A_162 : memref<2x256xi32, #tpu.memory_space<vmem>>) target_semaphore(%arg16 : memref<!tpu.dma_semaphore, #tpu.memory_space<semaphore_mem>>)
      } else {
      }
      %dma_wait3A_79 = arith.constant 0 : i32
      %dma_wait3A_80 = arith.constant 0 : i32
      %dma_wait3A_81 = arith.constant 0 : i32
      %dma_wait3A_82 = arith.constant 0 : i32
      %dma_wait3A_83 = tpu.memref_slice %arg9[%dma_wait3A_80, %dma_wait3A_81, %dma_wait3A_82] : memref<2x256x64xbf16, #tpu.memory_space<vmem>> -> memref<1x256x64xbf16, #tpu.memory_space<vmem>>
      %dma_wait3A_84 = tpu.memref_squeeze %dma_wait3A_83 : memref<1x256x64xbf16, #tpu.memory_space<vmem>> -> memref<256x64xbf16, #tpu.memory_space<vmem>>
      %dma_wait3A_85 = arith.constant 0 : i32
      %dma_wait3A_86 = tpu.memref_slice %arg7[%rem3A_41, %dma_wait3A_79, %dma_wait3A_85] : memref<2x2x256xi32, #tpu.memory_space<vmem>> -> memref<1x1x256xi32, #tpu.memory_space<vmem>>
      %dma_wait3A_87 = tpu.memref_squeeze %dma_wait3A_86 : memref<1x1x256xi32, #tpu.memory_space<vmem>> -> memref<256xi32, #tpu.memory_space<vmem>>
      %dma_wait3A_88 = arith.constant 0 : i32
      %dma_wait3A_89 = arith.constant 0 : i32
      %dma_wait3A_90 = tpu.memref_slice %arg2[%dma_wait3A_88, %dma_wait3A_89] : memref<50176x64xbf16, #tpu.memory_space<hbm>> -> memref<50176x64xbf16, #tpu.memory_space<hbm>>
      tpu.wait_indirect_dma semaphore(%arg11 : memref<!tpu.dma_semaphore, #tpu.memory_space<semaphore_mem>>) src(%dma_wait3A_90 : memref<50176x64xbf16, #tpu.memory_space<hbm>>) dst(%dma_wait3A_84 : memref<256x64xbf16, #tpu.memory_space<vmem>>)
      %dma_start3A_91 = arith.constant 0 : i32
      %dma_start3A_92 = arith.constant 0 : i32
      %dma_start3A_93 = arith.constant 0 : i32
      %dma_start3A_94 = arith.constant 0 : i32
      %dma_start3A_95 = tpu.memref_slice %arg9[%dma_start3A_91, %dma_start3A_93, %dma_start3A_94] : memref<2x256x64xbf16, #tpu.memory_space<vmem>> -> memref<1x256x64xbf16, #tpu.memory_space<vmem>>
      %dma_start3A_96 = tpu.memref_squeeze %dma_start3A_95 : memref<1x256x64xbf16, #tpu.memory_space<vmem>> -> memref<256x64xbf16, #tpu.memory_space<vmem>>
      %dma_start3A_97 = arith.constant 0 : i32
      %dma_start3A_98 = tpu.memref_slice %arg8[%rem3A_41, %dma_start3A_92, %dma_start3A_97] : memref<2x2x256xi32, #tpu.memory_space<vmem>> -> memref<1x1x256xi32, #tpu.memory_space<vmem>>
      %dma_start3A_99 = tpu.memref_squeeze %dma_start3A_98 : memref<1x1x256xi32, #tpu.memory_space<vmem>> -> memref<256xi32, #tpu.memory_space<vmem>>
      %dma_start3A_100 = arith.constant 0 : i32
      %dma_start3A_101 = arith.constant 0 : i32
      %dma_start3A_102 = tpu.memref_slice %arg10[%dma_start3A_100, %dma_start3A_101] : memref<50176x64xbf16, #tpu.memory_space<vmem_shared>> -> memref<50176x64xbf16, #tpu.memory_space<vmem_shared>>
      tpu.enqueue_indirect_dma source(%dma_start3A_96 : memref<256x64xbf16, #tpu.memory_space<vmem>>) target(%dma_start3A_102 : memref<50176x64xbf16, #tpu.memory_space<vmem_shared>>) offsets(%dma_start3A_99 : memref<256xi32, #tpu.memory_space<vmem>>) semaphore(%arg13 : memref<!tpu.dma_semaphore, #tpu.memory_space<semaphore_mem>>) {add = true}
      %dma_wait3A_103 = arith.constant 1 : i32
      %dma_wait3A_104 = arith.constant 1 : i32
      %dma_wait3A_105 = arith.constant 0 : i32
      %dma_wait3A_106 = arith.constant 0 : i32
      %dma_wait3A_107 = tpu.memref_slice %arg9[%dma_wait3A_104, %dma_wait3A_105, %dma_wait3A_106] : memref<2x256x64xbf16, #tpu.memory_space<vmem>> -> memref<1x256x64xbf16, #tpu.memory_space<vmem>>
      %dma_wait3A_108 = tpu.memref_squeeze %dma_wait3A_107 : memref<1x256x64xbf16, #tpu.memory_space<vmem>> -> memref<256x64xbf16, #tpu.memory_space<vmem>>
      %dma_wait3A_109 = arith.constant 0 : i32
      %dma_wait3A_110 = tpu.memref_slice %arg7[%rem3A_41, %dma_wait3A_103, %dma_wait3A_109] : memref<2x2x256xi32, #tpu.memory_space<vmem>> -> memref<1x1x256xi32, #tpu.memory_space<vmem>>
      %dma_wait3A_111 = tpu.memref_squeeze %dma_wait3A_110 : memref<1x1x256xi32, #tpu.memory_space<vmem>> -> memref<256xi32, #tpu.memory_space<vmem>>
      %dma_wait3A_112 = arith.constant 0 : i32
      %dma_wait3A_113 = arith.constant 0 : i32
      %dma_wait3A_114 = tpu.memref_slice %arg2[%dma_wait3A_112, %dma_wait3A_113] : memref<50176x64xbf16, #tpu.memory_space<hbm>> -> memref<50176x64xbf16, #tpu.memory_space<hbm>>
      tpu.wait_indirect_dma semaphore(%arg12 : memref<!tpu.dma_semaphore, #tpu.memory_space<semaphore_mem>>) src(%dma_wait3A_114 : memref<50176x64xbf16, #tpu.memory_space<hbm>>) dst(%dma_wait3A_108 : memref<256x64xbf16, #tpu.memory_space<vmem>>)
      %dma_start3A_115 = arith.constant 1 : i32
      %dma_start3A_116 = arith.constant 1 : i32
      %dma_start3A_117 = arith.constant 0 : i32
      %dma_start3A_118 = arith.constant 0 : i32
      %dma_start3A_119 = tpu.memref_slice %arg9[%dma_start3A_115, %dma_start3A_117, %dma_start3A_118] : memref<2x256x64xbf16, #tpu.memory_space<vmem>> -> memref<1x256x64xbf16, #tpu.memory_space<vmem>>
      %dma_start3A_120 = tpu.memref_squeeze %dma_start3A_119 : memref<1x256x64xbf16, #tpu.memory_space<vmem>> -> memref<256x64xbf16, #tpu.memory_space<vmem>>
      %dma_start3A_121 = arith.constant 0 : i32
      %dma_start3A_122 = tpu.memref_slice %arg8[%rem3A_41, %dma_start3A_116, %dma_start3A_121] : memref<2x2x256xi32, #tpu.memory_space<vmem>> -> memref<1x1x256xi32, #tpu.memory_space<vmem>>
      %dma_start3A_123 = tpu.memref_squeeze %dma_start3A_122 : memref<1x1x256xi32, #tpu.memory_space<vmem>> -> memref<256xi32, #tpu.memory_space<vmem>>
      %dma_start3A_124 = arith.constant 0 : i32
      %dma_start3A_125 = arith.constant 0 : i32
      %dma_start3A_126 = tpu.memref_slice %arg10[%dma_start3A_124, %dma_start3A_125] : memref<50176x64xbf16, #tpu.memory_space<vmem_shared>> -> memref<50176x64xbf16, #tpu.memory_space<vmem_shared>>
      tpu.enqueue_indirect_dma source(%dma_start3A_120 : memref<256x64xbf16, #tpu.memory_space<vmem>>) target(%dma_start3A_126 : memref<50176x64xbf16, #tpu.memory_space<vmem_shared>>) offsets(%dma_start3A_123 : memref<256xi32, #tpu.memory_space<vmem>>) semaphore(%arg14 : memref<!tpu.dma_semaphore, #tpu.memory_space<semaphore_mem>>) {add = true}
      %add3A_127 = arith.constant 1 : i32
      %add3A_128 = arith.addi %scan3A_39, %add3A_127 : i32
      %lt3A_129 = arith.constant 50 : i32
      %lt3A_130 = arith.cmpi slt, %add3A_128, %lt3A_129 : i32
      %convert_element_type3A_131 = arith.extui %lt3A_130 : i1 to i32
      %cond3A_132 = arith.constant 0 : i32
      %cond3A_133 = arith.cmpi ne, %convert_element_type3A_131, %cond3A_132 : i32
      scf.if %cond3A_133 {
        %add3A_134 = arith.constant 1 : i32
        %add3A_135 = arith.addi %scan3A_39, %add3A_134 : i32
        %mul3A_136 = arith.constant 2 : i32
        %mul3A_137 = arith.muli %add3A_135, %mul3A_136 : i32
        %dma_wait3A_138 = arith.constant 0 : i32
        %dma_wait3A_139 = arith.constant 0 : i32
        %dma_wait3A_140 = tpu.memref_slice %arg7[%sub3A_42, %dma_wait3A_138, %dma_wait3A_139] : memref<2x2x256xi32, #tpu.memory_space<vmem>> -> memref<1x2x256xi32, #tpu.memory_space<vmem>>
        %dma_wait3A_141 = tpu.memref_squeeze %dma_wait3A_140 : memref<1x2x256xi32, #tpu.memory_space<vmem>> -> memref<2x256xi32, #tpu.memory_space<vmem>>
        %dma_wait3A_142 = arith.constant 0 : i32
        %dma_wait3A_143 = tpu.memref_slice %arg3[%add3A, %mul3A_137, %dma_wait3A_142] : memref<32x100x256xi32, #tpu.memory_space<hbm>> -> memref<1x2x256xi32, #tpu.memory_space<hbm>>
        %dma_wait3A_144 = tpu.memref_squeeze %dma_wait3A_143 : memref<1x2x256xi32, #tpu.memory_space<hbm>> -> memref<2x256xi32, #tpu.memory_space<hbm>>
        %dma_wait3A_145 = arith.constant 0 : i32
        %dma_wait3A_146 = arith.constant 0 : i32
        %dma_wait3A_147 = tpu.memref_slice %arg7[%sub3A_42, %dma_wait3A_145, %dma_wait3A_146] : memref<2x2x256xi32, #tpu.memory_space<vmem>> -> memref<1x2x256xi32, #tpu.memory_space<vmem>>
        %dma_wait3A_148 = tpu.memref_squeeze %dma_wait3A_147 : memref<1x2x256xi32, #tpu.memory_space<vmem>> -> memref<2x256xi32, #tpu.memory_space<vmem>>
        %dma_wait3A_149 = arith.constant 0 : i32
        %dma_wait3A_150 = tpu.memref_slice %arg3[%add3A, %mul3A_137, %dma_wait3A_149] : memref<32x100x256xi32, #tpu.memory_space<hbm>> -> memref<1x2x256xi32, #tpu.memory_space<hbm>>
        %dma_wait3A_151 = tpu.memref_squeeze %dma_wait3A_150 : memref<1x2x256xi32, #tpu.memory_space<hbm>> -> memref<2x256xi32, #tpu.memory_space<hbm>>
        tpu.wait_dma2 semaphore(%arg15 : memref<!tpu.dma_semaphore, #tpu.memory_space<semaphore_mem>>) src(%dma_wait3A_151 : memref<2x256xi32, #tpu.memory_space<hbm>>) dst(%dma_wait3A_148 : memref<2x256xi32, #tpu.memory_space<vmem>>)
        %dma_wait3A_152 = arith.constant 0 : i32
        %dma_wait3A_153 = arith.constant 0 : i32
        %dma_wait3A_154 = tpu.memref_slice %arg8[%sub3A_42, %dma_wait3A_152, %dma_wait3A_153] : memref<2x2x256xi32, #tpu.memory_space<vmem>> -> memref<1x2x256xi32, #tpu.memory_space<vmem>>
        %dma_wait3A_155 = tpu.memref_squeeze %dma_wait3A_154 : memref<1x2x256xi32, #tpu.memory_space<vmem>> -> memref<2x256xi32, #tpu.memory_space<vmem>>
        %dma_wait3A_156 = arith.constant 0 : i32
        %dma_wait3A_157 = tpu.memref_slice %arg4[%add3A, %mul3A_137, %dma_wait3A_156] : memref<32x100x256xi32, #tpu.memory_space<hbm>> -> memref<1x2x256xi32, #tpu.memory_space<hbm>>
        %dma_wait3A_158 = tpu.memref_squeeze %dma_wait3A_157 : memref<1x2x256xi32, #tpu.memory_space<hbm>> -> memref<2x256xi32, #tpu.memory_space<hbm>>
        %dma_wait3A_159 = arith.constant 0 : i32
        %dma_wait3A_160 = arith.constant 0 : i32
        %dma_wait3A_161 = tpu.memref_slice %arg8[%sub3A_42, %dma_wait3A_159, %dma_wait3A_160] : memref<2x2x256xi32, #tpu.memory_space<vmem>> -> memref<1x2x256xi32, #tpu.memory_space<vmem>>
        %dma_wait3A_162 = tpu.memref_squeeze %dma_wait3A_161 : memref<1x2x256xi32, #tpu.memory_space<vmem>> -> memref<2x256xi32, #tpu.memory_space<vmem>>
        %dma_wait3A_163 = arith.constant 0 : i32
        %dma_wait3A_164 = tpu.memref_slice %arg4[%add3A, %mul3A_137, %dma_wait3A_163] : memref<32x100x256xi32, #tpu.memory_space<hbm>> -> memref<1x2x256xi32, #tpu.memory_space<hbm>>
        %dma_wait3A_165 = tpu.memref_squeeze %dma_wait3A_164 : memref<1x2x256xi32, #tpu.memory_space<hbm>> -> memref<2x256xi32, #tpu.memory_space<hbm>>
        tpu.wait_dma2 semaphore(%arg16 : memref<!tpu.dma_semaphore, #tpu.memory_space<semaphore_mem>>) src(%dma_wait3A_165 : memref<2x256xi32, #tpu.memory_space<hbm>>) dst(%dma_wait3A_162 : memref<2x256xi32, #tpu.memory_space<vmem>>)
      } else {
      }
    }
    %scan3A_8 = arith.constant 50 : i32
    %rem3A = arith.constant 49 : i32
    %rem3A_9 = arith.constant 2 : i32
    %rem3A_10 = arith.remsi %rem3A, %rem3A_9 : i32
    %dma_wait3A = arith.constant 0 : i32
    %dma_wait3A_11 = arith.constant 0 : i32
    %dma_wait3A_12 = arith.constant 0 : i32
    %dma_wait3A_13 = arith.constant 0 : i32
    %dma_wait3A_14 = tpu.memref_slice %arg9[%dma_wait3A, %dma_wait3A_12, %dma_wait3A_13] : memref<2x256x64xbf16, #tpu.memory_space<vmem>> -> memref<1x256x64xbf16, #tpu.memory_space<vmem>>
    %dma_wait3A_15 = tpu.memref_squeeze %dma_wait3A_14 : memref<1x256x64xbf16, #tpu.memory_space<vmem>> -> memref<256x64xbf16, #tpu.memory_space<vmem>>
    %dma_wait3A_16 = arith.constant 0 : i32
    %dma_wait3A_17 = tpu.memref_slice %arg8[%rem3A_10, %dma_wait3A_11, %dma_wait3A_16] : memref<2x2x256xi32, #tpu.memory_space<vmem>> -> memref<1x1x256xi32, #tpu.memory_space<vmem>>
    %dma_wait3A_18 = tpu.memref_squeeze %dma_wait3A_17 : memref<1x1x256xi32, #tpu.memory_space<vmem>> -> memref<256xi32, #tpu.memory_space<vmem>>
    %dma_wait3A_19 = arith.constant 0 : i32
    %dma_wait3A_20 = arith.constant 0 : i32
    %dma_wait3A_21 = tpu.memref_slice %arg10[%dma_wait3A_19, %dma_wait3A_20] : memref<50176x64xbf16, #tpu.memory_space<vmem_shared>> -> memref<50176x64xbf16, #tpu.memory_space<vmem_shared>>
    tpu.wait_indirect_dma semaphore(%arg13 : memref<!tpu.dma_semaphore, #tpu.memory_space<semaphore_mem>>) src(%dma_wait3A_15 : memref<256x64xbf16, #tpu.memory_space<vmem>>) dst(%dma_wait3A_21 : memref<50176x64xbf16, #tpu.memory_space<vmem_shared>>)
    %dma_wait3A_22 = arith.constant 1 : i32
    %dma_wait3A_23 = arith.constant 1 : i32
    %dma_wait3A_24 = arith.constant 0 : i32
    %dma_wait3A_25 = arith.constant 0 : i32
    %dma_wait3A_26 = tpu.memref_slice %arg9[%dma_wait3A_22, %dma_wait3A_24, %dma_wait3A_25] : memref<2x256x64xbf16, #tpu.memory_space<vmem>> -> memref<1x256x64xbf16, #tpu.memory_space<vmem>>
    %dma_wait3A_27 = tpu.memref_squeeze %dma_wait3A_26 : memref<1x256x64xbf16, #tpu.memory_space<vmem>> -> memref<256x64xbf16, #tpu.memory_space<vmem>>
    %dma_wait3A_28 = arith.constant 0 : i32
    %dma_wait3A_29 = tpu.memref_slice %arg8[%rem3A_10, %dma_wait3A_23, %dma_wait3A_28] : memref<2x2x256xi32, #tpu.memory_space<vmem>> -> memref<1x1x256xi32, #tpu.memory_space<vmem>>
    %dma_wait3A_30 = tpu.memref_squeeze %dma_wait3A_29 : memref<1x1x256xi32, #tpu.memory_space<vmem>> -> memref<256xi32, #tpu.memory_space<vmem>>
    %dma_wait3A_31 = arith.constant 0 : i32
    %dma_wait3A_32 = arith.constant 0 : i32
    %dma_wait3A_33 = tpu.memref_slice %arg10[%dma_wait3A_31, %dma_wait3A_32] : memref<50176x64xbf16, #tpu.memory_space<vmem_shared>> -> memref<50176x64xbf16, #tpu.memory_space<vmem_shared>>
    tpu.wait_indirect_dma semaphore(%arg14 : memref<!tpu.dma_semaphore, #tpu.memory_space<semaphore_mem>>) src(%dma_wait3A_27 : memref<256x64xbf16, #tpu.memory_space<vmem>>) dst(%dma_wait3A_33 : memref<50176x64xbf16, #tpu.memory_space<vmem_shared>>)
    %barrier3A_34 = arith.constant 0 : index
    tpu.barrier barrier_id(%barrier3A_34)
    %mul3A_35 = arith.constant 3136 : i32
    %mul3A_36 = arith.muli %arg1, %mul3A_35 : i32
    %mul3A_37 = arith.constant 3136 : i32
    %mul3A_38 = arith.muli %arg1, %mul3A_37 : i32
    "tpu.region"() ({
      %run_scoped3A_39 = tpu.sem_alloc : memref<!tpu.dma_semaphore, #tpu.memory_space<semaphore_mem>>
      %dma_start3A = arith.constant 0 : i32
      %dma_start3A_40 = tpu.memref_slice %arg6[%arg0, %mul3A_38, %dma_start3A] : memref<2x50176x64xbf16, #tpu.memory_space<hbm>> -> memref<1x3136x64xbf16, #tpu.memory_space<hbm>>
      %dma_start3A_41 = tpu.memref_squeeze %dma_start3A_40 : memref<1x3136x64xbf16, #tpu.memory_space<hbm>> -> memref<3136x64xbf16, #tpu.memory_space<hbm>>
      %dma_start3A_42 = arith.constant 0 : i32
      %dma_start3A_43 = tpu.memref_slice %arg10[%mul3A_36, %dma_start3A_42] : memref<50176x64xbf16, #tpu.memory_space<vmem_shared>> -> memref<3136x64xbf16, #tpu.memory_space<vmem_shared>>
      tpu.enqueue_dma source(%dma_start3A_43 : memref<3136x64xbf16, #tpu.memory_space<vmem_shared>>) target(%dma_start3A_41 : memref<3136x64xbf16, #tpu.memory_space<hbm>>) target_semaphore(%run_scoped3A_39 : memref<!tpu.dma_semaphore, #tpu.memory_space<semaphore_mem>>)
      %dma_wait3A_44 = arith.constant 0 : i32
      %dma_wait3A_45 = tpu.memref_slice %arg6[%arg0, %mul3A_38, %dma_wait3A_44] : memref<2x50176x64xbf16, #tpu.memory_space<hbm>> -> memref<1x3136x64xbf16, #tpu.memory_space<hbm>>
      %dma_wait3A_46 = tpu.memref_squeeze %dma_wait3A_45 : memref<1x3136x64xbf16, #tpu.memory_space<hbm>> -> memref<3136x64xbf16, #tpu.memory_space<hbm>>
      %dma_wait3A_47 = arith.constant 0 : i32
      %dma_wait3A_48 = tpu.memref_slice %arg10[%mul3A_36, %dma_wait3A_47] : memref<50176x64xbf16, #tpu.memory_space<vmem_shared>> -> memref<3136x64xbf16, #tpu.memory_space<vmem_shared>>
      tpu.wait_dma2 semaphore(%run_scoped3A_39 : memref<!tpu.dma_semaphore, #tpu.memory_space<semaphore_mem>>) src(%dma_wait3A_48 : memref<3136x64xbf16, #tpu.memory_space<vmem_shared>>) dst(%dma_wait3A_46 : memref<3136x64xbf16, #tpu.memory_space<hbm>>)
      tpu.yield
    }) : () -> ()
    return
  }
}

#map = affine_map<(d0, d1) -> (0, 0)>
#map1 = affine_map<(d0, d1) -> (0, 0, 0)>
module attributes {stable_mosaic.version = 14 : i64} {
  func.func @agg(%arg0: i32, %arg1: i32, %arg2: memref<50176x64xbf16, #tpu.memory_space<hbm>>, %arg3: memref<32x100x256xi32, #tpu.memory_space<hbm>>, %arg4: memref<32x100x256xi32, #tpu.memory_space<hbm>>, %arg5: memref<3136x64xbf16, #tpu.memory_space<hbm>>, %arg6: memref<2x50176x64xbf16, #tpu.memory_space<hbm>>, %arg7: memref<2x2x256xi32, #tpu.memory_space<vmem>>, %arg8: memref<2x2x256xi32, #tpu.memory_space<vmem>>, %arg9: memref<2x256x64xbf16, #tpu.memory_space<vmem>>, %arg10: memref<50176x64xbf16, #tpu.memory_space<vmem_shared>>, %arg11: memref<!tpu.dma_semaphore, #tpu.memory_space<semaphore_mem>>, %arg12: memref<!tpu.dma_semaphore, #tpu.memory_space<semaphore_mem>>, %arg13: memref<!tpu.dma_semaphore, #tpu.memory_space<semaphore_mem>>, %arg14: memref<!tpu.dma_semaphore, #tpu.memory_space<semaphore_mem>>, %arg15: memref<!tpu.dma_semaphore, #tpu.memory_space<semaphore_mem>>, %arg16: memref<!tpu.dma_semaphore, #tpu.memory_space<semaphore_mem>>) attributes {dimension_semantics = [#tpu.dimension_semantics<core_parallel>, #tpu.dimension_semantics<subcore_parallel>], iteration_bounds = array<i64: 2, 16>, scalar_prefetch = 0 : i64, scratch_operands = 10 : i64, tpu.core_type = #tpu.core_type<sc_vector_subcore>, window_params = [{transform_indices = #map}, {transform_indices = #map1}, {transform_indices = #map1}, {transform_indices = #map}, {transform_indices = #map1}]} {
    %mul3A = arith.constant 16 : i32
    %mul3A_0 = arith.muli %arg0, %mul3A : i32
    %add3A = arith.addi %mul3A_0, %arg1 : i32
    %mul3A_1 = arith.constant 3136 : i32
    %mul3A_2 = arith.muli %arg1, %mul3A_1 : i32
    "tpu.region"() ({
      %run_scoped3A_39 = tpu.sem_alloc : memref<!tpu.dma_semaphore, #tpu.memory_space<semaphore_mem>>
      %dma_start3A = arith.constant 0 : i32
      %dma_start3A_40 = tpu.memref_slice %arg10[%mul3A_2, %dma_start3A] : memref<50176x64xbf16, #tpu.memory_space<vmem_shared>> -> memref<3136x64xbf16, #tpu.memory_space<vmem_shared>>
      tpu.enqueue_dma source(%arg5 : memref<3136x64xbf16, #tpu.memory_space<hbm>>) target(%dma_start3A_40 : memref<3136x64xbf16, #tpu.memory_space<vmem_shared>>) target_semaphore(%run_scoped3A_39 : memref<!tpu.dma_semaphore, #tpu.memory_space<semaphore_mem>>)
      %dma_wait3A_41 = arith.constant 0 : i32
      %dma_wait3A_42 = tpu.memref_slice %arg10[%mul3A_2, %dma_wait3A_41] : memref<50176x64xbf16, #tpu.memory_space<vmem_shared>> -> memref<3136x64xbf16, #tpu.memory_space<vmem_shared>>
      tpu.wait_dma2 semaphore(%run_scoped3A_39 : memref<!tpu.dma_semaphore, #tpu.memory_space<semaphore_mem>>) src(%arg5 : memref<3136x64xbf16, #tpu.memory_space<hbm>>) dst(%dma_wait3A_42 : memref<3136x64xbf16, #tpu.memory_space<vmem_shared>>)
      tpu.yield
    }) : () -> ()
    %run_scoped3A = arith.constant 0 : i32
    "tpu.region"() ({
      %run_scoped3A_39 = tpu.sem_alloc : memref<!tpu.dma_semaphore, #tpu.memory_space<semaphore_mem>>
      %dma_start3A = arith.constant 0 : i32
      %dma_start3A_40 = arith.constant 0 : i32
      %dma_start3A_41 = tpu.memref_slice %arg7[%run_scoped3A, %dma_start3A, %dma_start3A_40] : memref<2x2x256xi32, #tpu.memory_space<vmem>> -> memref<1x2x256xi32, #tpu.memory_space<vmem>>
      %dma_start3A_42 = tpu.memref_squeeze %dma_start3A_41 : memref<1x2x256xi32, #tpu.memory_space<vmem>> -> memref<2x256xi32, #tpu.memory_space<vmem>>
      %dma_start3A_43 = arith.constant 0 : i32
      %dma_start3A_44 = arith.constant 0 : i32
      %dma_start3A_45 = tpu.memref_slice %arg3[%add3A, %dma_start3A_43, %dma_start3A_44] : memref<32x100x256xi32, #tpu.memory_space<hbm>> -> memref<1x2x256xi32, #tpu.memory_space<hbm>>
      %dma_start3A_46 = tpu.memref_squeeze %dma_start3A_45 : memref<1x2x256xi32, #tpu.memory_space<hbm>> -> memref<2x256xi32, #tpu.memory_space<hbm>>
      %dma_start3A_47 = arith.constant 0 : i32
      %dma_start3A_48 = arith.constant 0 : i32
      %dma_start3A_49 = tpu.memref_slice %arg7[%run_scoped3A, %dma_start3A_47, %dma_start3A_48] : memref<2x2x256xi32, #tpu.memory_space<vmem>> -> memref<1x2x256xi32, #tpu.memory_space<vmem>>
      %dma_start3A_50 = tpu.memref_squeeze %dma_start3A_49 : memref<1x2x256xi32, #tpu.memory_space<vmem>> -> memref<2x256xi32, #tpu.memory_space<vmem>>
      %dma_start3A_51 = arith.constant 0 : i32
      %dma_start3A_52 = arith.constant 0 : i32
      %dma_start3A_53 = tpu.memref_slice %arg3[%add3A, %dma_start3A_51, %dma_start3A_52] : memref<32x100x256xi32, #tpu.memory_space<hbm>> -> memref<1x2x256xi32, #tpu.memory_space<hbm>>
      %dma_start3A_54 = tpu.memref_squeeze %dma_start3A_53 : memref<1x2x256xi32, #tpu.memory_space<hbm>> -> memref<2x256xi32, #tpu.memory_space<hbm>>
      tpu.enqueue_dma source(%dma_start3A_54 : memref<2x256xi32, #tpu.memory_space<hbm>>) target(%dma_start3A_50 : memref<2x256xi32, #tpu.memory_space<vmem>>) target_semaphore(%run_scoped3A_39 : memref<!tpu.dma_semaphore, #tpu.memory_space<semaphore_mem>>)
      %dma_wait3A_55 = arith.constant 0 : i32
      %dma_wait3A_56 = arith.constant 0 : i32
      %dma_wait3A_57 = tpu.memref_slice %arg7[%run_scoped3A, %dma_wait3A_55, %dma_wait3A_56] : memref<2x2x256xi32, #tpu.memory_space<vmem>> -> memref<1x2x256xi32, #tpu.memory_space<vmem>>
      %dma_wait3A_58 = tpu.memref_squeeze %dma_wait3A_57 : memref<1x2x256xi32, #tpu.memory_space<vmem>> -> memref<2x256xi32, #tpu.memory_space<vmem>>
      %dma_wait3A_59 = arith.constant 0 : i32
      %dma_wait3A_60 = arith.constant 0 : i32
      %dma_wait3A_61 = tpu.memref_slice %arg3[%add3A, %dma_wait3A_59, %dma_wait3A_60] : memref<32x100x256xi32, #tpu.memory_space<hbm>> -> memref<1x2x256xi32, #tpu.memory_space<hbm>>
      %dma_wait3A_62 = tpu.memref_squeeze %dma_wait3A_61 : memref<1x2x256xi32, #tpu.memory_space<hbm>> -> memref<2x256xi32, #tpu.memory_space<hbm>>
      %dma_wait3A_63 = arith.constant 0 : i32
      %dma_wait3A_64 = arith.constant 0 : i32
      %dma_wait3A_65 = tpu.memref_slice %arg7[%run_scoped3A, %dma_wait3A_63, %dma_wait3A_64] : memref<2x2x256xi32, #tpu.memory_space<vmem>> -> memref<1x2x256xi32, #tpu.memory_space<vmem>>
      %dma_wait3A_66 = tpu.memref_squeeze %dma_wait3A_65 : memref<1x2x256xi32, #tpu.memory_space<vmem>> -> memref<2x256xi32, #tpu.memory_space<vmem>>
      %dma_wait3A_67 = arith.constant 0 : i32
      %dma_wait3A_68 = arith.constant 0 : i32
      %dma_wait3A_69 = tpu.memref_slice %arg3[%add3A, %dma_wait3A_67, %dma_wait3A_68] : memref<32x100x256xi32, #tpu.memory_space<hbm>> -> memref<1x2x256xi32, #tpu.memory_space<hbm>>
      %dma_wait3A_70 = tpu.memref_squeeze %dma_wait3A_69 : memref<1x2x256xi32, #tpu.memory_space<hbm>> -> memref<2x256xi32, #tpu.memory_space<hbm>>
      tpu.wait_dma2 semaphore(%run_scoped3A_39 : memref<!tpu.dma_semaphore, #tpu.memory_space<semaphore_mem>>) src(%dma_wait3A_70 : memref<2x256xi32, #tpu.memory_space<hbm>>) dst(%dma_wait3A_66 : memref<2x256xi32, #tpu.memory_space<vmem>>)
      tpu.yield
    }) : () -> ()
    %run_scoped3A_3 = arith.constant 0 : i32
    "tpu.region"() ({
      %run_scoped3A_39 = tpu.sem_alloc : memref<!tpu.dma_semaphore, #tpu.memory_space<semaphore_mem>>
      %dma_start3A = arith.constant 0 : i32
      %dma_start3A_40 = arith.constant 0 : i32
      %dma_start3A_41 = tpu.memref_slice %arg8[%run_scoped3A_3, %dma_start3A, %dma_start3A_40] : memref<2x2x256xi32, #tpu.memory_space<vmem>> -> memref<1x2x256xi32, #tpu.memory_space<vmem>>
      %dma_start3A_42 = tpu.memref_squeeze %dma_start3A_41 : memref<1x2x256xi32, #tpu.memory_space<vmem>> -> memref<2x256xi32, #tpu.memory_space<vmem>>
      %dma_start3A_43 = arith.constant 0 : i32
      %dma_start3A_44 = arith.constant 0 : i32
      %dma_start3A_45 = tpu.memref_slice %arg4[%add3A, %dma_start3A_43, %dma_start3A_44] : memref<32x100x256xi32, #tpu.memory_space<hbm>> -> memref<1x2x256xi32, #tpu.memory_space<hbm>>
      %dma_start3A_46 = tpu.memref_squeeze %dma_start3A_45 : memref<1x2x256xi32, #tpu.memory_space<hbm>> -> memref<2x256xi32, #tpu.memory_space<hbm>>
      %dma_start3A_47 = arith.constant 0 : i32
      %dma_start3A_48 = arith.constant 0 : i32
      %dma_start3A_49 = tpu.memref_slice %arg8[%run_scoped3A_3, %dma_start3A_47, %dma_start3A_48] : memref<2x2x256xi32, #tpu.memory_space<vmem>> -> memref<1x2x256xi32, #tpu.memory_space<vmem>>
      %dma_start3A_50 = tpu.memref_squeeze %dma_start3A_49 : memref<1x2x256xi32, #tpu.memory_space<vmem>> -> memref<2x256xi32, #tpu.memory_space<vmem>>
      %dma_start3A_51 = arith.constant 0 : i32
      %dma_start3A_52 = arith.constant 0 : i32
      %dma_start3A_53 = tpu.memref_slice %arg4[%add3A, %dma_start3A_51, %dma_start3A_52] : memref<32x100x256xi32, #tpu.memory_space<hbm>> -> memref<1x2x256xi32, #tpu.memory_space<hbm>>
      %dma_start3A_54 = tpu.memref_squeeze %dma_start3A_53 : memref<1x2x256xi32, #tpu.memory_space<hbm>> -> memref<2x256xi32, #tpu.memory_space<hbm>>
      tpu.enqueue_dma source(%dma_start3A_54 : memref<2x256xi32, #tpu.memory_space<hbm>>) target(%dma_start3A_50 : memref<2x256xi32, #tpu.memory_space<vmem>>) target_semaphore(%run_scoped3A_39 : memref<!tpu.dma_semaphore, #tpu.memory_space<semaphore_mem>>)
      %dma_wait3A_55 = arith.constant 0 : i32
      %dma_wait3A_56 = arith.constant 0 : i32
      %dma_wait3A_57 = tpu.memref_slice %arg8[%run_scoped3A_3, %dma_wait3A_55, %dma_wait3A_56] : memref<2x2x256xi32, #tpu.memory_space<vmem>> -> memref<1x2x256xi32, #tpu.memory_space<vmem>>
      %dma_wait3A_58 = tpu.memref_squeeze %dma_wait3A_57 : memref<1x2x256xi32, #tpu.memory_space<vmem>> -> memref<2x256xi32, #tpu.memory_space<vmem>>
      %dma_wait3A_59 = arith.constant 0 : i32
      %dma_wait3A_60 = arith.constant 0 : i32
      %dma_wait3A_61 = tpu.memref_slice %arg4[%add3A, %dma_wait3A_59, %dma_wait3A_60] : memref<32x100x256xi32, #tpu.memory_space<hbm>> -> memref<1x2x256xi32, #tpu.memory_space<hbm>>
      %dma_wait3A_62 = tpu.memref_squeeze %dma_wait3A_61 : memref<1x2x256xi32, #tpu.memory_space<hbm>> -> memref<2x256xi32, #tpu.memory_space<hbm>>
      %dma_wait3A_63 = arith.constant 0 : i32
      %dma_wait3A_64 = arith.constant 0 : i32
      %dma_wait3A_65 = tpu.memref_slice %arg8[%run_scoped3A_3, %dma_wait3A_63, %dma_wait3A_64] : memref<2x2x256xi32, #tpu.memory_space<vmem>> -> memref<1x2x256xi32, #tpu.memory_space<vmem>>
      %dma_wait3A_66 = tpu.memref_squeeze %dma_wait3A_65 : memref<1x2x256xi32, #tpu.memory_space<vmem>> -> memref<2x256xi32, #tpu.memory_space<vmem>>
      %dma_wait3A_67 = arith.constant 0 : i32
      %dma_wait3A_68 = arith.constant 0 : i32
      %dma_wait3A_69 = tpu.memref_slice %arg4[%add3A, %dma_wait3A_67, %dma_wait3A_68] : memref<32x100x256xi32, #tpu.memory_space<hbm>> -> memref<1x2x256xi32, #tpu.memory_space<hbm>>
      %dma_wait3A_70 = tpu.memref_squeeze %dma_wait3A_69 : memref<1x2x256xi32, #tpu.memory_space<hbm>> -> memref<2x256xi32, #tpu.memory_space<hbm>>
      tpu.wait_dma2 semaphore(%run_scoped3A_39 : memref<!tpu.dma_semaphore, #tpu.memory_space<semaphore_mem>>) src(%dma_wait3A_70 : memref<2x256xi32, #tpu.memory_space<hbm>>) dst(%dma_wait3A_66 : memref<2x256xi32, #tpu.memory_space<vmem>>)
      tpu.yield
    }) : () -> ()
    %barrier3A = arith.constant 0 : index
    tpu.barrier barrier_id(%barrier3A)
    %scan3A = arith.constant 0 : i32
    %scan3A_4 = arith.constant 0 : i32
    %scan3A_5 = arith.constant 50 : i32
    %scan3A_6 = arith.addi %scan3A_4, %scan3A_5 : i32
    %scan3A_7 = arith.constant 1 : i32
    scf.for %scan3A_39 = %scan3A_4 to %scan3A_6 step %scan3A_7  : i32 {
      %rem3A_40 = arith.constant 2 : i32
      %rem3A_41 = arith.remsi %scan3A_39, %rem3A_40 : i32
      %sub3A = arith.constant 1 : i32
      %sub3A_42 = arith.subi %sub3A, %rem3A_41 : i32
      %gt3A = arith.constant 0 : i32
      %gt3A_43 = arith.cmpi sgt, %scan3A_39, %gt3A : i32
      %convert_element_type3A = arith.extui %gt3A_43 : i1 to i32
      %cond3A = arith.constant 0 : i32
      %cond3A_44 = arith.cmpi ne, %convert_element_type3A, %cond3A : i32
      scf.if %cond3A_44 {
        %dma_wait3A_134 = arith.constant 0 : i32
        %dma_wait3A_135 = arith.constant 0 : i32
        %dma_wait3A_136 = arith.constant 0 : i32
        %dma_wait3A_137 = arith.constant 0 : i32
        %dma_wait3A_138 = tpu.memref_slice %arg9[%dma_wait3A_134, %dma_wait3A_136, %dma_wait3A_137] : memref<2x256x64xbf16, #tpu.memory_space<vmem>> -> memref<1x256x64xbf16, #tpu.memory_space<vmem>>
        %dma_wait3A_139 = tpu.memref_squeeze %dma_wait3A_138 : memref<1x256x64xbf16, #tpu.memory_space<vmem>> -> memref<256x64xbf16, #tpu.memory_space<vmem>>
        %dma_wait3A_140 = arith.constant 0 : i32
        %dma_wait3A_141 = tpu.memref_slice %arg8[%sub3A_42, %dma_wait3A_135, %dma_wait3A_140] : memref<2x2x256xi32, #tpu.memory_space<vmem>> -> memref<1x1x256xi32, #tpu.memory_space<vmem>>
        %dma_wait3A_142 = tpu.memref_squeeze %dma_wait3A_141 : memref<1x1x256xi32, #tpu.memory_space<vmem>> -> memref<256xi32, #tpu.memory_space<vmem>>
        %dma_wait3A_143 = arith.constant 0 : i32
        %dma_wait3A_144 = arith.constant 0 : i32
        %dma_wait3A_145 = tpu.memref_slice %arg10[%dma_wait3A_143, %dma_wait3A_144] : memref<50176x64xbf16, #tpu.memory_space<vmem_shared>> -> memref<50176x64xbf16, #tpu.memory_space<vmem_shared>>
        tpu.wait_indirect_dma semaphore(%arg13 : memref<!tpu.dma_semaphore, #tpu.memory_space<semaphore_mem>>) src(%dma_wait3A_139 : memref<256x64xbf16, #tpu.memory_space<vmem>>) dst(%dma_wait3A_145 : memref<50176x64xbf16, #tpu.memory_space<vmem_shared>>)
      } else {
      }
      %dma_start3A = arith.constant 0 : i32
      %dma_start3A_45 = arith.constant 0 : i32
      %dma_start3A_46 = arith.constant 0 : i32
      %dma_start3A_47 = arith.constant 0 : i32
      %dma_start3A_48 = tpu.memref_slice %arg9[%dma_start3A_45, %dma_start3A_46, %dma_start3A_47] : memref<2x256x64xbf16, #tpu.memory_space<vmem>> -> memref<1x256x64xbf16, #tpu.memory_space<vmem>>
      %dma_start3A_49 = tpu.memref_squeeze %dma_start3A_48 : memref<1x256x64xbf16, #tpu.memory_space<vmem>> -> memref<256x64xbf16, #tpu.memory_space<vmem>>
      %dma_start3A_50 = arith.constant 0 : i32
      %dma_start3A_51 = tpu.memref_slice %arg7[%rem3A_41, %dma_start3A, %dma_start3A_50] : memref<2x2x256xi32, #tpu.memory_space<vmem>> -> memref<1x1x256xi32, #tpu.memory_space<vmem>>
      %dma_start3A_52 = tpu.memref_squeeze %dma_start3A_51 : memref<1x1x256xi32, #tpu.memory_space<vmem>> -> memref<256xi32, #tpu.memory_space<vmem>>
      %dma_start3A_53 = arith.constant 0 : i32
      %dma_start3A_54 = arith.constant 0 : i32
      %dma_start3A_55 = tpu.memref_slice %arg2[%dma_start3A_53, %dma_start3A_54] : memref<50176x64xbf16, #tpu.memory_space<hbm>> -> memref<50176x64xbf16, #tpu.memory_space<hbm>>
      tpu.enqueue_indirect_dma source(%dma_start3A_55 : memref<50176x64xbf16, #tpu.memory_space<hbm>>) target(%dma_start3A_49 : memref<256x64xbf16, #tpu.memory_space<vmem>>) offsets(%dma_start3A_52 : memref<256xi32, #tpu.memory_space<vmem>>) semaphore(%arg11 : memref<!tpu.dma_semaphore, #tpu.memory_space<semaphore_mem>>)
      %gt3A_56 = arith.constant 0 : i32
      %gt3A_57 = arith.cmpi sgt, %scan3A_39, %gt3A_56 : i32
      %convert_element_type3A_58 = arith.extui %gt3A_57 : i1 to i32
      %cond3A_59 = arith.constant 0 : i32
      %cond3A_60 = arith.cmpi ne, %convert_element_type3A_58, %cond3A_59 : i32
      scf.if %cond3A_60 {
        %dma_wait3A_134 = arith.constant 1 : i32
        %dma_wait3A_135 = arith.constant 1 : i32
        %dma_wait3A_136 = arith.constant 0 : i32
        %dma_wait3A_137 = arith.constant 0 : i32
        %dma_wait3A_138 = tpu.memref_slice %arg9[%dma_wait3A_134, %dma_wait3A_136, %dma_wait3A_137] : memref<2x256x64xbf16, #tpu.memory_space<vmem>> -> memref<1x256x64xbf16, #tpu.memory_space<vmem>>
        %dma_wait3A_139 = tpu.memref_squeeze %dma_wait3A_138 : memref<1x256x64xbf16, #tpu.memory_space<vmem>> -> memref<256x64xbf16, #tpu.memory_space<vmem>>
        %dma_wait3A_140 = arith.constant 0 : i32
        %dma_wait3A_141 = tpu.memref_slice %arg8[%sub3A_42, %dma_wait3A_135, %dma_wait3A_140] : memref<2x2x256xi32, #tpu.memory_space<vmem>> -> memref<1x1x256xi32, #tpu.memory_space<vmem>>
        %dma_wait3A_142 = tpu.memref_squeeze %dma_wait3A_141 : memref<1x1x256xi32, #tpu.memory_space<vmem>> -> memref<256xi32, #tpu.memory_space<vmem>>
        %dma_wait3A_143 = arith.constant 0 : i32
        %dma_wait3A_144 = arith.constant 0 : i32
        %dma_wait3A_145 = tpu.memref_slice %arg10[%dma_wait3A_143, %dma_wait3A_144] : memref<50176x64xbf16, #tpu.memory_space<vmem_shared>> -> memref<50176x64xbf16, #tpu.memory_space<vmem_shared>>
        tpu.wait_indirect_dma semaphore(%arg14 : memref<!tpu.dma_semaphore, #tpu.memory_space<semaphore_mem>>) src(%dma_wait3A_139 : memref<256x64xbf16, #tpu.memory_space<vmem>>) dst(%dma_wait3A_145 : memref<50176x64xbf16, #tpu.memory_space<vmem_shared>>)
      } else {
      }
      %dma_start3A_61 = arith.constant 1 : i32
      %dma_start3A_62 = arith.constant 1 : i32
      %dma_start3A_63 = arith.constant 0 : i32
      %dma_start3A_64 = arith.constant 0 : i32
      %dma_start3A_65 = tpu.memref_slice %arg9[%dma_start3A_62, %dma_start3A_63, %dma_start3A_64] : memref<2x256x64xbf16, #tpu.memory_space<vmem>> -> memref<1x256x64xbf16, #tpu.memory_space<vmem>>
      %dma_start3A_66 = tpu.memref_squeeze %dma_start3A_65 : memref<1x256x64xbf16, #tpu.memory_space<vmem>> -> memref<256x64xbf16, #tpu.memory_space<vmem>>
      %dma_start3A_67 = arith.constant 0 : i32
      %dma_start3A_68 = tpu.memref_slice %arg7[%rem3A_41, %dma_start3A_61, %dma_start3A_67] : memref<2x2x256xi32, #tpu.memory_space<vmem>> -> memref<1x1x256xi32, #tpu.memory_space<vmem>>
      %dma_start3A_69 = tpu.memref_squeeze %dma_start3A_68 : memref<1x1x256xi32, #tpu.memory_space<vmem>> -> memref<256xi32, #tpu.memory_space<vmem>>
      %dma_start3A_70 = arith.constant 0 : i32
      %dma_start3A_71 = arith.constant 0 : i32
      %dma_start3A_72 = tpu.memref_slice %arg2[%dma_start3A_70, %dma_start3A_71] : memref<50176x64xbf16, #tpu.memory_space<hbm>> -> memref<50176x64xbf16, #tpu.memory_space<hbm>>
      tpu.enqueue_indirect_dma source(%dma_start3A_72 : memref<50176x64xbf16, #tpu.memory_space<hbm>>) target(%dma_start3A_66 : memref<256x64xbf16, #tpu.memory_space<vmem>>) offsets(%dma_start3A_69 : memref<256xi32, #tpu.memory_space<vmem>>) semaphore(%arg12 : memref<!tpu.dma_semaphore, #tpu.memory_space<semaphore_mem>>)
      %add3A_73 = arith.constant 1 : i32
      %add3A_74 = arith.addi %scan3A_39, %add3A_73 : i32
      %lt3A = arith.constant 50 : i32
      %lt3A_75 = arith.cmpi slt, %add3A_74, %lt3A : i32
      %convert_element_type3A_76 = arith.extui %lt3A_75 : i1 to i32
      %cond3A_77 = arith.constant 0 : i32
      %cond3A_78 = arith.cmpi ne, %convert_element_type3A_76, %cond3A_77 : i32
      scf.if %cond3A_78 {
        %add3A_134 = arith.constant 1 : i32
        %add3A_135 = arith.addi %scan3A_39, %add3A_134 : i32
        %mul3A_136 = arith.constant 2 : i32
        %mul3A_137 = arith.muli %add3A_135, %mul3A_136 : i32
        %dma_start3A_138 = arith.constant 0 : i32
        %dma_start3A_139 = arith.constant 0 : i32
        %dma_start3A_140 = tpu.memref_slice %arg7[%sub3A_42, %dma_start3A_138, %dma_start3A_139] : memref<2x2x256xi32, #tpu.memory_space<vmem>> -> memref<1x2x256xi32, #tpu.memory_space<vmem>>
        %dma_start3A_141 = tpu.memref_squeeze %dma_start3A_140 : memref<1x2x256xi32, #tpu.memory_space<vmem>> -> memref<2x256xi32, #tpu.memory_space<vmem>>
        %dma_start3A_142 = arith.constant 0 : i32
        %dma_start3A_143 = tpu.memref_slice %arg3[%add3A, %mul3A_137, %dma_start3A_142] : memref<32x100x256xi32, #tpu.memory_space<hbm>> -> memref<1x2x256xi32, #tpu.memory_space<hbm>>
        %dma_start3A_144 = tpu.memref_squeeze %dma_start3A_143 : memref<1x2x256xi32, #tpu.memory_space<hbm>> -> memref<2x256xi32, #tpu.memory_space<hbm>>
        %dma_start3A_145 = arith.constant 0 : i32
        %dma_start3A_146 = arith.constant 0 : i32
        %dma_start3A_147 = tpu.memref_slice %arg7[%sub3A_42, %dma_start3A_145, %dma_start3A_146] : memref<2x2x256xi32, #tpu.memory_space<vmem>> -> memref<1x2x256xi32, #tpu.memory_space<vmem>>
        %dma_start3A_148 = tpu.memref_squeeze %dma_start3A_147 : memref<1x2x256xi32, #tpu.memory_space<vmem>> -> memref<2x256xi32, #tpu.memory_space<vmem>>
        %dma_start3A_149 = arith.constant 0 : i32
        %dma_start3A_150 = tpu.memref_slice %arg3[%add3A, %mul3A_137, %dma_start3A_149] : memref<32x100x256xi32, #tpu.memory_space<hbm>> -> memref<1x2x256xi32, #tpu.memory_space<hbm>>
        %dma_start3A_151 = tpu.memref_squeeze %dma_start3A_150 : memref<1x2x256xi32, #tpu.memory_space<hbm>> -> memref<2x256xi32, #tpu.memory_space<hbm>>
        tpu.enqueue_dma source(%dma_start3A_151 : memref<2x256xi32, #tpu.memory_space<hbm>>) target(%dma_start3A_148 : memref<2x256xi32, #tpu.memory_space<vmem>>) target_semaphore(%arg15 : memref<!tpu.dma_semaphore, #tpu.memory_space<semaphore_mem>>)
        %dma_start3A_152 = arith.constant 0 : i32
        %dma_start3A_153 = arith.constant 0 : i32
        %dma_start3A_154 = tpu.memref_slice %arg8[%sub3A_42, %dma_start3A_152, %dma_start3A_153] : memref<2x2x256xi32, #tpu.memory_space<vmem>> -> memref<1x2x256xi32, #tpu.memory_space<vmem>>
        %dma_start3A_155 = tpu.memref_squeeze %dma_start3A_154 : memref<1x2x256xi32, #tpu.memory_space<vmem>> -> memref<2x256xi32, #tpu.memory_space<vmem>>
        %dma_start3A_156 = arith.constant 0 : i32
        %dma_start3A_157 = tpu.memref_slice %arg4[%add3A, %mul3A_137, %dma_start3A_156] : memref<32x100x256xi32, #tpu.memory_space<hbm>> -> memref<1x2x256xi32, #tpu.memory_space<hbm>>
        %dma_start3A_158 = tpu.memref_squeeze %dma_start3A_157 : memref<1x2x256xi32, #tpu.memory_space<hbm>> -> memref<2x256xi32, #tpu.memory_space<hbm>>
        %dma_start3A_159 = arith.constant 0 : i32
        %dma_start3A_160 = arith.constant 0 : i32
        %dma_start3A_161 = tpu.memref_slice %arg8[%sub3A_42, %dma_start3A_159, %dma_start3A_160] : memref<2x2x256xi32, #tpu.memory_space<vmem>> -> memref<1x2x256xi32, #tpu.memory_space<vmem>>
        %dma_start3A_162 = tpu.memref_squeeze %dma_start3A_161 : memref<1x2x256xi32, #tpu.memory_space<vmem>> -> memref<2x256xi32, #tpu.memory_space<vmem>>
        %dma_start3A_163 = arith.constant 0 : i32
        %dma_start3A_164 = tpu.memref_slice %arg4[%add3A, %mul3A_137, %dma_start3A_163] : memref<32x100x256xi32, #tpu.memory_space<hbm>> -> memref<1x2x256xi32, #tpu.memory_space<hbm>>
        %dma_start3A_165 = tpu.memref_squeeze %dma_start3A_164 : memref<1x2x256xi32, #tpu.memory_space<hbm>> -> memref<2x256xi32, #tpu.memory_space<hbm>>
        tpu.enqueue_dma source(%dma_start3A_165 : memref<2x256xi32, #tpu.memory_space<hbm>>) target(%dma_start3A_162 : memref<2x256xi32, #tpu.memory_space<vmem>>) target_semaphore(%arg16 : memref<!tpu.dma_semaphore, #tpu.memory_space<semaphore_mem>>)
      } else {
      }
      %dma_wait3A_79 = arith.constant 0 : i32
      %dma_wait3A_80 = arith.constant 0 : i32
      %dma_wait3A_81 = arith.constant 0 : i32
      %dma_wait3A_82 = arith.constant 0 : i32
      %dma_wait3A_83 = tpu.memref_slice %arg9[%dma_wait3A_80, %dma_wait3A_81, %dma_wait3A_82] : memref<2x256x64xbf16, #tpu.memory_space<vmem>> -> memref<1x256x64xbf16, #tpu.memory_space<vmem>>
      %dma_wait3A_84 = tpu.memref_squeeze %dma_wait3A_83 : memref<1x256x64xbf16, #tpu.memory_space<vmem>> -> memref<256x64xbf16, #tpu.memory_space<vmem>>
      %dma_wait3A_85 = arith.constant 0 : i32
      %dma_wait3A_86 = tpu.memref_slice %arg7[%rem3A_41, %dma_wait3A_79, %dma_wait3A_85] : memref<2x2x256xi32, #tpu.memory_space<vmem>> -> memref<1x1x256xi32, #tpu.memory_space<vmem>>
      %dma_wait3A_87 = tpu.memref_squeeze %dma_wait3A_86 : memref<1x1x256xi32, #tpu.memory_space<vmem>> -> memref<256xi32, #tpu.memory_space<vmem>>
      %dma_wait3A_88 = arith.constant 0 : i32
      %dma_wait3A_89 = arith.constant 0 : i32
      %dma_wait3A_90 = tpu.memref_slice %arg2[%dma_wait3A_88, %dma_wait3A_89] : memref<50176x64xbf16, #tpu.memory_space<hbm>> -> memref<50176x64xbf16, #tpu.memory_space<hbm>>
      tpu.wait_indirect_dma semaphore(%arg11 : memref<!tpu.dma_semaphore, #tpu.memory_space<semaphore_mem>>) src(%dma_wait3A_90 : memref<50176x64xbf16, #tpu.memory_space<hbm>>) dst(%dma_wait3A_84 : memref<256x64xbf16, #tpu.memory_space<vmem>>)
      %dma_start3A_91 = arith.constant 0 : i32
      %dma_start3A_92 = arith.constant 0 : i32
      %dma_start3A_93 = arith.constant 0 : i32
      %dma_start3A_94 = arith.constant 0 : i32
      %dma_start3A_95 = tpu.memref_slice %arg9[%dma_start3A_91, %dma_start3A_93, %dma_start3A_94] : memref<2x256x64xbf16, #tpu.memory_space<vmem>> -> memref<1x256x64xbf16, #tpu.memory_space<vmem>>
      %dma_start3A_96 = tpu.memref_squeeze %dma_start3A_95 : memref<1x256x64xbf16, #tpu.memory_space<vmem>> -> memref<256x64xbf16, #tpu.memory_space<vmem>>
      %dma_start3A_97 = arith.constant 0 : i32
      %dma_start3A_98 = tpu.memref_slice %arg8[%rem3A_41, %dma_start3A_92, %dma_start3A_97] : memref<2x2x256xi32, #tpu.memory_space<vmem>> -> memref<1x1x256xi32, #tpu.memory_space<vmem>>
      %dma_start3A_99 = tpu.memref_squeeze %dma_start3A_98 : memref<1x1x256xi32, #tpu.memory_space<vmem>> -> memref<256xi32, #tpu.memory_space<vmem>>
      %dma_start3A_100 = arith.constant 0 : i32
      %dma_start3A_101 = arith.constant 0 : i32
      %dma_start3A_102 = tpu.memref_slice %arg10[%dma_start3A_100, %dma_start3A_101] : memref<50176x64xbf16, #tpu.memory_space<vmem_shared>> -> memref<50176x64xbf16, #tpu.memory_space<vmem_shared>>
      tpu.enqueue_indirect_dma source(%dma_start3A_96 : memref<256x64xbf16, #tpu.memory_space<vmem>>) target(%dma_start3A_102 : memref<50176x64xbf16, #tpu.memory_space<vmem_shared>>) offsets(%dma_start3A_99 : memref<256xi32, #tpu.memory_space<vmem>>) semaphore(%arg13 : memref<!tpu.dma_semaphore, #tpu.memory_space<semaphore_mem>>) {add = true}
      %dma_wait3A_103 = arith.constant 1 : i32
      %dma_wait3A_104 = arith.constant 1 : i32
      %dma_wait3A_105 = arith.constant 0 : i32
      %dma_wait3A_106 = arith.constant 0 : i32
      %dma_wait3A_107 = tpu.memref_slice %arg9[%dma_wait3A_104, %dma_wait3A_105, %dma_wait3A_106] : memref<2x256x64xbf16, #tpu.memory_space<vmem>> -> memref<1x256x64xbf16, #tpu.memory_space<vmem>>
      %dma_wait3A_108 = tpu.memref_squeeze %dma_wait3A_107 : memref<1x256x64xbf16, #tpu.memory_space<vmem>> -> memref<256x64xbf16, #tpu.memory_space<vmem>>
      %dma_wait3A_109 = arith.constant 0 : i32
      %dma_wait3A_110 = tpu.memref_slice %arg7[%rem3A_41, %dma_wait3A_103, %dma_wait3A_109] : memref<2x2x256xi32, #tpu.memory_space<vmem>> -> memref<1x1x256xi32, #tpu.memory_space<vmem>>
      %dma_wait3A_111 = tpu.memref_squeeze %dma_wait3A_110 : memref<1x1x256xi32, #tpu.memory_space<vmem>> -> memref<256xi32, #tpu.memory_space<vmem>>
      %dma_wait3A_112 = arith.constant 0 : i32
      %dma_wait3A_113 = arith.constant 0 : i32
      %dma_wait3A_114 = tpu.memref_slice %arg2[%dma_wait3A_112, %dma_wait3A_113] : memref<50176x64xbf16, #tpu.memory_space<hbm>> -> memref<50176x64xbf16, #tpu.memory_space<hbm>>
      tpu.wait_indirect_dma semaphore(%arg12 : memref<!tpu.dma_semaphore, #tpu.memory_space<semaphore_mem>>) src(%dma_wait3A_114 : memref<50176x64xbf16, #tpu.memory_space<hbm>>) dst(%dma_wait3A_108 : memref<256x64xbf16, #tpu.memory_space<vmem>>)
      %dma_start3A_115 = arith.constant 1 : i32
      %dma_start3A_116 = arith.constant 1 : i32
      %dma_start3A_117 = arith.constant 0 : i32
      %dma_start3A_118 = arith.constant 0 : i32
      %dma_start3A_119 = tpu.memref_slice %arg9[%dma_start3A_115, %dma_start3A_117, %dma_start3A_118] : memref<2x256x64xbf16, #tpu.memory_space<vmem>> -> memref<1x256x64xbf16, #tpu.memory_space<vmem>>
      %dma_start3A_120 = tpu.memref_squeeze %dma_start3A_119 : memref<1x256x64xbf16, #tpu.memory_space<vmem>> -> memref<256x64xbf16, #tpu.memory_space<vmem>>
      %dma_start3A_121 = arith.constant 0 : i32
      %dma_start3A_122 = tpu.memref_slice %arg8[%rem3A_41, %dma_start3A_116, %dma_start3A_121] : memref<2x2x256xi32, #tpu.memory_space<vmem>> -> memref<1x1x256xi32, #tpu.memory_space<vmem>>
      %dma_start3A_123 = tpu.memref_squeeze %dma_start3A_122 : memref<1x1x256xi32, #tpu.memory_space<vmem>> -> memref<256xi32, #tpu.memory_space<vmem>>
      %dma_start3A_124 = arith.constant 0 : i32
      %dma_start3A_125 = arith.constant 0 : i32
      %dma_start3A_126 = tpu.memref_slice %arg10[%dma_start3A_124, %dma_start3A_125] : memref<50176x64xbf16, #tpu.memory_space<vmem_shared>> -> memref<50176x64xbf16, #tpu.memory_space<vmem_shared>>
      tpu.enqueue_indirect_dma source(%dma_start3A_120 : memref<256x64xbf16, #tpu.memory_space<vmem>>) target(%dma_start3A_126 : memref<50176x64xbf16, #tpu.memory_space<vmem_shared>>) offsets(%dma_start3A_123 : memref<256xi32, #tpu.memory_space<vmem>>) semaphore(%arg14 : memref<!tpu.dma_semaphore, #tpu.memory_space<semaphore_mem>>) {add = true}
      %add3A_127 = arith.constant 1 : i32
      %add3A_128 = arith.addi %scan3A_39, %add3A_127 : i32
      %lt3A_129 = arith.constant 50 : i32
      %lt3A_130 = arith.cmpi slt, %add3A_128, %lt3A_129 : i32
      %convert_element_type3A_131 = arith.extui %lt3A_130 : i1 to i32
      %cond3A_132 = arith.constant 0 : i32
      %cond3A_133 = arith.cmpi ne, %convert_element_type3A_131, %cond3A_132 : i32
      scf.if %cond3A_133 {
        %add3A_134 = arith.constant 1 : i32
        %add3A_135 = arith.addi %scan3A_39, %add3A_134 : i32
        %mul3A_136 = arith.constant 2 : i32
        %mul3A_137 = arith.muli %add3A_135, %mul3A_136 : i32
        %dma_wait3A_138 = arith.constant 0 : i32
        %dma_wait3A_139 = arith.constant 0 : i32
        %dma_wait3A_140 = tpu.memref_slice %arg7[%sub3A_42, %dma_wait3A_138, %dma_wait3A_139] : memref<2x2x256xi32, #tpu.memory_space<vmem>> -> memref<1x2x256xi32, #tpu.memory_space<vmem>>
        %dma_wait3A_141 = tpu.memref_squeeze %dma_wait3A_140 : memref<1x2x256xi32, #tpu.memory_space<vmem>> -> memref<2x256xi32, #tpu.memory_space<vmem>>
        %dma_wait3A_142 = arith.constant 0 : i32
        %dma_wait3A_143 = tpu.memref_slice %arg3[%add3A, %mul3A_137, %dma_wait3A_142] : memref<32x100x256xi32, #tpu.memory_space<hbm>> -> memref<1x2x256xi32, #tpu.memory_space<hbm>>
        %dma_wait3A_144 = tpu.memref_squeeze %dma_wait3A_143 : memref<1x2x256xi32, #tpu.memory_space<hbm>> -> memref<2x256xi32, #tpu.memory_space<hbm>>
        %dma_wait3A_145 = arith.constant 0 : i32
        %dma_wait3A_146 = arith.constant 0 : i32
        %dma_wait3A_147 = tpu.memref_slice %arg7[%sub3A_42, %dma_wait3A_145, %dma_wait3A_146] : memref<2x2x256xi32, #tpu.memory_space<vmem>> -> memref<1x2x256xi32, #tpu.memory_space<vmem>>
        %dma_wait3A_148 = tpu.memref_squeeze %dma_wait3A_147 : memref<1x2x256xi32, #tpu.memory_space<vmem>> -> memref<2x256xi32, #tpu.memory_space<vmem>>
        %dma_wait3A_149 = arith.constant 0 : i32
        %dma_wait3A_150 = tpu.memref_slice %arg3[%add3A, %mul3A_137, %dma_wait3A_149] : memref<32x100x256xi32, #tpu.memory_space<hbm>> -> memref<1x2x256xi32, #tpu.memory_space<hbm>>
        %dma_wait3A_151 = tpu.memref_squeeze %dma_wait3A_150 : memref<1x2x256xi32, #tpu.memory_space<hbm>> -> memref<2x256xi32, #tpu.memory_space<hbm>>
        tpu.wait_dma2 semaphore(%arg15 : memref<!tpu.dma_semaphore, #tpu.memory_space<semaphore_mem>>) src(%dma_wait3A_151 : memref<2x256xi32, #tpu.memory_space<hbm>>) dst(%dma_wait3A_148 : memref<2x256xi32, #tpu.memory_space<vmem>>)
        %dma_wait3A_152 = arith.constant 0 : i32
        %dma_wait3A_153 = arith.constant 0 : i32
        %dma_wait3A_154 = tpu.memref_slice %arg8[%sub3A_42, %dma_wait3A_152, %dma_wait3A_153] : memref<2x2x256xi32, #tpu.memory_space<vmem>> -> memref<1x2x256xi32, #tpu.memory_space<vmem>>
        %dma_wait3A_155 = tpu.memref_squeeze %dma_wait3A_154 : memref<1x2x256xi32, #tpu.memory_space<vmem>> -> memref<2x256xi32, #tpu.memory_space<vmem>>
        %dma_wait3A_156 = arith.constant 0 : i32
        %dma_wait3A_157 = tpu.memref_slice %arg4[%add3A, %mul3A_137, %dma_wait3A_156] : memref<32x100x256xi32, #tpu.memory_space<hbm>> -> memref<1x2x256xi32, #tpu.memory_space<hbm>>
        %dma_wait3A_158 = tpu.memref_squeeze %dma_wait3A_157 : memref<1x2x256xi32, #tpu.memory_space<hbm>> -> memref<2x256xi32, #tpu.memory_space<hbm>>
        %dma_wait3A_159 = arith.constant 0 : i32
        %dma_wait3A_160 = arith.constant 0 : i32
        %dma_wait3A_161 = tpu.memref_slice %arg8[%sub3A_42, %dma_wait3A_159, %dma_wait3A_160] : memref<2x2x256xi32, #tpu.memory_space<vmem>> -> memref<1x2x256xi32, #tpu.memory_space<vmem>>
        %dma_wait3A_162 = tpu.memref_squeeze %dma_wait3A_161 : memref<1x2x256xi32, #tpu.memory_space<vmem>> -> memref<2x256xi32, #tpu.memory_space<vmem>>
        %dma_wait3A_163 = arith.constant 0 : i32
        %dma_wait3A_164 = tpu.memref_slice %arg4[%add3A, %mul3A_137, %dma_wait3A_163] : memref<32x100x256xi32, #tpu.memory_space<hbm>> -> memref<1x2x256xi32, #tpu.memory_space<hbm>>
        %dma_wait3A_165 = tpu.memref_squeeze %dma_wait3A_164 : memref<1x2x256xi32, #tpu.memory_space<hbm>> -> memref<2x256xi32, #tpu.memory_space<hbm>>
        tpu.wait_dma2 semaphore(%arg16 : memref<!tpu.dma_semaphore, #tpu.memory_space<semaphore_mem>>) src(%dma_wait3A_165 : memref<2x256xi32, #tpu.memory_space<hbm>>) dst(%dma_wait3A_162 : memref<2x256xi32, #tpu.memory_space<vmem>>)
      } else {
      }
    }
    %scan3A_8 = arith.constant 50 : i32
    %rem3A = arith.constant 49 : i32
    %rem3A_9 = arith.constant 2 : i32
    %rem3A_10 = arith.remsi %rem3A, %rem3A_9 : i32
    %dma_wait3A = arith.constant 0 : i32
    %dma_wait3A_11 = arith.constant 0 : i32
    %dma_wait3A_12 = arith.constant 0 : i32
    %dma_wait3A_13 = arith.constant 0 : i32
    %dma_wait3A_14 = tpu.memref_slice %arg9[%dma_wait3A, %dma_wait3A_12, %dma_wait3A_13] : memref<2x256x64xbf16, #tpu.memory_space<vmem>> -> memref<1x256x64xbf16, #tpu.memory_space<vmem>>
    %dma_wait3A_15 = tpu.memref_squeeze %dma_wait3A_14 : memref<1x256x64xbf16, #tpu.memory_space<vmem>> -> memref<256x64xbf16, #tpu.memory_space<vmem>>
    %dma_wait3A_16 = arith.constant 0 : i32
    %dma_wait3A_17 = tpu.memref_slice %arg8[%rem3A_10, %dma_wait3A_11, %dma_wait3A_16] : memref<2x2x256xi32, #tpu.memory_space<vmem>> -> memref<1x1x256xi32, #tpu.memory_space<vmem>>
    %dma_wait3A_18 = tpu.memref_squeeze %dma_wait3A_17 : memref<1x1x256xi32, #tpu.memory_space<vmem>> -> memref<256xi32, #tpu.memory_space<vmem>>
    %dma_wait3A_19 = arith.constant 0 : i32
    %dma_wait3A_20 = arith.constant 0 : i32
    %dma_wait3A_21 = tpu.memref_slice %arg10[%dma_wait3A_19, %dma_wait3A_20] : memref<50176x64xbf16, #tpu.memory_space<vmem_shared>> -> memref<50176x64xbf16, #tpu.memory_space<vmem_shared>>
    tpu.wait_indirect_dma semaphore(%arg13 : memref<!tpu.dma_semaphore, #tpu.memory_space<semaphore_mem>>) src(%dma_wait3A_15 : memref<256x64xbf16, #tpu.memory_space<vmem>>) dst(%dma_wait3A_21 : memref<50176x64xbf16, #tpu.memory_space<vmem_shared>>)
    %dma_wait3A_22 = arith.constant 1 : i32
    %dma_wait3A_23 = arith.constant 1 : i32
    %dma_wait3A_24 = arith.constant 0 : i32
    %dma_wait3A_25 = arith.constant 0 : i32
    %dma_wait3A_26 = tpu.memref_slice %arg9[%dma_wait3A_22, %dma_wait3A_24, %dma_wait3A_25] : memref<2x256x64xbf16, #tpu.memory_space<vmem>> -> memref<1x256x64xbf16, #tpu.memory_space<vmem>>
    %dma_wait3A_27 = tpu.memref_squeeze %dma_wait3A_26 : memref<1x256x64xbf16, #tpu.memory_space<vmem>> -> memref<256x64xbf16, #tpu.memory_space<vmem>>
    %dma_wait3A_28 = arith.constant 0 : i32
    %dma_wait3A_29 = tpu.memref_slice %arg8[%rem3A_10, %dma_wait3A_23, %dma_wait3A_28] : memref<2x2x256xi32, #tpu.memory_space<vmem>> -> memref<1x1x256xi32, #tpu.memory_space<vmem>>
    %dma_wait3A_30 = tpu.memref_squeeze %dma_wait3A_29 : memref<1x1x256xi32, #tpu.memory_space<vmem>> -> memref<256xi32, #tpu.memory_space<vmem>>
    %dma_wait3A_31 = arith.constant 0 : i32
    %dma_wait3A_32 = arith.constant 0 : i32
    %dma_wait3A_33 = tpu.memref_slice %arg10[%dma_wait3A_31, %dma_wait3A_32] : memref<50176x64xbf16, #tpu.memory_space<vmem_shared>> -> memref<50176x64xbf16, #tpu.memory_space<vmem_shared>>
    tpu.wait_indirect_dma semaphore(%arg14 : memref<!tpu.dma_semaphore, #tpu.memory_space<semaphore_mem>>) src(%dma_wait3A_27 : memref<256x64xbf16, #tpu.memory_space<vmem>>) dst(%dma_wait3A_33 : memref<50176x64xbf16, #tpu.memory_space<vmem_shared>>)
    %barrier3A_34 = arith.constant 0 : index
    tpu.barrier barrier_id(%barrier3A_34)
    %mul3A_35 = arith.constant 3136 : i32
    %mul3A_36 = arith.muli %arg1, %mul3A_35 : i32
    %mul3A_37 = arith.constant 3136 : i32
    %mul3A_38 = arith.muli %arg1, %mul3A_37 : i32
    "tpu.region"() ({
      %run_scoped3A_39 = tpu.sem_alloc : memref<!tpu.dma_semaphore, #tpu.memory_space<semaphore_mem>>
      %dma_start3A = arith.constant 0 : i32
      %dma_start3A_40 = tpu.memref_slice %arg6[%arg0, %mul3A_38, %dma_start3A] : memref<2x50176x64xbf16, #tpu.memory_space<hbm>> -> memref<1x3136x64xbf16, #tpu.memory_space<hbm>>
      %dma_start3A_41 = tpu.memref_squeeze %dma_start3A_40 : memref<1x3136x64xbf16, #tpu.memory_space<hbm>> -> memref<3136x64xbf16, #tpu.memory_space<hbm>>
      %dma_start3A_42 = arith.constant 0 : i32
      %dma_start3A_43 = tpu.memref_slice %arg10[%mul3A_36, %dma_start3A_42] : memref<50176x64xbf16, #tpu.memory_space<vmem_shared>> -> memref<3136x64xbf16, #tpu.memory_space<vmem_shared>>
      tpu.enqueue_dma source(%dma_start3A_43 : memref<3136x64xbf16, #tpu.memory_space<vmem_shared>>) target(%dma_start3A_41 : memref<3136x64xbf16, #tpu.memory_space<hbm>>) target_semaphore(%run_scoped3A_39 : memref<!tpu.dma_semaphore, #tpu.memory_space<semaphore_mem>>)
      %dma_wait3A_44 = arith.constant 0 : i32
      %dma_wait3A_45 = tpu.memref_slice %arg6[%arg0, %mul3A_38, %dma_wait3A_44] : memref<2x50176x64xbf16, #tpu.memory_space<hbm>> -> memref<1x3136x64xbf16, #tpu.memory_space<hbm>>
      %dma_wait3A_46 = tpu.memref_squeeze %dma_wait3A_45 : memref<1x3136x64xbf16, #tpu.memory_space<hbm>> -> memref<3136x64xbf16, #tpu.memory_space<hbm>>
      %dma_wait3A_47 = arith.constant 0 : i32
      %dma_wait3A_48 = tpu.memref_slice %arg10[%mul3A_36, %dma_wait3A_47] : memref<50176x64xbf16, #tpu.memory_space<vmem_shared>> -> memref<3136x64xbf16, #tpu.memory_space<vmem_shared>>
      tpu.wait_dma2 semaphore(%run_scoped3A_39 : memref<!tpu.dma_semaphore, #tpu.memory_space<semaphore_mem>>) src(%dma_wait3A_48 : memref<3136x64xbf16, #tpu.memory_space<vmem_shared>>) dst(%dma_wait3A_46 : memref<3136x64xbf16, #tpu.memory_space<hbm>>)
      tpu.yield
    }) : () -> ()
    return
  }
}

module attributes {stable_mosaic.version = 14 : i64} {
  func.func @_d1_body(%arg0: i32, %arg1: memref<2x512x16xf32, #tpu.memory_space<vmem>>, %arg2: memref<512x16xf32, #tpu.memory_space<vmem>>, %arg3: memref<16x128xf32, #tpu.memory_space<vmem>>, %arg4: memref<16x128xf32, #tpu.memory_space<vmem>>, %arg5: memref<1x128xf32, #tpu.memory_space<vmem>>, %arg6: memref<2x512x64xbf16, #tpu.memory_space<vmem>>, %arg7: memref<512x8xf32, #tpu.memory_space<vmem>>) attributes {dimension_semantics = [#tpu.dimension_semantics<arbitrary>], iteration_bounds = array<i64: 98>, scalar_prefetch = 0 : i64, scratch_operands = 0 : i64, tpu.core_type = #tpu.core_type<tc>, window_params = [{transform_indices = @transform_0, window_bounds = array<i64: 2, 512, 16>}, {transform_indices = @transform_1, window_bounds = array<i64: 512, 16>}, {pipeline_mode = #tpu.pipeline_mode<synchronous>, transform_indices = @transform_2, window_bounds = array<i64: 16, 128>}, {pipeline_mode = #tpu.pipeline_mode<synchronous>, transform_indices = @transform_3, window_bounds = array<i64: 16, 128>}, {pipeline_mode = #tpu.pipeline_mode<synchronous>, transform_indices = @transform_4, window_bounds = array<i64: 1, 128>}, {transform_indices = @transform_5, window_bounds = array<i64: 2, 512, 64>}, {transform_indices = @transform_6, window_bounds = array<i64: 512, 8>}]} {
    %get3A = arith.constant 0 : index
    %get3A_0 = arith.constant 0 : index
    %get3A_1 = arith.constant 0 : index
    %get3A_2 = vector.load %arg1[%get3A, %get3A_0, %get3A_1] : memref<2x512x16xf32, #tpu.memory_space<vmem>>, vector<1x512x16xf32>
    %get3A_3 = vector.shape_cast %get3A_2 : vector<1x512x16xf32> to vector<512x16xf32>
    %get3A_4 = arith.constant 1 : index
    %get3A_5 = arith.constant 0 : index
    %get3A_6 = arith.constant 0 : index
    %get3A_7 = vector.load %arg1[%get3A_4, %get3A_5, %get3A_6] : memref<2x512x16xf32, #tpu.memory_space<vmem>>, vector<1x512x16xf32>
    %get3A_8 = vector.shape_cast %get3A_7 : vector<1x512x16xf32> to vector<512x16xf32>
    %add3A = arith.addf %get3A_3, %get3A_8 : vector<512x16xf32>
    %slice3A = vector.extract_strided_slice %add3A {offsets = [0, 3], sizes = [512, 1], strides = [1, 1]} : vector<512x16xf32> to vector<512x1xf32>
    %max3A = arith.constant 1.000000e+00 : f32
    %max3A_9 = vector.broadcast %max3A : f32 to vector<512x1xf32>
    %max3A_10 = arith.maximumf %slice3A, %max3A_9 : vector<512x1xf32>
    %div3A = arith.constant 1.000000e+00 : f32
    %div3A_11 = vector.broadcast %div3A : f32 to vector<512x1xf32>
    %div3A_12 = arith.divf %div3A_11, %max3A_10 : vector<512x1xf32>
    %mul3A = vector.broadcast %div3A_12 : vector<512x1xf32> to vector<512x16xf32>
    %mul3A_13 = arith.mulf %add3A, %mul3A : vector<512x16xf32>
    %get3A_14 = arith.constant 0 : index
    %get3A_15 = arith.constant 0 : index
    %get3A_16 = vector.load %arg3[%get3A_14, %get3A_15] : memref<16x128xf32, #tpu.memory_space<vmem>>, vector<16x128xf32>
    %dot_general3A = arith.constant dense<0.000000e+00> : vector<512x128xf32>
    %dot_general3A_17 = tpu.matmul %mul3A_13, %get3A_16, %dot_general3A {dimension_numbers = #tpu.dot_dimension_numbers<[1], [0], [0], [1], [0, 0, 1, 1], [], []>, transpose_lhs_hint = false} : vector<512x16xf32>, vector<16x128xf32>, vector<512x128xf32> -> vector<512x128xf32>
    %get3A_18 = arith.constant 0 : index
    %get3A_19 = arith.constant 0 : index
    %get3A_20 = vector.load %arg2[%get3A_18, %get3A_19] : memref<512x16xf32, #tpu.memory_space<vmem>>, vector<512x16xf32>
    %get3A_21 = arith.constant 0 : index
    %get3A_22 = arith.constant 0 : index
    %get3A_23 = vector.load %arg4[%get3A_21, %get3A_22] : memref<16x128xf32, #tpu.memory_space<vmem>>, vector<16x128xf32>
    %dot_general3A_24 = arith.constant dense<0.000000e+00> : vector<512x128xf32>
    %dot_general3A_25 = tpu.matmul %get3A_20, %get3A_23, %dot_general3A_24 {dimension_numbers = #tpu.dot_dimension_numbers<[1], [0], [0], [1], [0, 0, 1, 1], [], []>, transpose_lhs_hint = false} : vector<512x16xf32>, vector<16x128xf32>, vector<512x128xf32> -> vector<512x128xf32>
    %add3A_26 = arith.addf %dot_general3A_17, %dot_general3A_25 : vector<512x128xf32>
    %get3A_27 = arith.constant 0 : index
    %get3A_28 = arith.constant 0 : index
    %get3A_29 = vector.load %arg5[%get3A_27, %get3A_28] : memref<1x128xf32, #tpu.memory_space<vmem>>, vector<1x128xf32>
    %add3A_30 = vector.broadcast %get3A_29 : vector<1x128xf32> to vector<512x128xf32>
    %add3A_31 = arith.addf %add3A_26, %add3A_30 : vector<512x128xf32>
    %max3A_32 = arith.constant 0.000000e+00 : f32
    %max3A_33 = vector.broadcast %max3A_32 : f32 to vector<512x128xf32>
    %max3A_34 = arith.maximumf %add3A_31, %max3A_33 : vector<512x128xf32>
    %slice3A_35 = vector.extract_strided_slice %max3A_34 {offsets = [0, 0], sizes = [512, 64], strides = [1, 1]} : vector<512x128xf32> to vector<512x64xf32>
    %convert_element_type3A = arith.truncf %slice3A_35 : vector<512x64xf32> to vector<512x64xbf16>
    %swap3A = arith.constant 0 : index
    %swap3A_36 = arith.constant 0 : index
    %swap3A_37 = arith.constant 0 : index
    %swap3A_38 = vector.load %arg6[%swap3A, %swap3A_36, %swap3A_37] : memref<2x512x64xbf16, #tpu.memory_space<vmem>>, vector<1x512x64xbf16>
    %swap3A_39 = vector.shape_cast %swap3A_38 : vector<1x512x64xbf16> to vector<512x64xbf16>
    %swap3A_40 = vector.shape_cast %convert_element_type3A : vector<512x64xbf16> to vector<1x512x64xbf16>
    tpu.vector_store %arg6[%swap3A, %swap3A_36, %swap3A_37], %swap3A_40 {strides = array<i32>} : memref<2x512x64xbf16, #tpu.memory_space<vmem>>, vector<1x512x64xbf16>,
    %slice3A_41 = vector.extract_strided_slice %max3A_34 {offsets = [0, 64], sizes = [512, 64], strides = [1, 1]} : vector<512x128xf32> to vector<512x64xf32>
    %convert_element_type3A_42 = arith.truncf %slice3A_41 : vector<512x64xf32> to vector<512x64xbf16>
    %swap3A_43 = arith.constant 1 : index
    %swap3A_44 = arith.constant 0 : index
    %swap3A_45 = arith.constant 0 : index
    %swap3A_46 = vector.load %arg6[%swap3A_43, %swap3A_44, %swap3A_45] : memref<2x512x64xbf16, #tpu.memory_space<vmem>>, vector<1x512x64xbf16>
    %swap3A_47 = vector.shape_cast %swap3A_46 : vector<1x512x64xbf16> to vector<512x64xbf16>
    %swap3A_48 = vector.shape_cast %convert_element_type3A_42 : vector<512x64xbf16> to vector<1x512x64xbf16>
    tpu.vector_store %arg6[%swap3A_43, %swap3A_44, %swap3A_45], %swap3A_48 {strides = array<i32>} : memref<2x512x64xbf16, #tpu.memory_space<vmem>>, vector<1x512x64xbf16>,
    %broadcast_in_dim3A = vector.shape_cast %div3A_12 : vector<512x1xf32> to vector<512x1xf32>
    %broadcast_in_dim3A_49 = vector.broadcast %broadcast_in_dim3A : vector<512x1xf32> to vector<512x8xf32>
    %swap3A_50 = arith.constant 0 : index
    %swap3A_51 = arith.constant 0 : index
    %swap3A_52 = vector.load %arg7[%swap3A_50, %swap3A_51] : memref<512x8xf32, #tpu.memory_space<vmem>>, vector<512x8xf32>
    tpu.vector_store %arg7[%swap3A_50, %swap3A_51], %broadcast_in_dim3A_49 {strides = array<i32>} : memref<512x8xf32, #tpu.memory_space<vmem>>, vector<512x8xf32>,
    return
  }
  func.func @transform_0(%arg0: i32) -> (i32, i32, i32) {
    %c0_i32 = arith.constant 0 : i32
    %c0_i32_0 = arith.constant 0 : i32
    %c0_i32_1 = arith.constant 0 : i32
    return %c0_i32, %arg0, %c0_i32_0 : i32, i32, i32
  }
  func.func @transform_1(%arg0: i32) -> (i32, i32) {
    %c0_i32 = arith.constant 0 : i32
    %c0_i32_0 = arith.constant 0 : i32
    return %arg0, %c0_i32 : i32, i32
  }
  func.func @transform_2(%arg0: i32) -> (i32, i32) {
    %c0_i32 = arith.constant 0 : i32
    %c0_i32_0 = arith.constant 0 : i32
    %c0_i32_1 = arith.constant 0 : i32
    return %c0_i32, %c0_i32_0 : i32, i32
  }
  func.func @transform_3(%arg0: i32) -> (i32, i32) {
    %c0_i32 = arith.constant 0 : i32
    %c0_i32_0 = arith.constant 0 : i32
    %c0_i32_1 = arith.constant 0 : i32
    return %c0_i32, %c0_i32_0 : i32, i32
  }
  func.func @transform_4(%arg0: i32) -> (i32, i32) {
    %c0_i32 = arith.constant 0 : i32
    %c0_i32_0 = arith.constant 0 : i32
    %c0_i32_1 = arith.constant 0 : i32
    return %c0_i32, %c0_i32_0 : i32, i32
  }
  func.func @transform_5(%arg0: i32) -> (i32, i32, i32) {
    %c0_i32 = arith.constant 0 : i32
    %c0_i32_0 = arith.constant 0 : i32
    %c0_i32_1 = arith.constant 0 : i32
    return %c0_i32, %arg0, %c0_i32_0 : i32, i32, i32
  }
  func.func @transform_6(%arg0: i32) -> (i32, i32) {
    %c0_i32 = arith.constant 0 : i32
    %c0_i32_0 = arith.constant 0 : i32
    return %arg0, %c0_i32 : i32, i32
  }
}

module attributes {stable_mosaic.version = 14 : i64} {
  func.func @_d2_body(%arg0: i32, %arg1: memref<2x512x64xbf16, #tpu.memory_space<vmem>>, %arg2: memref<2x512x64xbf16, #tpu.memory_space<vmem>>, %arg3: memref<2x512x64xbf16, #tpu.memory_space<vmem>>, %arg4: memref<512x8xf32, #tpu.memory_space<vmem>>, %arg5: memref<128x128xf32, #tpu.memory_space<vmem>>, %arg6: memref<128x128xf32, #tpu.memory_space<vmem>>, %arg7: memref<1x128xf32, #tpu.memory_space<vmem>>, %arg8: memref<128x64xf32, #tpu.memory_space<vmem>>, %arg9: memref<512x128xf32, #tpu.memory_space<vmem>>, %arg10: memref<512x64xbf16, #tpu.memory_space<vmem>>) attributes {dimension_semantics = [#tpu.dimension_semantics<arbitrary>], iteration_bounds = array<i64: 98>, scalar_prefetch = 0 : i64, scratch_operands = 0 : i64, tpu.core_type = #tpu.core_type<tc>, window_params = [{transform_indices = @transform_0, window_bounds = array<i64: 2, 512, 64>}, {transform_indices = @transform_1, window_bounds = array<i64: 2, 512, 64>}, {transform_indices = @transform_2, window_bounds = array<i64: 2, 512, 64>}, {transform_indices = @transform_3, window_bounds = array<i64: 512, 8>}, {pipeline_mode = #tpu.pipeline_mode<synchronous>, transform_indices = @transform_4, window_bounds = array<i64: 128, 128>}, {pipeline_mode = #tpu.pipeline_mode<synchronous>, transform_indices = @transform_5, window_bounds = array<i64: 128, 128>}, {pipeline_mode = #tpu.pipeline_mode<synchronous>, transform_indices = @transform_6, window_bounds = array<i64: 1, 128>}, {pipeline_mode = #tpu.pipeline_mode<synchronous>, transform_indices = @transform_7, window_bounds = array<i64: 128, 64>}, {transform_indices = @transform_8, window_bounds = array<i64: 512, 128>}, {transform_indices = @transform_9, window_bounds = array<i64: 512, 64>}]} {
    %get3A = arith.constant 0 : index
    %get3A_0 = arith.constant 0 : index
    %get3A_1 = arith.constant 0 : index
    %get3A_2 = vector.load %arg1[%get3A, %get3A_0, %get3A_1] : memref<2x512x64xbf16, #tpu.memory_space<vmem>>, vector<1x512x64xbf16>
    %get3A_3 = vector.shape_cast %get3A_2 : vector<1x512x64xbf16> to vector<512x64xbf16>
    %convert_element_type3A = arith.extf %get3A_3 : vector<512x64xbf16> to vector<512x64xf32>
    %get3A_4 = arith.constant 1 : index
    %get3A_5 = arith.constant 0 : index
    %get3A_6 = arith.constant 0 : index
    %get3A_7 = vector.load %arg1[%get3A_4, %get3A_5, %get3A_6] : memref<2x512x64xbf16, #tpu.memory_space<vmem>>, vector<1x512x64xbf16>
    %get3A_8 = vector.shape_cast %get3A_7 : vector<1x512x64xbf16> to vector<512x64xbf16>
    %convert_element_type3A_9 = arith.extf %get3A_8 : vector<512x64xbf16> to vector<512x64xf32>
    %add3A = arith.addf %convert_element_type3A, %convert_element_type3A_9 : vector<512x64xf32>
    %get3A_10 = arith.constant 0 : index
    %get3A_11 = arith.constant 0 : index
    %get3A_12 = arith.constant 0 : index
    %get3A_13 = vector.load %arg2[%get3A_10, %get3A_11, %get3A_12] : memref<2x512x64xbf16, #tpu.memory_space<vmem>>, vector<1x512x64xbf16>
    %get3A_14 = vector.shape_cast %get3A_13 : vector<1x512x64xbf16> to vector<512x64xbf16>
    %convert_element_type3A_15 = arith.extf %get3A_14 : vector<512x64xbf16> to vector<512x64xf32>
    %get3A_16 = arith.constant 1 : index
    %get3A_17 = arith.constant 0 : index
    %get3A_18 = arith.constant 0 : index
    %get3A_19 = vector.load %arg2[%get3A_16, %get3A_17, %get3A_18] : memref<2x512x64xbf16, #tpu.memory_space<vmem>>, vector<1x512x64xbf16>
    %get3A_20 = vector.shape_cast %get3A_19 : vector<1x512x64xbf16> to vector<512x64xbf16>
    %convert_element_type3A_21 = arith.extf %get3A_20 : vector<512x64xbf16> to vector<512x64xf32>
    %add3A_22 = arith.addf %convert_element_type3A_15, %convert_element_type3A_21 : vector<512x64xf32>
    %concatenate3A = tpu.concatenate %add3A, %add3A_22 in 1 : vector<512x64xf32>, vector<512x64xf32> -> vector<512x128xf32>
    %get3A_23 = arith.constant 0 : index
    %get3A_24 = arith.constant 0 : index
    %get3A_25 = vector.load %arg4[%get3A_23, %get3A_24] : memref<512x8xf32, #tpu.memory_space<vmem>>, vector<512x1xf32>
    %mul3A = vector.broadcast %get3A_25 : vector<512x1xf32> to vector<512x128xf32>
    %mul3A_26 = arith.mulf %concatenate3A, %mul3A : vector<512x128xf32>
    %get3A_27 = arith.constant 0 : index
    %get3A_28 = arith.constant 0 : index
    %get3A_29 = arith.constant 0 : index
    %get3A_30 = vector.load %arg3[%get3A_27, %get3A_28, %get3A_29] : memref<2x512x64xbf16, #tpu.memory_space<vmem>>, vector<1x512x64xbf16>
    %get3A_31 = vector.shape_cast %get3A_30 : vector<1x512x64xbf16> to vector<512x64xbf16>
    %get3A_32 = arith.constant 1 : index
    %get3A_33 = arith.constant 0 : index
    %get3A_34 = arith.constant 0 : index
    %get3A_35 = vector.load %arg3[%get3A_32, %get3A_33, %get3A_34] : memref<2x512x64xbf16, #tpu.memory_space<vmem>>, vector<1x512x64xbf16>
    %get3A_36 = vector.shape_cast %get3A_35 : vector<1x512x64xbf16> to vector<512x64xbf16>
    %concatenate3A_37 = tpu.concatenate %get3A_31, %get3A_36 in 1 : vector<512x64xbf16>, vector<512x64xbf16> -> vector<512x128xbf16>
    %convert_element_type3A_38 = arith.extf %concatenate3A_37 : vector<512x128xbf16> to vector<512x128xf32>
    %get3A_39 = arith.constant 0 : index
    %get3A_40 = arith.constant 0 : index
    %get3A_41 = vector.load %arg5[%get3A_39, %get3A_40] : memref<128x128xf32, #tpu.memory_space<vmem>>, vector<128x128xf32>
    %dot_general3A = arith.constant dense<0.000000e+00> : vector<512x128xf32>
    %dot_general3A_42 = tpu.matmul %mul3A_26, %get3A_41, %dot_general3A {dimension_numbers = #tpu.dot_dimension_numbers<[1], [0], [0], [1], [0, 0, 1, 1], [], []>, transpose_lhs_hint = false} : vector<512x128xf32>, vector<128x128xf32>, vector<512x128xf32> -> vector<512x128xf32>
    %get3A_43 = arith.constant 0 : index
    %get3A_44 = arith.constant 0 : index
    %get3A_45 = vector.load %arg6[%get3A_43, %get3A_44] : memref<128x128xf32, #tpu.memory_space<vmem>>, vector<128x128xf32>
    %dot_general3A_46 = arith.constant dense<0.000000e+00> : vector<512x128xf32>
    %dot_general3A_47 = tpu.matmul %convert_element_type3A_38, %get3A_45, %dot_general3A_46 {dimension_numbers = #tpu.dot_dimension_numbers<[1], [0], [0], [1], [0, 0, 1, 1], [], []>, transpose_lhs_hint = false} : vector<512x128xf32>, vector<128x128xf32>, vector<512x128xf32> -> vector<512x128xf32>
    %add3A_48 = arith.addf %dot_general3A_42, %dot_general3A_47 : vector<512x128xf32>
    %get3A_49 = arith.constant 0 : index
    %get3A_50 = arith.constant 0 : index
    %get3A_51 = vector.load %arg7[%get3A_49, %get3A_50] : memref<1x128xf32, #tpu.memory_space<vmem>>, vector<1x128xf32>
    %add3A_52 = vector.broadcast %get3A_51 : vector<1x128xf32> to vector<512x128xf32>
    %add3A_53 = arith.addf %add3A_48, %add3A_52 : vector<512x128xf32>
    %max3A = arith.constant 0.000000e+00 : f32
    %max3A_54 = vector.broadcast %max3A : f32 to vector<512x128xf32>
    %max3A_55 = arith.maximumf %add3A_53, %max3A_54 : vector<512x128xf32>
    %swap3A = arith.constant 0 : index
    %swap3A_56 = arith.constant 0 : index
    %swap3A_57 = vector.load %arg9[%swap3A, %swap3A_56] : memref<512x128xf32, #tpu.memory_space<vmem>>, vector<512x128xf32>
    tpu.vector_store %arg9[%swap3A, %swap3A_56], %max3A_55 {strides = array<i32>} : memref<512x128xf32, #tpu.memory_space<vmem>>, vector<512x128xf32>,
    %get3A_58 = arith.constant 0 : index
    %get3A_59 = arith.constant 0 : index
    %get3A_60 = vector.load %arg8[%get3A_58, %get3A_59] : memref<128x64xf32, #tpu.memory_space<vmem>>, vector<128x64xf32>
    %dot_general3A_61 = arith.constant dense<0.000000e+00> : vector<512x64xf32>
    %dot_general3A_62 = tpu.matmul %max3A_55, %get3A_60, %dot_general3A_61 {dimension_numbers = #tpu.dot_dimension_numbers<[1], [0], [0], [1], [0, 0, 1, 1], [], []>, transpose_lhs_hint = false} : vector<512x128xf32>, vector<128x64xf32>, vector<512x64xf32> -> vector<512x64xf32>
    %convert_element_type3A_63 = arith.truncf %dot_general3A_62 : vector<512x64xf32> to vector<512x64xbf16>
    %swap3A_64 = arith.constant 0 : index
    %swap3A_65 = arith.constant 0 : index
    %swap3A_66 = vector.load %arg10[%swap3A_64, %swap3A_65] : memref<512x64xbf16, #tpu.memory_space<vmem>>, vector<512x64xbf16>
    tpu.vector_store %arg10[%swap3A_64, %swap3A_65], %convert_element_type3A_63 {strides = array<i32>} : memref<512x64xbf16, #tpu.memory_space<vmem>>, vector<512x64xbf16>,
    return
  }
  func.func @transform_0(%arg0: i32) -> (i32, i32, i32) {
    %c0_i32 = arith.constant 0 : i32
    %c0_i32_0 = arith.constant 0 : i32
    %c0_i32_1 = arith.constant 0 : i32
    return %c0_i32, %arg0, %c0_i32_0 : i32, i32, i32
  }
  func.func @transform_1(%arg0: i32) -> (i32, i32, i32) {
    %c0_i32 = arith.constant 0 : i32
    %c0_i32_0 = arith.constant 0 : i32
    %c0_i32_1 = arith.constant 0 : i32
    return %c0_i32, %arg0, %c0_i32_0 : i32, i32, i32
  }
  func.func @transform_2(%arg0: i32) -> (i32, i32, i32) {
    %c0_i32 = arith.constant 0 : i32
    %c0_i32_0 = arith.constant 0 : i32
    %c0_i32_1 = arith.constant 0 : i32
    return %c0_i32, %arg0, %c0_i32_0 : i32, i32, i32
  }
  func.func @transform_3(%arg0: i32) -> (i32, i32) {
    %c0_i32 = arith.constant 0 : i32
    %c0_i32_0 = arith.constant 0 : i32
    return %arg0, %c0_i32 : i32, i32
  }
  func.func @transform_4(%arg0: i32) -> (i32, i32) {
    %c0_i32 = arith.constant 0 : i32
    %c0_i32_0 = arith.constant 0 : i32
    %c0_i32_1 = arith.constant 0 : i32
    return %c0_i32, %c0_i32_0 : i32, i32
  }
  func.func @transform_5(%arg0: i32) -> (i32, i32) {
    %c0_i32 = arith.constant 0 : i32
    %c0_i32_0 = arith.constant 0 : i32
    %c0_i32_1 = arith.constant 0 : i32
    return %c0_i32, %c0_i32_0 : i32, i32
  }
  func.func @transform_6(%arg0: i32) -> (i32, i32) {
    %c0_i32 = arith.constant 0 : i32
    %c0_i32_0 = arith.constant 0 : i32
    %c0_i32_1 = arith.constant 0 : i32
    return %c0_i32, %c0_i32_0 : i32, i32
  }
  func.func @transform_7(%arg0: i32) -> (i32, i32) {
    %c0_i32 = arith.constant 0 : i32
    %c0_i32_0 = arith.constant 0 : i32
    %c0_i32_1 = arith.constant 0 : i32
    return %c0_i32, %c0_i32_0 : i32, i32
  }
  func.func @transform_8(%arg0: i32) -> (i32, i32) {
    %c0_i32 = arith.constant 0 : i32
    %c0_i32_0 = arith.constant 0 : i32
    return %arg0, %c0_i32 : i32, i32
  }
  func.func @transform_9(%arg0: i32) -> (i32, i32) {
    %c0_i32 = arith.constant 0 : i32
    %c0_i32_0 = arith.constant 0 : i32
    return %arg0, %c0_i32 : i32, i32
  }
}

module attributes {stable_mosaic.version = 14 : i64} {
  func.func @_d3_body(%arg0: i32, %arg1: memref<2x512x64xbf16, #tpu.memory_space<vmem>>, %arg2: memref<512x128xf32, #tpu.memory_space<vmem>>, %arg3: memref<512x8xf32, #tpu.memory_space<vmem>>, %arg4: memref<128x64xf32, #tpu.memory_space<vmem>>, %arg5: memref<1x64xf32, #tpu.memory_space<vmem>>, %arg6: memref<64x40xf32, #tpu.memory_space<vmem>>, %arg7: memref<1x40xf32, #tpu.memory_space<vmem>>, %arg8: memref<512x40xf32, #tpu.memory_space<vmem>>) attributes {dimension_semantics = [#tpu.dimension_semantics<arbitrary>], iteration_bounds = array<i64: 98>, scalar_prefetch = 0 : i64, scratch_operands = 0 : i64, tpu.core_type = #tpu.core_type<tc>, window_params = [{transform_indices = @transform_0, window_bounds = array<i64: 2, 512, 64>}, {transform_indices = @transform_1, window_bounds = array<i64: 512, 128>}, {transform_indices = @transform_2, window_bounds = array<i64: 512, 8>}, {pipeline_mode = #tpu.pipeline_mode<synchronous>, transform_indices = @transform_3, window_bounds = array<i64: 128, 64>}, {pipeline_mode = #tpu.pipeline_mode<synchronous>, transform_indices = @transform_4, window_bounds = array<i64: 1, 64>}, {pipeline_mode = #tpu.pipeline_mode<synchronous>, transform_indices = @transform_5, window_bounds = array<i64: 64, 40>}, {pipeline_mode = #tpu.pipeline_mode<synchronous>, transform_indices = @transform_6, window_bounds = array<i64: 1, 40>}, {transform_indices = @transform_7, window_bounds = array<i64: 512, 40>}]} {
    %get3A = arith.constant 0 : index
    %get3A_0 = arith.constant 0 : index
    %get3A_1 = arith.constant 0 : index
    %get3A_2 = vector.load %arg1[%get3A, %get3A_0, %get3A_1] : memref<2x512x64xbf16, #tpu.memory_space<vmem>>, vector<1x512x64xbf16>
    %get3A_3 = vector.shape_cast %get3A_2 : vector<1x512x64xbf16> to vector<512x64xbf16>
    %convert_element_type3A = arith.extf %get3A_3 : vector<512x64xbf16> to vector<512x64xf32>
    %get3A_4 = arith.constant 1 : index
    %get3A_5 = arith.constant 0 : index
    %get3A_6 = arith.constant 0 : index
    %get3A_7 = vector.load %arg1[%get3A_4, %get3A_5, %get3A_6] : memref<2x512x64xbf16, #tpu.memory_space<vmem>>, vector<1x512x64xbf16>
    %get3A_8 = vector.shape_cast %get3A_7 : vector<1x512x64xbf16> to vector<512x64xbf16>
    %convert_element_type3A_9 = arith.extf %get3A_8 : vector<512x64xbf16> to vector<512x64xf32>
    %add3A = arith.addf %convert_element_type3A, %convert_element_type3A_9 : vector<512x64xf32>
    %get3A_10 = arith.constant 0 : index
    %get3A_11 = arith.constant 0 : index
    %get3A_12 = vector.load %arg3[%get3A_10, %get3A_11] : memref<512x8xf32, #tpu.memory_space<vmem>>, vector<512x1xf32>
    %mul3A = vector.broadcast %get3A_12 : vector<512x1xf32> to vector<512x64xf32>
    %mul3A_13 = arith.mulf %add3A, %mul3A : vector<512x64xf32>
    %get3A_14 = arith.constant 0 : index
    %get3A_15 = arith.constant 0 : index
    %get3A_16 = vector.load %arg2[%get3A_14, %get3A_15] : memref<512x128xf32, #tpu.memory_space<vmem>>, vector<512x128xf32>
    %get3A_17 = arith.constant 0 : index
    %get3A_18 = arith.constant 0 : index
    %get3A_19 = vector.load %arg4[%get3A_17, %get3A_18] : memref<128x64xf32, #tpu.memory_space<vmem>>, vector<128x64xf32>
    %dot_general3A = arith.constant dense<0.000000e+00> : vector<512x64xf32>
    %dot_general3A_20 = tpu.matmul %get3A_16, %get3A_19, %dot_general3A {dimension_numbers = #tpu.dot_dimension_numbers<[1], [0], [0], [1], [0, 0, 1, 1], [], []>, transpose_lhs_hint = false} : vector<512x128xf32>, vector<128x64xf32>, vector<512x64xf32> -> vector<512x64xf32>
    %add3A_21 = arith.addf %mul3A_13, %dot_general3A_20 : vector<512x64xf32>
    %get3A_22 = arith.constant 0 : index
    %get3A_23 = arith.constant 0 : index
    %get3A_24 = vector.load %arg5[%get3A_22, %get3A_23] : memref<1x64xf32, #tpu.memory_space<vmem>>, vector<1x64xf32>
    %add3A_25 = vector.broadcast %get3A_24 : vector<1x64xf32> to vector<512x64xf32>
    %add3A_26 = arith.addf %add3A_21, %add3A_25 : vector<512x64xf32>
    %max3A = arith.constant 0.000000e+00 : f32
    %max3A_27 = vector.broadcast %max3A : f32 to vector<512x64xf32>
    %max3A_28 = arith.maximumf %add3A_26, %max3A_27 : vector<512x64xf32>
    %get3A_29 = arith.constant 0 : index
    %get3A_30 = arith.constant 0 : index
    %get3A_31 = vector.load %arg6[%get3A_29, %get3A_30] : memref<64x40xf32, #tpu.memory_space<vmem>>, vector<64x40xf32>
    %dot_general3A_32 = arith.constant dense<0.000000e+00> : vector<512x40xf32>
    %dot_general3A_33 = tpu.matmul %max3A_28, %get3A_31, %dot_general3A_32 {dimension_numbers = #tpu.dot_dimension_numbers<[1], [0], [0], [1], [0, 0, 1, 1], [], []>, transpose_lhs_hint = false} : vector<512x64xf32>, vector<64x40xf32>, vector<512x40xf32> -> vector<512x40xf32>
    %get3A_34 = arith.constant 0 : index
    %get3A_35 = arith.constant 0 : index
    %get3A_36 = vector.load %arg7[%get3A_34, %get3A_35] : memref<1x40xf32, #tpu.memory_space<vmem>>, vector<1x40xf32>
    %add3A_37 = vector.broadcast %get3A_36 : vector<1x40xf32> to vector<512x40xf32>
    %add3A_38 = arith.addf %dot_general3A_33, %add3A_37 : vector<512x40xf32>
    %swap3A = arith.constant 0 : index
    %swap3A_39 = arith.constant 0 : index
    %swap3A_40 = vector.load %arg8[%swap3A, %swap3A_39] : memref<512x40xf32, #tpu.memory_space<vmem>>, vector<512x40xf32>
    tpu.vector_store %arg8[%swap3A, %swap3A_39], %add3A_38 {strides = array<i32>} : memref<512x40xf32, #tpu.memory_space<vmem>>, vector<512x40xf32>,
    return
  }
  func.func @transform_0(%arg0: i32) -> (i32, i32, i32) {
    %c0_i32 = arith.constant 0 : i32
    %c0_i32_0 = arith.constant 0 : i32
    %c0_i32_1 = arith.constant 0 : i32
    return %c0_i32, %arg0, %c0_i32_0 : i32, i32, i32
  }
  func.func @transform_1(%arg0: i32) -> (i32, i32) {
    %c0_i32 = arith.constant 0 : i32
    %c0_i32_0 = arith.constant 0 : i32
    return %arg0, %c0_i32 : i32, i32
  }
  func.func @transform_2(%arg0: i32) -> (i32, i32) {
    %c0_i32 = arith.constant 0 : i32
    %c0_i32_0 = arith.constant 0 : i32
    return %arg0, %c0_i32 : i32, i32
  }
  func.func @transform_3(%arg0: i32) -> (i32, i32) {
    %c0_i32 = arith.constant 0 : i32
    %c0_i32_0 = arith.constant 0 : i32
    %c0_i32_1 = arith.constant 0 : i32
    return %c0_i32, %c0_i32_0 : i32, i32
  }
  func.func @transform_4(%arg0: i32) -> (i32, i32) {
    %c0_i32 = arith.constant 0 : i32
    %c0_i32_0 = arith.constant 0 : i32
    %c0_i32_1 = arith.constant 0 : i32
    return %c0_i32, %c0_i32_0 : i32, i32
  }
  func.func @transform_5(%arg0: i32) -> (i32, i32) {
    %c0_i32 = arith.constant 0 : i32
    %c0_i32_0 = arith.constant 0 : i32
    %c0_i32_1 = arith.constant 0 : i32
    return %c0_i32, %c0_i32_0 : i32, i32
  }
  func.func @transform_6(%arg0: i32) -> (i32, i32) {
    %c0_i32 = arith.constant 0 : i32
    %c0_i32_0 = arith.constant 0 : i32
    %c0_i32_1 = arith.constant 0 : i32
    return %c0_i32, %c0_i32_0 : i32, i32
  }
  func.func @transform_7(%arg0: i32) -> (i32, i32) {
    %c0_i32 = arith.constant 0 : i32
    %c0_i32_0 = arith.constant 0 : i32
    return %arg0, %c0_i32 : i32, i32
  }
}

</mosaic_0001>

<sc_bundles>
// kernel: kernel.12.cloned.1.call-start
scs
__scs_entry_jumppad:
0x0: {  	(pc) =	sbr.rel $0x88, $3  }
0x1: {  	(tag) =	ssettag $0x0;
	lr =	simm.s32 $0x1  }
0x2: {  	[smem:$0x3F94] =	sst lr;
	_ =	strace $0xD0000000  }
0x3: {  	_ = 	snop  }
0x4: {  	_ = 	snop  }
0x5: {  	_ = 	snop  }
0x6: {  	_ = 	snop  }
0x7: {  	_ = 	snop  }
__scs_overlays_trampoline_lowered:
0x8: {  	[smem:$0x3FA3] =	sst s0  }
0x9: {  	[smem:$0x3FA4] =	sst s1  }
0xa: {  	[smem:$0x3FA5] =	sst s2  }
0xb: {  	[smem:$0x3FA6] =	sst s3  }
0xc: {  	[smem:$0x3FA7] =	sst s4  }
0xd: {  	[smem:$0x3FA8] =	sst s5  }
0xe: {  	[smem:$0x3FA9] =	sst s6  }
0xf: {  	[smem:$0x3FAA] =	sst s7  }
0x10: {  	[smem:$0x3FAB] =	sst s8  }
0x11: {  	[smem:$0x3FAC] =	sst s9;
	s0 =	simm.s32 @!p0 $0x0  }
0x12: {  	s1 =	sld [smem:$0x3F92];
	s0 =	simm.s32 @p0 $0x1  }
0x13: {  	[smem:$0x3FAD] =	sst s0;
	s0 =	simm.s32 @!p1 $0x0  }
0x14: {  	s2 =	sld [smem:$0x3F91];
	s0 =	simm.s32 @p1 $0x1  }
0x15: {  	[smem:$0x3FAE] =	sst s0;
	s0 =	simm.s32 @!p2 $0x0  }
0x16: {  	s3 =	sld [smem:$0x3FDB];
	s0 =	simm.s32 @p2 $0x1  }
0x17: {  	s4 =	simm.s32 $0x1BF5;
	[smem:$0x3FB0] =	sst s0  }
0x18: {  	s0 =	sld [smem:$0x3F93];
	_ =	swait.ge [sflag:s4], $0x0  }
0x19: {  	s7 =	sld [smem:$0x3F94]  }
0x1a: {  	s8 =	sadd.s32 $0xFFFFE003, lr  }
0x1b: {  	s9 =	sadd.s32 $0xFFFFFEF7, lr;
	s5 =	simm.s32 $0xFFFFFFFF;
	p2 =	slt.u32 s8, $0xFFFFF086  }
0x1c: {  	p1 =	slt.u32 s9, $0xF7A;
	s5 =	simm.s32 @!p2 $0x0  }
0x1d: {  	s5 =	simm.s32 @p1 $0x1;
	p0 =	seq.s32 s7, s2  }
0x1e: {  	s7 =	smul.u32 @!p0 $0xF7A, s2;
	p2 =	seq.s32 @!p0 s5, $0x0  }
0x1f: {  	s9 =	smul.u32 $0xF7A, s1;
	s8 =	simm.s32 @!p0 $0x1BF5;
	p2 =	por !p2, p0  }
0x20: {  	[sflag:s8] =	ssyncset.s32 @!p0 $0xFFFFF086;
	s6 =	sadd.s32 @!p0 s3, s7;
	s7 =	simm.s32 @!p0 $0x108  }
0x21: {  	s3 =	sadd.s32 s3, s9;
	s6 =	sadd.s32 @!p0 $0x88, s6;
	s7 =	simm.s32 @p2 $0x1082  }
0x22: {  	[simem:s7], [sflag:s8] =	dma.local @!p0 [hbm:s6], $0xF7A  }
0x23: {  	s9 =	sor.u32 $0xD0000000, s2;
	s6 =	simm.s32 $0x108;
	_ =	swait.ge @!p0 [sflag:s8], $0x0  }
0x24: {  	s3 =	sadd.s32 $0x88, s3;
	s6 =	simm.s32 @!p1 $0x1082;
	[sflag:s4] =	ssyncset.s32 $0xFFFFF086  }
0x25: {  	[simem:s6], [sflag:s4] =	dma.local [hbm:s3], $0xF7A  }
0x26: {  	[smem:$0x3F94] =	sst s1;
	(tag) =	ssettag s2;
	_ =	strace s9  }
0x27: {  	s1 =	sld [smem:$0x3FA4]  }
0x28: {  	s2 =	sld [smem:$0x3FA5]  }
0x29: {  	s4 =	sld [smem:$0x3FA7]  }
0x2a: {  	p0 =	seq.s32 s5, $0x0;
	s5 =	sld [smem:$0x3FA8]  }
0x2b: {  	s6 =	sld [smem:$0x3FA9]  }
0x2c: {  	s7 =	sld [smem:$0x3FAA]  }
0x2d: {  	s3 =	simm.s32 $0x108;
	s8 =	sld [smem:$0x3FAB]  }
0x2e: {  	s3 =	simm.s32 @!p0 $0x1082;
	s9 =	sld [smem:$0x3FAC]  }
0x2f: {  	lr =	sadd.s32 s0, s3;
	s0 =	sld [smem:$0x3FA3]  }
0x30: {  	s3 =	sld [smem:$0x3FA6]  }
0x31: {  	[smem:$0x3FAF] =	sst s10  }
0x32: {  	s10 =	sld [smem:$0x3FAD];
	_ =	sdelay $0x3  }
0x33: {  	p0 =	seq.s32 s10, $0x1;
	s10 =	sld [smem:$0x3FAF];
	_ =	sdelay $0x3  }
0x34: {  	[smem:$0x3FAF] =	sst s10  }
0x35: {  	s10 =	sld [smem:$0x3FAE];
	_ =	sdelay $0x3  }
0x36: {  	p1 =	seq.s32 s10, $0x1;
	s10 =	sld [smem:$0x3FAF];
	_ =	sdelay $0x3  }
0x37: {  	[smem:$0x3FAF] =	sst s10  }
0x38: {  	s10 =	sld [smem:$0x3FB0]  }
0x39: {  	_ = 	snop;
	(pc) =	sbr.ind lr, $3  }
0x3a: {  	_ = 	snop  }
0x3b: {  	_ = 	snop  }
0x3c: {  	p2 =	seq.s32 s10, $0x1;
	s10 =	sld [smem:$0x3FAF]  }
0x3d: {  	_ =	shalt  }
0x3e: {  	_ =	shalt  }
0x3f: {  	_ =	shalt  }
0x40: {  	_ =	shalt  }
0x41: {  	_ =	shalt  }
0x42: {  	_ =	shalt  }
0x43: {  	_ =	shalt  }
0x44: {  	_ =	shalt  }
0x45: {  	_ =	shalt  }
0x46: {  	_ =	shalt  }
0x47: {  	_ =	shalt  }
0x48: {  	_ =	shalt  }
0x49: {  	_ =	shalt  }
0x4a: {  	_ =	shalt  }
0x4b: {  	_ =	shalt  }
0x4c: {  	_ =	shalt  }
0x4d: {  	_ =	shalt  }
0x4e: {  	_ =	shalt  }
0x4f: {  	_ =	shalt  }
0x50: {  	_ =	shalt  }
0x51: {  	_ =	shalt  }
0x52: {  	_ =	shalt  }
0x53: {  	_ =	shalt  }
0x54: {  	_ =	shalt  }
0x55: {  	_ =	shalt  }
0x56: {  	_ =	shalt  }
0x57: {  	_ =	shalt  }
0x58: {  	_ =	shalt  }
0x59: {  	_ =	shalt  }
0x5a: {  	_ =	shalt  }
0x5b: {  	_ =	shalt  }
0x5c: {  	_ =	shalt  }
0x5d: {  	_ =	shalt  }
0x5e: {  	_ =	shalt  }
0x5f: {  	_ =	shalt  }
0x60: {  	_ =	shalt  }
0x61: {  	_ =	shalt  }
0x62: {  	_ =	shalt  }
0x63: {  	_ =	shalt  }
0x64: {  	_ =	shalt  }
0x65: {  	_ =	shalt  }
0x66: {  	_ =	shalt  }
0x67: {  	_ =	shalt  }
0x68: {  	_ =	shalt  }
0x69: {  	_ =	shalt  }
0x6a: {  	_ =	shalt  }
0x6b: {  	_ =	shalt  }
0x6c: {  	_ =	shalt  }
0x6d: {  	_ =	shalt  }
0x6e: {  	_ =	shalt  }
0x6f: {  	_ =	shalt  }
0x70: {  	_ =	shalt  }
0x71: {  	_ =	shalt  }
0x72: {  	_ =	shalt  }
0x73: {  	_ =	shalt  }
0x74: {  	_ =	shalt  }
0x75: {  	_ =	shalt  }
0x76: {  	_ =	shalt  }
0x77: {  	_ =	shalt  }
0x78: {  	_ =	shalt  }
0x79: {  	_ =	shalt  }
0x7a: {  	_ =	shalt  }
0x7b: {  	_ =	shalt  }
0x7c: {  	_ =	shalt  }
0x7d: {  	_ =	shalt  }
0x7e: {  	_ =	shalt  }
0x7f: {  	_ =	shalt  }
0x80: {  	_ =	shalt  }
0x81: {  	_ =	shalt  }
0x82: {  	_ =	shalt  }
0x83: {  	_ =	shalt  }
0x84: {  	_ =	shalt  }
0x85: {  	_ =	shalt  }
0x86: {  	_ =	shalt  }
0x87: {  	_ =	shalt  }
.Lfunc_end0:
.L_simem_size_0:
called_computation.1_lowered:
.L_overlay_start_0:
0x88: {  	s2 =	sld [smem:$0x3FD9]  }
0x89: {  	s3 =	sld [smem:$0x3FFE];
	_ =	sdelay $0x1  }
0x8a: {  	s1 =	srdreg.scid  }
0x8b: {  	s0 =	sand.u32 $0x1, s1  }
0x8c: {  	s17 =	sshll.u32 s0, $0xA;
	s2 =	sadd.s32 s3, s2  }
0x8d: {  	s2 =	sadd.s32 s2, s17  }
0x8e: {  	[smem:$0x3FBB] =	sst s2  }
0x8f: {  	_ = 	snop  }
0x90: {  	s18 =	sld [smem:$0x3FD0];
	(tm) =	ssettm $0x1  }
0x91: {  	s19 =	sld [smem:$0x3FFB];
	_ =	sdelay $0x3  }
0x92: {  	_ =	strace s19  }
0x93: {  	s2 =	sld [smem:$0x3FFC];
	_ =	sdelay $0x3  }
0x94: {  	_ =	strace s2  }
0x95: {  	s2 =	sld [smem:$0x3FFD];
	_ =	sdelay $0x3  }
0x96: {  	_ =	strace s2  }
0x97: {  	_ =	strace $0x8FFFFFFF  }
0x98: {  	s20 =	sld [smem:$0x3FDB];
	_ =	sdelay $0x1  }
0x99: {  	s4 =	simm.s32 $_scs_section_size  }
0x9a: {  	s5 =	simm.s32 $_size__tile_overlayer_lowered;
	s6 =	simm.s32 $_tile_overlayer_lowered  }
0x9b: {  	s7 =	simm.s32 $0x1BFF;
	s21 =	sshll.u32 s6, $0x1;
	s4 =	sadd.s32 s4, s20  }
0x9c: {  	s22 =	simm.s32 $0x0;
	s5 =	sshll.u32 s5, $0x1;
	s6 =	sadd.s32 s21, s4  }
0x9d: {  	[timem:s22], [sflag:s7] =	dma.local [hbm:s6], s5  }
0x9e: {  	_ =	swait.ge [sflag:s7], s5  }
0x9f: {  	s5 =	ssub.s32 $0x0, s5;
	[sflag:s7] =	ssyncset.done $0x0  }
0xa0: {  	[sflag:s7] =	ssyncadd.s32 s5;
	_ =	sdelay $0x1  }
0xa1: {  	s23 =	simm.s32 $0x1B8B  }
0xa2: {  	_ =	swait.ge [sflag:s23], $0x1  }
0xa3: {  	[sflag:s23] =	ssyncset.done $0x0  }
0xa4: {  	[sflag:s23] =	ssyncadd.s32 $0xFFFFFFFF  }
0xa5: {  	s5 =	sld [smem:$0x0]  }
0xa6: {  	s6 =	sand.u32 $0xFFFFFFFE, s1  }
0xa7: {  	p0 =	sne.s32 s1, s6  }
0xa8: {  	s6 =	sshll.u32 @p0 s6, $0xE  }
0xa9: {  	s6 =	sadd.s32 @p0 $0x11B8D, s6;
	s7 =	sshll.u32 @p0 s5, $0x11  }
0xaa: {  	s6 =	sor.u32 @p0 s7, s6  }
0xab: {  	[sflag:s6] =	ssyncadd.remote.s32 @p0 $0x1;
	_ =	sdelay $0x1  }
0xac: {  	s6 =	simm.s32 @p0 $0x1B8D  }
0xad: {  	_ =	swait.eq @p0 [sflag:s6], $0x1  }
0xae: {  	[sflag:s6] =	ssyncadd.s32 @p0 $0xFFFFFFFF  }
0xaf: {  	s7 =	sshll.u32 @!p0 s1, $0xE  }
0xb0: {  	s7 =	sor.u32 @!p0 $0x4000, s7;
	s6 =	simm.s32 @!p0 $0x1B8D  }
0xb1: {  	s5 =	sshll.u32 @!p0 s5, $0x11;
	s7 =	sadd.s32 @!p0 $0x11B8D, s7;
	_ =	swait.eq @!p0 [sflag:s6], $0x1  }
0xb2: {  	s5 =	sor.u32 @!p0 s5, s7;
	[sflag:s6] =	ssyncadd.s32 @!p0 $0xFFFFFFFF  }
0xb3: {  	s25 =	simm.s32 $0x1B8E;
	s24 =	sld [smem:$0x3FFE];
	[sflag:s5] =	ssyncadd.remote.s32 @!p0 $0x1  }
0xb4: {  	s26 =	simm.s32 $execute0_lowered;
	[smem:$0x3FD2] =	sst s25  }
0xb5: {  	s6 =	sshll.u32 s26, $0x1;
	_ =	strace $0x8000004C;
	[dreg:$0x1] =	wrdreg $0xFFFFFFFF  }
0xb6: {  	s28 =	simm.s32 $_size_execute0_lowered;
	s4 =	sadd.s32 s4, s6;
	[dreg:$0x0] =	wrdreg $0x0  }
0xb7: {  	s6 =	sshll.u32 s28, $0x1;
	[dreg:$0x2] =	wrdreg s4  }
0xb8: {  	[dreg:$0x3] =	wrdreg s6  }
0xb9: {  	[dreg:$0x4] =	wrdreg $0xC0  }
0xba: {  	_ =	task [dreg:s22], $0x5FFFF  }
0xbb: {  	[dreg:$0x1] =	wrdreg $0xFFFFFFFF  }
0xbc: {  	[dreg:$0x0] =	wrdreg $0x60  }
0xbd: {  	[dreg:$0x2] =	wrdreg s18  }
0xbe: {  	[dreg:$0x3] =	wrdreg s24  }
0xbf: {  	[dreg:$0x4] =	wrdreg $0x48000  }
0xc0: {  	[dreg:$0x5] =	wrdreg $0x9  }
0xc1: {  	_ =	task.clear_ibuf [dreg:s22], $0x6FFFF;
	_ =	strace $0x9000004C  }
0xc2: {  	s29 =	simm.s32 $0x9;
	_ =	strace $0x8000004E  }
0xc3: {  	_ =	swait.ge [sflag:s29], $0x1  }
0xc4: {  	[sflag:s29] =	ssyncadd.s32 $0xFFFFFFFF  }
0xc5: {  	_ =	strace $0x9000004E  }
0xc6: {  	_ =	sfence  }
0xc7: {  	s30 =	sld [smem:$0x0];
	_ =	sdelay $0x2  }
0xc8: {  	s31 =	sshll.u32 s1, $0xD;
	s1 =	sshrl.u32 s1, $0x2  }
0xc9: {  	s4 =	sand.u32 $0x4000, s31;
	s1 =	sadd.s32 s1, s30  }
0xca: {  	s0 =	sor.u32 s4, s0;
	s1 =	sshll.u32 s1, $0x11  }
0xcb: {  	s0 =	sor.u32 s1, s0  }
0xcc: {  	s0 =	sadd.s32 $0x8F2B, s0  }
0xcd: {  	[sflag:s0] =	ssyncadd.remote.s32 $0x1  }
0xce: {  	_ =	sfence.sel $0xFFFF  }
0xcf: {  	[dreg:$0x0] =	wrdreg $0xFFFFFFFF;
	(pc) =	sbr.abs _section_cstart, $3  }
0xd0: {  	[dreg:$0x1] =	wrdreg $0xFFFFFFFF  }
0xd1: {  	_ =	task.clear_ibuf [dreg:s22], $0x2FFFF;
	_ =	strace $0x9FFFFFFF  }
0xd2: {  	(tm) =	ssettm $0x7FFFFFFF  }
0xd3: {  	_ =	shalt  }
tec
execute0_lowered:
.L_overlay_start_1:
0x0: {  	(tag) =	ssettag $0x1  }
0x1: {  	s1 =	rddreg [dreg:$0x0]  }
0x2: {  	s8 =	rddreg [dreg:$0x1]  }
0x3: {  	s3 =	rddreg [dreg:$0x2]  }
0x4: {  	s5 =	srdreg.scid;
	s0 =	stileid.u32;
	s4 =	simm.s32 $0x0  }
0x5: {  	s17 =	simm.s32 $0x800;
	s18 =	simm.s32 $0x2800;
	s19 =	simm.s32 $0x1  }
0x6: {  	s20 =	simm.s32 $0x100;
	s21 =	simm.s32 $0x2;
	s22 =	simm.s32 $0x5  }
0x7: {  	s23 =	simm.s32 $0x6;
	s24 =	simm.s32 $0x3;
	s25 =	simm.s32 $0x4  }
0x8: {  	s9 =	sand.u32 $0x1, s5;
	s10 =	smul.u32 $0x31000, s0;
	[smem:$0x7FF] =	sst s4  }
0x9: {  	s5 =	sadd.s32 $0xF8800, s8;
	s6 =	sadd.s32 $0xDF800, s8;
	s31 =	smul.u32 $0x6400, s0  }
0xa: {  	s7 =	sadd.s32 $0x113200, s8;
	s29 =	sshll.u32 s0, $0x6;
	s11 =	smul.u32 $0x310000, s9  }
0xb: {  	_ =	strace $0x8000004D;
	s12 =	sshll.u32 s9, $0x4;
	s13 =	ssub.s32 $0x2, s9  }
0xc: {  	s14 =	smul.u32 $0x64000, s9;
	s12 =	sor.u32 s0, s12;
	s26 =	sshrl.u32 s13, $0x1  }
0xd: {  	s28 =	sshrl.u32 s10, $0x1;
	s11 =	sadd.s32 s10, s11;
	s12 =	smul.u32 $0x6400, s12  }
0xe: {  	s13 =	ssub.s32 s13, s26;
	s15 =	sadd.s32 s28, s3;
	s11 =	sshrl.u32 s11, $0x4  }
0xf: {  	s14 =	sadd.s32 s31, s14;
	s26 =	simm.s32 $0x0;
	s11 =	sadd.s32 s11, s8  }
0x10: {  	s30 =	sshrl.u32 s12, $0x3;
	s8 =	sor.u32 $0x1C07, s29;
	s12 =	smax.u32 s13, $0x1  }
0x11: {  	s13 =	sor.u32 $0x200, s14;
	s14 =	sshrl.u32 s15, $0x3;
	s15 =	simm.s32 $0x7  }
0x12: {  	s9 =	sadd.s32 s5, s30;
	s10 =	sadd.s32 s6, s30;
	s11 =	sadd.s32 $0x116400, s11  }
.LBB2_1:
0x13: {  	[spmem:s14], [sflag:s8] =	dma.local [hbm:s7], $0x3100  }
0x14: {  	_ =	swait.ge [sflag:s15], $0x3100  }
0x15: {  	[sflag:s15] =	ssyncset.done $0x0  }
0x16: {  	[sflag:s15] =	ssyncadd.s32 $0xFFFFCF00  }
0x17: {  	[tilespmem:s4], [sflag:$0x7] =	stream.linear.gather [hbm4b:s9+s4], $0x200, $0x38;
	[tilespmem:$0x1D000] =	vst v63  }
0x18: {  	_ =	swait.ge [sflag:s15], $0x200  }
0x19: {  	[sflag:s15] =	ssyncset.done $0x0  }
0x1a: {  	s0 =	simm.s32 $0x400;
	[sflag:s15] =	ssyncadd.s32 $0xFFFFFE00  }
0x1b: {  	[tilespmem:s0], [sflag:$0x7] =	stream.linear.gather [hbm4b:s10+s4], $0x200, $0x38;
	[tilespmem:$0x1D000] =	vst v63  }
.Ltmp0:
0x1c: {  	_ =	swait.ge [sflag:s15], $0x200;
	(pc) =	sbr.rel .LBB2_2-.Ltmp0, $4  }
0x1d: {  	[sflag:s15] =	ssyncset.done $0x0  }
0x1e: {  	[sflag:s15] =	ssyncadd.s32 $0xFFFFFE00  }
0x1f: {  	[bflag:$0x0] =	sbarrier.arrive $0xFFFF  }
0x20: {  	s28 =	simm.s32 $0x31;
	s29 =	simm.s32 $0x0  }
.LBB2_3:
0x21: {  	s30 =	simm.s32 $0x100;
	s31 =	simm.s32 $0x0  }
0x22: {  	[tilespmem:s17], [sflag:$0x1] =	stream.indirect.gather [hbm4b:s1+s30], $0x20, s31, s30, $0xb8;
	[tilespmem:$0x1D000] =	vst v63  }
0x23: {  	_ = 	snop  }
0x24: {  	[tilespmem:s18], [sflag:$0x2] =	stream.indirect.gather [hbm4b:s1+s30], $0x20, s30, s30, $0xb8;
	[tilespmem:$0x1D000] =	vst v63  }
.LBB2_5:
0x25: {  	s0 =	sadd.s32 s29, s13  }
0x26: {  	s0 =	sshrl.u32 s0, $0x3  }
0x27: {  	s2 =	ssub.s32 $0x200, s31;
	s16 =	sadd.s32 s5, s0  }
0x28: {  	[tilespmem:s2], [sflag:$0x5] =	stream.linear.gather [hbm4b:s16+s4], $0x200, $0x38;
	[tilespmem:$0x1D000] =	vst v63  }
0x29: {  	s0 =	sadd.s32 s6, s0;
	s16 =	ssub.s32 $0x600, s31  }
0x2a: {  	[tilespmem:s16], [sflag:$0x6] =	stream.linear.gather [hbm4b:s0+s4], $0x200, $0x38;
	[tilespmem:$0x1D000] =	vst v63  }
0x2b: {  	_ =	swait.ge [sflag:s19], $0x2000  }
0x2c: {  	[sflag:s19] =	ssyncset.done $0x0  }
0x2d: {  	s16 =	sor.u32 $0x400, s31;
	[sflag:s19] =	ssyncadd.s32 $0xFFFFE000  }
0x2e: {  	[spmem:s3] =	stream.indirect.scatter.add.bf16 [tilespmem:s17], [sflag:$0x3], $0x20, s16, s20, $0xb8;
	[tilespmem:$0x1D000] =	vst v63  }
0x2f: {  	_ =	swait.ge [sflag:s21], $0x2000  }
0x30: {  	[sflag:s21] =	ssyncset.done $0x0  }
0x31: {  	s31 =	sor.u32 $0x400, s30;
	[sflag:s21] =	ssyncadd.s32 $0xFFFFE000  }
0x32: {  	[spmem:s3] =	stream.indirect.scatter.add.bf16 [tilespmem:s18], [sflag:$0x4], $0x20, s31, s20, $0xb8;
	[tilespmem:$0x1D000] =	vst v63  }
0x33: {  	_ =	swait.ge [sflag:s22], $0x200  }
0x34: {  	[sflag:s22] =	ssyncset.done $0x0  }
0x35: {  	[sflag:s22] =	ssyncadd.s32 $0xFFFFFE00  }
0x36: {  	_ =	swait.ge [sflag:s23], $0x200  }
0x37: {  	[sflag:s23] =	ssyncset.done $0x0  }
0x38: {  	s29 =	sadd.s32 $0x200, s29;
	s28 =	sadd.s32 $0xFFFFFFFF, s28;
	[sflag:s23] =	ssyncadd.s32 $0xFFFFFE00  }
.LBB2_2:
0x39: {  	p0 =	sne.s32 s28, $0x31  }
.Ltmp1:
0x3a: {  	_ = 	snop;
	(pc) =	sbr.rel @!p0 .LBB2_3-.Ltmp1, $1  }
0x3b: {  	_ =	sdelay $0x3  }
0x3c: {  	_ =	swait.ge [sflag:s24], $0x2000  }
0x3d: {  	[sflag:s24] =	ssyncset.done $0x0  }
0x3e: {  	s31 =	sand.u32 $0x200, s29;
	p0 =	seq.s32 s28, $0x0;
	[sflag:s24] =	ssyncadd.s32 $0xFFFFE000  }
0x3f: {  	[tilespmem:s17], [sflag:$0x1] =	stream.indirect.gather [hbm4b:s1+s20], $0x20, s31, s20, $0xb8;
	[tilespmem:$0x1D000] =	vst v63  }
.Ltmp2:
0x40: {  	_ = 	snop;
	(pc) =	sbr.rel @!p0 .LBB2_5-.Ltmp2, $4  }
0x41: {  	_ =	swait.ge [sflag:s25], $0x2000  }
0x42: {  	[sflag:s25] =	ssyncset.done $0x0  }
0x43: {  	s30 =	sor.u32 $0x100, s31;
	[sflag:s25] =	ssyncadd.s32 $0xFFFFE000  }
0x44: {  	[tilespmem:s18], [sflag:$0x2] =	stream.indirect.gather [hbm4b:s1+s20], $0x20, s30, s20, $0xb8;
	[tilespmem:$0x1D000] =	vst v63  }
0x45: {  	_ =	swait.ge [sflag:s19], $0x2000  }
0x46: {  	[sflag:s19] =	ssyncset.done $0x0  }
0x47: {  	s0 =	sor.u32 $0x400, s31;
	[sflag:s19] =	ssyncadd.s32 $0xFFFFE000  }
0x48: {  	[spmem:s3] =	stream.indirect.scatter.add.bf16 [tilespmem:s17], [sflag:$0x3], $0x20, s0, s20, $0xb8;
	[tilespmem:$0x1D000] =	vst v63  }
0x49: {  	_ =	swait.ge [sflag:s21], $0x2000  }
0x4a: {  	[sflag:s21] =	ssyncset.done $0x0  }
0x4b: {  	s31 =	sor.u32 $0x400, s30;
	[sflag:s21] =	ssyncadd.s32 $0xFFFFE000  }
0x4c: {  	[spmem:s3] =	stream.indirect.scatter.add.bf16 [tilespmem:s18], [sflag:$0x4], $0x20, s31, s20, $0xb8;
	[tilespmem:$0x1D000] =	vst v63  }
0x4d: {  	_ =	swait.ge [sflag:s24], $0x2000  }
0x4e: {  	[sflag:s24] =	ssyncset.done $0x0  }
0x4f: {  	[sflag:s24] =	ssyncadd.s32 $0xFFFFE000  }
0x50: {  	_ =	swait.ge [sflag:s25], $0x2000  }
0x51: {  	s26 =	sadd.s32 $0x1, s26;
	[sflag:s25] =	ssyncset.done $0x0  }
0x52: {  	p0 =	sne.s32 s26, s12;
	[sflag:s25] =	ssyncadd.s32 $0xFFFFE000  }
.Ltmp3:
0x53: {  	[bflag:$0x0] =	sbarrier.arrive $0xFFFF;
	(pc) =	sbr.rel @p0 .LBB2_1-.Ltmp3, $4  }
0x54: {  	[hbm:s11], [sflag:s8] =	dma.local [spmem:s14], $0x3100  }
0x55: {  	_ =	swait.ge [sflag:s15], $0x3100  }
0x56: {  	[sflag:s15] =	ssyncset.done $0x0  }
0x57: {  	[sflag:s15] =	ssyncadd.s32 $0xFFFFCF00  }
0x58: {  	_ =	sfence.sel $0x180000  }
0x59: {  	[bflag:$0x0] =	sbarrier.arrive $0xFFFF  }
0x5a: {  	_ =	strace $0x9000004D  }
0x5b: {  	s0 =	stileid.u32;
	[bflag:$0x2] =	sbarrier.arrive $0xFFFF  }
0x5c: {  	p0 =	sne.s32 s0, $0x0;
	s0 =	rddreg [dreg:$0x3]  }
0x5d: {  	s0 =	sadd.s32 @!p0 $0x100000, s0  }
0x5e: {  	[sflag:s0] =	ssyncadd.tile.s32 @!p0 $0x1;
	_ =	shalt  }
.Lfunc_end2:
_tile_overlayer_lowered:
.L_overlay_start_2:
0x5f: {  	(tag) =	ssettag $0x2  }
0x60: {  	s0 =	rddreg [dreg:$0x0];
	s2 =	stileid.u32  }
0x61: {  	s1 =	rddreg [dreg:$0x1];
	p0 =	sne.s32 s2, $0x0  }
0x62: {  	s3 =	rddreg [dreg:$0x2];
	[bflag:$0x3] =	sbarrier.arrive $0xFFFF;
	s2 =	simm.s32 @!p0 $0x1C07  }
0x63: {  	[timem:s3], [sflag:s2] =	dma.local @!p0 [hbm:s0], s1  }
0x64: {  	s0 =	simm.s32 @!p0 $0x7  }
0x65: {  	_ =	swait.ge @!p0 [sflag:s0], s1  }
0x66: {  	s1 =	ssub.s32 @!p0 $0x0, s1;
	[sflag:s0] =	ssyncset.done @!p0 $0x0  }
0x67: {  	[sflag:s0] =	ssyncadd.s32 @!p0 s1  }
0x68: {  	[bflag:$0x3] =	sbarrier.arrive $0xFFFF  }
0x69: {  	_ =	shalt  }

// kernel: kernel.15.cloned.1.call-start
scs
__scs_entry_jumppad:
0x0: {  	(pc) =	sbr.rel $0x88, $3  }
0x1: {  	(tag) =	ssettag $0x0;
	lr =	simm.s32 $0x1  }
0x2: {  	[smem:$0x3F94] =	sst lr;
	_ =	strace $0xD0000000  }
0x3: {  	_ = 	snop  }
0x4: {  	_ = 	snop  }
0x5: {  	_ = 	snop  }
0x6: {  	_ = 	snop  }
0x7: {  	_ = 	snop  }
__scs_overlays_trampoline_lowered:
0x8: {  	[smem:$0x3FA3] =	sst s0  }
0x9: {  	[smem:$0x3FA4] =	sst s1  }
0xa: {  	[smem:$0x3FA5] =	sst s2  }
0xb: {  	[smem:$0x3FA6] =	sst s3  }
0xc: {  	[smem:$0x3FA7] =	sst s4  }
0xd: {  	[smem:$0x3FA8] =	sst s5  }
0xe: {  	[smem:$0x3FA9] =	sst s6  }
0xf: {  	[smem:$0x3FAA] =	sst s7  }
0x10: {  	[smem:$0x3FAB] =	sst s8  }
0x11: {  	[smem:$0x3FAC] =	sst s9;
	s0 =	simm.s32 @!p0 $0x0  }
0x12: {  	s1 =	sld [smem:$0x3F92];
	s0 =	simm.s32 @p0 $0x1  }
0x13: {  	[smem:$0x3FAD] =	sst s0;
	s0 =	simm.s32 @!p1 $0x0  }
0x14: {  	s2 =	sld [smem:$0x3F91];
	s0 =	simm.s32 @p1 $0x1  }
0x15: {  	[smem:$0x3FAE] =	sst s0;
	s0 =	simm.s32 @!p2 $0x0  }
0x16: {  	s3 =	sld [smem:$0x3FDB];
	s0 =	simm.s32 @p2 $0x1  }
0x17: {  	s4 =	simm.s32 $0x1BF5;
	[smem:$0x3FB0] =	sst s0  }
0x18: {  	s0 =	sld [smem:$0x3F93];
	_ =	swait.ge [sflag:s4], $0x0  }
0x19: {  	s7 =	sld [smem:$0x3F94]  }
0x1a: {  	s8 =	sadd.s32 $0xFFFFE003, lr  }
0x1b: {  	s9 =	sadd.s32 $0xFFFFFEF7, lr;
	s5 =	simm.s32 $0xFFFFFFFF;
	p2 =	slt.u32 s8, $0xFFFFF086  }
0x1c: {  	p1 =	slt.u32 s9, $0xF7A;
	s5 =	simm.s32 @!p2 $0x0  }
0x1d: {  	s5 =	simm.s32 @p1 $0x1;
	p0 =	seq.s32 s7, s2  }
0x1e: {  	s7 =	smul.u32 @!p0 $0xF7A, s2;
	p2 =	seq.s32 @!p0 s5, $0x0  }
0x1f: {  	s9 =	smul.u32 $0xF7A, s1;
	s8 =	simm.s32 @!p0 $0x1BF5;
	p2 =	por !p2, p0  }
0x20: {  	[sflag:s8] =	ssyncset.s32 @!p0 $0xFFFFF086;
	s6 =	sadd.s32 @!p0 s3, s7;
	s7 =	simm.s32 @!p0 $0x108  }
0x21: {  	s3 =	sadd.s32 s3, s9;
	s6 =	sadd.s32 @!p0 $0x88, s6;
	s7 =	simm.s32 @p2 $0x1082  }
0x22: {  	[simem:s7], [sflag:s8] =	dma.local @!p0 [hbm:s6], $0xF7A  }
0x23: {  	s9 =	sor.u32 $0xD0000000, s2;
	s6 =	simm.s32 $0x108;
	_ =	swait.ge @!p0 [sflag:s8], $0x0  }
0x24: {  	s3 =	sadd.s32 $0x88, s3;
	s6 =	simm.s32 @!p1 $0x1082;
	[sflag:s4] =	ssyncset.s32 $0xFFFFF086  }
0x25: {  	[simem:s6], [sflag:s4] =	dma.local [hbm:s3], $0xF7A  }
0x26: {  	[smem:$0x3F94] =	sst s1;
	(tag) =	ssettag s2;
	_ =	strace s9  }
0x27: {  	s1 =	sld [smem:$0x3FA4]  }
0x28: {  	s2 =	sld [smem:$0x3FA5]  }
0x29: {  	s4 =	sld [smem:$0x3FA7]  }
0x2a: {  	p0 =	seq.s32 s5, $0x0;
	s5 =	sld [smem:$0x3FA8]  }
0x2b: {  	s6 =	sld [smem:$0x3FA9]  }
0x2c: {  	s7 =	sld [smem:$0x3FAA]  }
0x2d: {  	s3 =	simm.s32 $0x108;
	s8 =	sld [smem:$0x3FAB]  }
0x2e: {  	s3 =	simm.s32 @!p0 $0x1082;
	s9 =	sld [smem:$0x3FAC]  }
0x2f: {  	lr =	sadd.s32 s0, s3;
	s0 =	sld [smem:$0x3FA3]  }
0x30: {  	s3 =	sld [smem:$0x3FA6]  }
0x31: {  	[smem:$0x3FAF] =	sst s10  }
0x32: {  	s10 =	sld [smem:$0x3FAD];
	_ =	sdelay $0x3  }
0x33: {  	p0 =	seq.s32 s10, $0x1;
	s10 =	sld [smem:$0x3FAF];
	_ =	sdelay $0x3  }
0x34: {  	[smem:$0x3FAF] =	sst s10  }
0x35: {  	s10 =	sld [smem:$0x3FAE];
	_ =	sdelay $0x3  }
0x36: {  	p1 =	seq.s32 s10, $0x1;
	s10 =	sld [smem:$0x3FAF];
	_ =	sdelay $0x3  }
0x37: {  	[smem:$0x3FAF] =	sst s10  }
0x38: {  	s10 =	sld [smem:$0x3FB0]  }
0x39: {  	_ = 	snop;
	(pc) =	sbr.ind lr, $3  }
0x3a: {  	_ = 	snop  }
0x3b: {  	_ = 	snop  }
0x3c: {  	p2 =	seq.s32 s10, $0x1;
	s10 =	sld [smem:$0x3FAF]  }
0x3d: {  	_ =	shalt  }
0x3e: {  	_ =	shalt  }
0x3f: {  	_ =	shalt  }
0x40: {  	_ =	shalt  }
0x41: {  	_ =	shalt  }
0x42: {  	_ =	shalt  }
0x43: {  	_ =	shalt  }
0x44: {  	_ =	shalt  }
0x45: {  	_ =	shalt  }
0x46: {  	_ =	shalt  }
0x47: {  	_ =	shalt  }
0x48: {  	_ =	shalt  }
0x49: {  	_ =	shalt  }
0x4a: {  	_ =	shalt  }
0x4b: {  	_ =	shalt  }
0x4c: {  	_ =	shalt  }
0x4d: {  	_ =	shalt  }
0x4e: {  	_ =	shalt  }
0x4f: {  	_ =	shalt  }
0x50: {  	_ =	shalt  }
0x51: {  	_ =	shalt  }
0x52: {  	_ =	shalt  }
0x53: {  	_ =	shalt  }
0x54: {  	_ =	shalt  }
0x55: {  	_ =	shalt  }
0x56: {  	_ =	shalt  }
0x57: {  	_ =	shalt  }
0x58: {  	_ =	shalt  }
0x59: {  	_ =	shalt  }
0x5a: {  	_ =	shalt  }
0x5b: {  	_ =	shalt  }
0x5c: {  	_ =	shalt  }
0x5d: {  	_ =	shalt  }
0x5e: {  	_ =	shalt  }
0x5f: {  	_ =	shalt  }
0x60: {  	_ =	shalt  }
0x61: {  	_ =	shalt  }
0x62: {  	_ =	shalt  }
0x63: {  	_ =	shalt  }
0x64: {  	_ =	shalt  }
0x65: {  	_ =	shalt  }
0x66: {  	_ =	shalt  }
0x67: {  	_ =	shalt  }
0x68: {  	_ =	shalt  }
0x69: {  	_ =	shalt  }
0x6a: {  	_ =	shalt  }
0x6b: {  	_ =	shalt  }
0x6c: {  	_ =	shalt  }
0x6d: {  	_ =	shalt  }
0x6e: {  	_ =	shalt  }
0x6f: {  	_ =	shalt  }
0x70: {  	_ =	shalt  }
0x71: {  	_ =	shalt  }
0x72: {  	_ =	shalt  }
0x73: {  	_ =	shalt  }
0x74: {  	_ =	shalt  }
0x75: {  	_ =	shalt  }
0x76: {  	_ =	shalt  }
0x77: {  	_ =	shalt  }
0x78: {  	_ =	shalt  }
0x79: {  	_ =	shalt  }
0x7a: {  	_ =	shalt  }
0x7b: {  	_ =	shalt  }
0x7c: {  	_ =	shalt  }
0x7d: {  	_ =	shalt  }
0x7e: {  	_ =	shalt  }
0x7f: {  	_ =	shalt  }
0x80: {  	_ =	shalt  }
0x81: {  	_ =	shalt  }
0x82: {  	_ =	shalt  }
0x83: {  	_ =	shalt  }
0x84: {  	_ =	shalt  }
0x85: {  	_ =	shalt  }
0x86: {  	_ =	shalt  }
0x87: {  	_ =	shalt  }
.Lfunc_end0:
.L_simem_size_0:
called_computation.2_lowered:
.L_overlay_start_0:
0x88: {  	s2 =	sld [smem:$0x3FD9]  }
0x89: {  	s3 =	sld [smem:$0x3FFE];
	_ =	sdelay $0x1  }
0x8a: {  	s1 =	srdreg.scid  }
0x8b: {  	s0 =	sand.u32 $0x1, s1  }
0x8c: {  	s16 =	sshll.u32 s0, $0xA;
	s2 =	sadd.s32 s3, s2  }
0x8d: {  	s2 =	sadd.s32 s2, s16  }
0x8e: {  	[smem:$0x3FBB] =	sst s2  }
0x8f: {  	_ = 	snop  }
0x90: {  	(tm) =	ssettm $0x1  }
0x91: {  	s17 =	sld [smem:$0x3FFB];
	_ =	sdelay $0x3  }
0x92: {  	_ =	strace s17  }
0x93: {  	s2 =	sld [smem:$0x3FFC];
	_ =	sdelay $0x3  }
0x94: {  	_ =	strace s2  }
0x95: {  	s2 =	sld [smem:$0x3FFD];
	_ =	sdelay $0x3  }
0x96: {  	_ =	strace s2  }
0x97: {  	_ =	strace $0x8FFFFFFF  }
0x98: {  	s18 =	sld [smem:$0x3FDB];
	_ =	sdelay $0x1  }
0x99: {  	s19 =	simm.s32 $_scs_section_size  }
0x9a: {  	s4 =	simm.s32 $_size__tile_overlayer_lowered;
	s5 =	simm.s32 $_tile_overlayer_lowered  }
0x9b: {  	s22 =	simm.s32 $0x1BFF;
	s21 =	sshll.u32 s5, $0x1;
	s2 =	sadd.s32 s19, s18  }
0x9c: {  	s6 =	simm.s32 $0x0;
	s20 =	sshll.u32 s4, $0x1;
	s4 =	sadd.s32 s21, s2  }
0x9d: {  	[timem:s6], [sflag:s22] =	dma.local [hbm:s4], s20  }
0x9e: {  	_ =	swait.ge [sflag:s22], s20  }
0x9f: {  	s3 =	ssub.s32 $0x0, s20;
	[sflag:s22] =	ssyncset.done $0x0  }
0xa0: {  	[sflag:s22] =	ssyncadd.s32 s3;
	_ =	sdelay $0x1  }
0xa1: {  	s23 =	simm.s32 $0x1B8B  }
0xa2: {  	_ =	swait.ge [sflag:s23], $0x1  }
0xa3: {  	[sflag:s23] =	ssyncset.done $0x0  }
0xa4: {  	s25 =	simm.s32 $0x1B8E;
	s24 =	sld [smem:$0x3FFE];
	[sflag:s23] =	ssyncadd.s32 $0xFFFFFFFF  }
0xa5: {  	s26 =	simm.s32 $execute0_lowered;
	[smem:$0x3FD2] =	sst s25  }
0xa6: {  	s4 =	sshll.u32 s26, $0x1;
	_ =	strace $0x80000049;
	[dreg:$0x1] =	wrdreg $0xFFFFFFFF  }
0xa7: {  	s28 =	simm.s32 $_size_execute0_lowered;
	s2 =	sadd.s32 s2, s4;
	[dreg:$0x0] =	wrdreg $0x0  }
0xa8: {  	s4 =	sshll.u32 s28, $0x1;
	[dreg:$0x2] =	wrdreg s2  }
0xa9: {  	[dreg:$0x3] =	wrdreg s4  }
0xaa: {  	[dreg:$0x4] =	wrdreg $0xC0  }
0xab: {  	_ =	task [dreg:s6], $0x5FFFF  }
0xac: {  	[dreg:$0x1] =	wrdreg $0xFFFFFFFF  }
0xad: {  	[dreg:$0x0] =	wrdreg $0x60  }
0xae: {  	[dreg:$0x2] =	wrdreg s24  }
0xaf: {  	[dreg:$0x3] =	wrdreg $0x48000  }
0xb0: {  	[dreg:$0x4] =	wrdreg $0xA  }
0xb1: {  	_ =	task.clear_ibuf [dreg:s6], $0x5FFFF;
	_ =	strace $0x90000049  }
0xb2: {  	s29 =	simm.s32 $0xA;
	_ =	strace $0x8000004B  }
0xb3: {  	_ =	swait.ge [sflag:s29], $0x1  }
0xb4: {  	[sflag:s29] =	ssyncadd.s32 $0xFFFFFFFF  }
0xb5: {  	_ =	strace $0x9000004B  }
0xb6: {  	_ =	sfence  }
0xb7: {  	s30 =	sld [smem:$0x0];
	_ =	sdelay $0x2  }
0xb8: {  	s31 =	sshll.u32 s1, $0xD;
	s1 =	sshrl.u32 s1, $0x2  }
0xb9: {  	s3 =	sand.u32 $0x4000, s31;
	s1 =	sadd.s32 s1, s30  }
0xba: {  	s0 =	sor.u32 s3, s0;
	s1 =	sshll.u32 s1, $0x11  }
0xbb: {  	s0 =	sor.u32 s1, s0  }
0xbc: {  	s0 =	sadd.s32 $0x8F2B, s0  }
0xbd: {  	[sflag:s0] =	ssyncadd.remote.s32 $0x1  }
0xbe: {  	_ =	sfence.sel $0xFFFF  }
0xbf: {  	[dreg:$0x0] =	wrdreg $0xFFFFFFFF;
	(pc) =	sbr.abs _section_cstart, $3  }
0xc0: {  	[dreg:$0x1] =	wrdreg $0xFFFFFFFF  }
0xc1: {  	_ =	task.clear_ibuf [dreg:s6], $0x2FFFF;
	_ =	strace $0x9FFFFFFF  }
0xc2: {  	(tm) =	ssettm $0x7FFFFFFF  }
0xc3: {  	_ =	shalt  }
tec
execute0_lowered:
.L_overlay_start_1:
0x0: {  	(tag) =	ssettag $0x1  }
0x1: {  	s8 =	rddreg [dreg:$0x0]  }
0x2: {  	s2 =	rddreg [dreg:$0x1];
	s3 =	simm.s32 $0x0  }
0x3: {  	s4 =	srdreg.scid;
	s0 =	stileid.u32;
	s17 =	simm.s32 $0x800  }
0x4: {  	s18 =	simm.s32 $0x2800;
	s19 =	simm.s32 $0x1;
	s20 =	simm.s32 $0x100  }
0x5: {  	s21 =	simm.s32 $0x2;
	s22 =	simm.s32 $0x5;
	s23 =	simm.s32 $0x6  }
0x6: {  	s24 =	simm.s32 $0x3;
	s25 =	simm.s32 $0x4;
	[smem:$0x7FF] =	sst s3  }
0x7: {  	s9 =	sand.u32 $0x1, s4;
	s10 =	smul.u32 $0x31000, s0;
	s4 =	sadd.s32 $0x3000, s8  }
0x8: {  	s5 =	sadd.s32 $0xF8800, s8;
	s6 =	sadd.s32 $0xDF800, s8;
	s7 =	sadd.s32 $0x113200, s8  }
0x9: {  	s29 =	sshll.u32 s0, $0x6;
	s31 =	smul.u32 $0x6400, s0;
	_ =	strace $0x8000004A  }
0xa: {  	s11 =	smul.u32 $0x310000, s9;
	s12 =	sshll.u32 s9, $0x4;
	s13 =	ssub.s32 $0x2, s9  }
0xb: {  	s14 =	smul.u32 $0x64000, s9;
	s12 =	sor.u32 s0, s12;
	s26 =	sshrl.u32 s13, $0x1  }
0xc: {  	s28 =	sshrl.u32 s10, $0x1;
	s11 =	sadd.s32 s10, s11;
	s12 =	smul.u32 $0x6400, s12  }
0xd: {  	s13 =	ssub.s32 s13, s26;
	s15 =	sadd.s32 s28, s2;
	s11 =	sshrl.u32 s11, $0x4  }
0xe: {  	s14 =	sadd.s32 s31, s14;
	s26 =	simm.s32 $0x0;
	s11 =	sadd.s32 s11, s8  }
0xf: {  	s30 =	sshrl.u32 s12, $0x3;
	s8 =	sor.u32 $0x1C07, s29;
	s12 =	smax.u32 s13, $0x1  }
0x10: {  	s13 =	sor.u32 $0x200, s14;
	s14 =	sshrl.u32 s15, $0x3;
	s15 =	simm.s32 $0x7  }
0x11: {  	s9 =	sadd.s32 s5, s30;
	s10 =	sadd.s32 s6, s30;
	s11 =	sadd.s32 $0x34000, s11  }
.LBB2_1:
0x12: {  	[spmem:s14], [sflag:s8] =	dma.local [hbm:s7], $0x3100  }
0x13: {  	_ =	swait.ge [sflag:s15], $0x3100  }
0x14: {  	[sflag:s15] =	ssyncset.done $0x0  }
0x15: {  	[sflag:s15] =	ssyncadd.s32 $0xFFFFCF00  }
0x16: {  	[tilespmem:s3], [sflag:$0x7] =	stream.linear.gather [hbm4b:s9+s3], $0x200, $0x38;
	[tilespmem:$0x1D000] =	vst v63  }
0x17: {  	_ =	swait.ge [sflag:s15], $0x200  }
0x18: {  	[sflag:s15] =	ssyncset.done $0x0  }
0x19: {  	s0 =	simm.s32 $0x400;
	[sflag:s15] =	ssyncadd.s32 $0xFFFFFE00  }
0x1a: {  	[tilespmem:s0], [sflag:$0x7] =	stream.linear.gather [hbm4b:s10+s3], $0x200, $0x38;
	[tilespmem:$0x1D000] =	vst v63  }
.Ltmp0:
0x1b: {  	_ =	swait.ge [sflag:s15], $0x200;
	(pc) =	sbr.rel .LBB2_2-.Ltmp0, $4  }
0x1c: {  	[sflag:s15] =	ssyncset.done $0x0  }
0x1d: {  	[sflag:s15] =	ssyncadd.s32 $0xFFFFFE00  }
0x1e: {  	[bflag:$0x0] =	sbarrier.arrive $0xFFFF  }
0x1f: {  	s28 =	simm.s32 $0x31;
	s29 =	simm.s32 $0x0  }
.LBB2_3:
0x20: {  	s30 =	simm.s32 $0x100;
	s31 =	simm.s32 $0x0  }
0x21: {  	[tilespmem:s17], [sflag:$0x1] =	stream.indirect.gather [hbm4b:s4+s30], $0x20, s31, s30, $0xb8;
	[tilespmem:$0x1D000] =	vst v63  }
0x22: {  	_ = 	snop  }
0x23: {  	[tilespmem:s18], [sflag:$0x2] =	stream.indirect.gather [hbm4b:s4+s30], $0x20, s30, s30, $0xb8;
	[tilespmem:$0x1D000] =	vst v63  }
.LBB2_5:
0x24: {  	s0 =	sadd.s32 s29, s13  }
0x25: {  	s0 =	sshrl.u32 s0, $0x3  }
0x26: {  	s1 =	ssub.s32 $0x200, s31;
	s16 =	sadd.s32 s5, s0  }
0x27: {  	[tilespmem:s1], [sflag:$0x5] =	stream.linear.gather [hbm4b:s16+s3], $0x200, $0x38;
	[tilespmem:$0x1D000] =	vst v63  }
0x28: {  	s0 =	sadd.s32 s6, s0;
	s16 =	ssub.s32 $0x600, s31  }
0x29: {  	[tilespmem:s16], [sflag:$0x6] =	stream.linear.gather [hbm4b:s0+s3], $0x200, $0x38;
	[tilespmem:$0x1D000] =	vst v63  }
0x2a: {  	_ =	swait.ge [sflag:s19], $0x2000  }
0x2b: {  	[sflag:s19] =	ssyncset.done $0x0  }
0x2c: {  	s16 =	sor.u32 $0x400, s31;
	[sflag:s19] =	ssyncadd.s32 $0xFFFFE000  }
0x2d: {  	[spmem:s2] =	stream.indirect.scatter.add.bf16 [tilespmem:s17], [sflag:$0x3], $0x20, s16, s20, $0xb8;
	[tilespmem:$0x1D000] =	vst v63  }
0x2e: {  	_ =	swait.ge [sflag:s21], $0x2000  }
0x2f: {  	[sflag:s21] =	ssyncset.done $0x0  }
0x30: {  	s31 =	sor.u32 $0x400, s30;
	[sflag:s21] =	ssyncadd.s32 $0xFFFFE000  }
0x31: {  	[spmem:s2] =	stream.indirect.scatter.add.bf16 [tilespmem:s18], [sflag:$0x4], $0x20, s31, s20, $0xb8;
	[tilespmem:$0x1D000] =	vst v63  }
0x32: {  	_ =	swait.ge [sflag:s22], $0x200  }
0x33: {  	[sflag:s22] =	ssyncset.done $0x0  }
0x34: {  	[sflag:s22] =	ssyncadd.s32 $0xFFFFFE00  }
0x35: {  	_ =	swait.ge [sflag:s23], $0x200  }
0x36: {  	[sflag:s23] =	ssyncset.done $0x0  }
0x37: {  	s29 =	sadd.s32 $0x200, s29;
	s28 =	sadd.s32 $0xFFFFFFFF, s28;
	[sflag:s23] =	ssyncadd.s32 $0xFFFFFE00  }
.LBB2_2:
0x38: {  	p0 =	sne.s32 s28, $0x31  }
.Ltmp1:
0x39: {  	_ = 	snop;
	(pc) =	sbr.rel @!p0 .LBB2_3-.Ltmp1, $1  }
0x3a: {  	_ =	sdelay $0x3  }
0x3b: {  	_ =	swait.ge [sflag:s24], $0x2000  }
0x3c: {  	[sflag:s24] =	ssyncset.done $0x0  }
0x3d: {  	s31 =	sand.u32 $0x200, s29;
	p0 =	seq.s32 s28, $0x0;
	[sflag:s24] =	ssyncadd.s32 $0xFFFFE000  }
0x3e: {  	[tilespmem:s17], [sflag:$0x1] =	stream.indirect.gather [hbm4b:s4+s20], $0x20, s31, s20, $0xb8;
	[tilespmem:$0x1D000] =	vst v63  }
.Ltmp2:
0x3f: {  	_ = 	snop;
	(pc) =	sbr.rel @!p0 .LBB2_5-.Ltmp2, $4  }
0x40: {  	_ =	swait.ge [sflag:s25], $0x2000  }
0x41: {  	[sflag:s25] =	ssyncset.done $0x0  }
0x42: {  	s30 =	sor.u32 $0x100, s31;
	[sflag:s25] =	ssyncadd.s32 $0xFFFFE000  }
0x43: {  	[tilespmem:s18], [sflag:$0x2] =	stream.indirect.gather [hbm4b:s4+s20], $0x20, s30, s20, $0xb8;
	[tilespmem:$0x1D000] =	vst v63  }
0x44: {  	_ =	swait.ge [sflag:s19], $0x2000  }
0x45: {  	[sflag:s19] =	ssyncset.done $0x0  }
0x46: {  	s0 =	sor.u32 $0x400, s31;
	[sflag:s19] =	ssyncadd.s32 $0xFFFFE000  }
0x47: {  	[spmem:s2] =	stream.indirect.scatter.add.bf16 [tilespmem:s17], [sflag:$0x3], $0x20, s0, s20, $0xb8;
	[tilespmem:$0x1D000] =	vst v63  }
0x48: {  	_ =	swait.ge [sflag:s21], $0x2000  }
0x49: {  	[sflag:s21] =	ssyncset.done $0x0  }
0x4a: {  	s31 =	sor.u32 $0x400, s30;
	[sflag:s21] =	ssyncadd.s32 $0xFFFFE000  }
0x4b: {  	[spmem:s2] =	stream.indirect.scatter.add.bf16 [tilespmem:s18], [sflag:$0x4], $0x20, s31, s20, $0xb8;
	[tilespmem:$0x1D000] =	vst v63  }
0x4c: {  	_ =	swait.ge [sflag:s24], $0x2000  }
0x4d: {  	[sflag:s24] =	ssyncset.done $0x0  }
0x4e: {  	[sflag:s24] =	ssyncadd.s32 $0xFFFFE000  }
0x4f: {  	_ =	swait.ge [sflag:s25], $0x2000  }
0x50: {  	s26 =	sadd.s32 $0x1, s26;
	[sflag:s25] =	ssyncset.done $0x0  }
0x51: {  	p0 =	sne.s32 s26, s12;
	[sflag:s25] =	ssyncadd.s32 $0xFFFFE000  }
.Ltmp3:
0x52: {  	[bflag:$0x0] =	sbarrier.arrive $0xFFFF;
	(pc) =	sbr.rel @p0 .LBB2_1-.Ltmp3, $4  }
0x53: {  	[hbm:s11], [sflag:s8] =	dma.local [spmem:s14], $0x3100  }
0x54: {  	_ =	swait.ge [sflag:s15], $0x3100  }
0x55: {  	[sflag:s15] =	ssyncset.done $0x0  }
0x56: {  	[sflag:s15] =	ssyncadd.s32 $0xFFFFCF00  }
0x57: {  	_ =	sfence.sel $0x180000  }
0x58: {  	[bflag:$0x0] =	sbarrier.arrive $0xFFFF  }
0x59: {  	_ =	strace $0x9000004A  }
0x5a: {  	s0 =	stileid.u32;
	[bflag:$0x2] =	sbarrier.arrive $0xFFFF  }
0x5b: {  	p0 =	sne.s32 s0, $0x0;
	s0 =	rddreg [dreg:$0x2]  }
0x5c: {  	s0 =	sadd.s32 @!p0 $0x100000, s0  }
0x5d: {  	[sflag:s0] =	ssyncadd.tile.s32 @!p0 $0x1;
	_ =	shalt  }
.Lfunc_end2:
_tile_overlayer_lowered:
.L_overlay_start_2:
0x5e: {  	(tag) =	ssettag $0x2  }
0x5f: {  	s0 =	rddreg [dreg:$0x0];
	s2 =	stileid.u32  }
0x60: {  	s1 =	rddreg [dreg:$0x1];
	p0 =	sne.s32 s2, $0x0  }
0x61: {  	s3 =	rddreg [dreg:$0x2];
	[bflag:$0x3] =	sbarrier.arrive $0xFFFF;
	s2 =	simm.s32 @!p0 $0x1C07  }
0x62: {  	[timem:s3], [sflag:s2] =	dma.local @!p0 [hbm:s0], s1  }
0x63: {  	s0 =	simm.s32 @!p0 $0x7  }
0x64: {  	_ =	swait.ge @!p0 [sflag:s0], s1  }
0x65: {  	s1 =	ssub.s32 @!p0 $0x0, s1;
	[sflag:s0] =	ssyncset.done @!p0 $0x0  }
0x66: {  	[sflag:s0] =	ssyncadd.s32 @!p0 s1  }
0x67: {  	[bflag:$0x3] =	sbarrier.arrive $0xFFFF  }
0x68: {  	_ =	shalt  }

// kernel: kernel.18.cloned.1.call-start
scs
__scs_entry_jumppad:
0x0: {  	(pc) =	sbr.rel $0x88, $3  }
0x1: {  	(tag) =	ssettag $0x0;
	lr =	simm.s32 $0x1  }
0x2: {  	[smem:$0x3F94] =	sst lr;
	_ =	strace $0xD0000000  }
0x3: {  	_ = 	snop  }
0x4: {  	_ = 	snop  }
0x5: {  	_ = 	snop  }
0x6: {  	_ = 	snop  }
0x7: {  	_ = 	snop  }
__scs_overlays_trampoline_lowered:
0x8: {  	[smem:$0x3FA3] =	sst s0  }
0x9: {  	[smem:$0x3FA4] =	sst s1  }
0xa: {  	[smem:$0x3FA5] =	sst s2  }
0xb: {  	[smem:$0x3FA6] =	sst s3  }
0xc: {  	[smem:$0x3FA7] =	sst s4  }
0xd: {  	[smem:$0x3FA8] =	sst s5  }
0xe: {  	[smem:$0x3FA9] =	sst s6  }
0xf: {  	[smem:$0x3FAA] =	sst s7  }
0x10: {  	[smem:$0x3FAB] =	sst s8  }
0x11: {  	[smem:$0x3FAC] =	sst s9;
	s0 =	simm.s32 @!p0 $0x0  }
0x12: {  	s1 =	sld [smem:$0x3F92];
	s0 =	simm.s32 @p0 $0x1  }
0x13: {  	[smem:$0x3FAD] =	sst s0;
	s0 =	simm.s32 @!p1 $0x0  }
0x14: {  	s2 =	sld [smem:$0x3F91];
	s0 =	simm.s32 @p1 $0x1  }
0x15: {  	[smem:$0x3FAE] =	sst s0;
	s0 =	simm.s32 @!p2 $0x0  }
0x16: {  	s3 =	sld [smem:$0x3FDB];
	s0 =	simm.s32 @p2 $0x1  }
0x17: {  	s4 =	simm.s32 $0x1BF5;
	[smem:$0x3FB0] =	sst s0  }
0x18: {  	s0 =	sld [smem:$0x3F93];
	_ =	swait.ge [sflag:s4], $0x0  }
0x19: {  	s7 =	sld [smem:$0x3F94]  }
0x1a: {  	s8 =	sadd.s32 $0xFFFFE003, lr  }
0x1b: {  	s9 =	sadd.s32 $0xFFFFFEF7, lr;
	s5 =	simm.s32 $0xFFFFFFFF;
	p2 =	slt.u32 s8, $0xFFFFF086  }
0x1c: {  	p1 =	slt.u32 s9, $0xF7A;
	s5 =	simm.s32 @!p2 $0x0  }
0x1d: {  	s5 =	simm.s32 @p1 $0x1;
	p0 =	seq.s32 s7, s2  }
0x1e: {  	s7 =	smul.u32 @!p0 $0xF7A, s2;
	p2 =	seq.s32 @!p0 s5, $0x0  }
0x1f: {  	s9 =	smul.u32 $0xF7A, s1;
	s8 =	simm.s32 @!p0 $0x1BF5;
	p2 =	por !p2, p0  }
0x20: {  	[sflag:s8] =	ssyncset.s32 @!p0 $0xFFFFF086;
	s6 =	sadd.s32 @!p0 s3, s7;
	s7 =	simm.s32 @!p0 $0x108  }
0x21: {  	s3 =	sadd.s32 s3, s9;
	s6 =	sadd.s32 @!p0 $0x88, s6;
	s7 =	simm.s32 @p2 $0x1082  }
0x22: {  	[simem:s7], [sflag:s8] =	dma.local @!p0 [hbm:s6], $0xF7A  }
0x23: {  	s9 =	sor.u32 $0xD0000000, s2;
	s6 =	simm.s32 $0x108;
	_ =	swait.ge @!p0 [sflag:s8], $0x0  }
0x24: {  	s3 =	sadd.s32 $0x88, s3;
	s6 =	simm.s32 @!p1 $0x1082;
	[sflag:s4] =	ssyncset.s32 $0xFFFFF086  }
0x25: {  	[simem:s6], [sflag:s4] =	dma.local [hbm:s3], $0xF7A  }
0x26: {  	[smem:$0x3F94] =	sst s1;
	(tag) =	ssettag s2;
	_ =	strace s9  }
0x27: {  	s1 =	sld [smem:$0x3FA4]  }
0x28: {  	s2 =	sld [smem:$0x3FA5]  }
0x29: {  	s4 =	sld [smem:$0x3FA7]  }
0x2a: {  	p0 =	seq.s32 s5, $0x0;
	s5 =	sld [smem:$0x3FA8]  }
0x2b: {  	s6 =	sld [smem:$0x3FA9]  }
0x2c: {  	s7 =	sld [smem:$0x3FAA]  }
0x2d: {  	s3 =	simm.s32 $0x108;
	s8 =	sld [smem:$0x3FAB]  }
0x2e: {  	s3 =	simm.s32 @!p0 $0x1082;
	s9 =	sld [smem:$0x3FAC]  }
0x2f: {  	lr =	sadd.s32 s0, s3;
	s0 =	sld [smem:$0x3FA3]  }
0x30: {  	s3 =	sld [smem:$0x3FA6]  }
0x31: {  	[smem:$0x3FAF] =	sst s10  }
0x32: {  	s10 =	sld [smem:$0x3FAD];
	_ =	sdelay $0x3  }
0x33: {  	p0 =	seq.s32 s10, $0x1;
	s10 =	sld [smem:$0x3FAF];
	_ =	sdelay $0x3  }
0x34: {  	[smem:$0x3FAF] =	sst s10  }
0x35: {  	s10 =	sld [smem:$0x3FAE];
	_ =	sdelay $0x3  }
0x36: {  	p1 =	seq.s32 s10, $0x1;
	s10 =	sld [smem:$0x3FAF];
	_ =	sdelay $0x3  }
0x37: {  	[smem:$0x3FAF] =	sst s10  }
0x38: {  	s10 =	sld [smem:$0x3FB0]  }
0x39: {  	_ = 	snop;
	(pc) =	sbr.ind lr, $3  }
0x3a: {  	_ = 	snop  }
0x3b: {  	_ = 	snop  }
0x3c: {  	p2 =	seq.s32 s10, $0x1;
	s10 =	sld [smem:$0x3FAF]  }
0x3d: {  	_ =	shalt  }
0x3e: {  	_ =	shalt  }
0x3f: {  	_ =	shalt  }
0x40: {  	_ =	shalt  }
0x41: {  	_ =	shalt  }
0x42: {  	_ =	shalt  }
0x43: {  	_ =	shalt  }
0x44: {  	_ =	shalt  }
0x45: {  	_ =	shalt  }
0x46: {  	_ =	shalt  }
0x47: {  	_ =	shalt  }
0x48: {  	_ =	shalt  }
0x49: {  	_ =	shalt  }
0x4a: {  	_ =	shalt  }
0x4b: {  	_ =	shalt  }
0x4c: {  	_ =	shalt  }
0x4d: {  	_ =	shalt  }
0x4e: {  	_ =	shalt  }
0x4f: {  	_ =	shalt  }
0x50: {  	_ =	shalt  }
0x51: {  	_ =	shalt  }
0x52: {  	_ =	shalt  }
0x53: {  	_ =	shalt  }
0x54: {  	_ =	shalt  }
0x55: {  	_ =	shalt  }
0x56: {  	_ =	shalt  }
0x57: {  	_ =	shalt  }
0x58: {  	_ =	shalt  }
0x59: {  	_ =	shalt  }
0x5a: {  	_ =	shalt  }
0x5b: {  	_ =	shalt  }
0x5c: {  	_ =	shalt  }
0x5d: {  	_ =	shalt  }
0x5e: {  	_ =	shalt  }
0x5f: {  	_ =	shalt  }
0x60: {  	_ =	shalt  }
0x61: {  	_ =	shalt  }
0x62: {  	_ =	shalt  }
0x63: {  	_ =	shalt  }
0x64: {  	_ =	shalt  }
0x65: {  	_ =	shalt  }
0x66: {  	_ =	shalt  }
0x67: {  	_ =	shalt  }
0x68: {  	_ =	shalt  }
0x69: {  	_ =	shalt  }
0x6a: {  	_ =	shalt  }
0x6b: {  	_ =	shalt  }
0x6c: {  	_ =	shalt  }
0x6d: {  	_ =	shalt  }
0x6e: {  	_ =	shalt  }
0x6f: {  	_ =	shalt  }
0x70: {  	_ =	shalt  }
0x71: {  	_ =	shalt  }
0x72: {  	_ =	shalt  }
0x73: {  	_ =	shalt  }
0x74: {  	_ =	shalt  }
0x75: {  	_ =	shalt  }
0x76: {  	_ =	shalt  }
0x77: {  	_ =	shalt  }
0x78: {  	_ =	shalt  }
0x79: {  	_ =	shalt  }
0x7a: {  	_ =	shalt  }
0x7b: {  	_ =	shalt  }
0x7c: {  	_ =	shalt  }
0x7d: {  	_ =	shalt  }
0x7e: {  	_ =	shalt  }
0x7f: {  	_ =	shalt  }
0x80: {  	_ =	shalt  }
0x81: {  	_ =	shalt  }
0x82: {  	_ =	shalt  }
0x83: {  	_ =	shalt  }
0x84: {  	_ =	shalt  }
0x85: {  	_ =	shalt  }
0x86: {  	_ =	shalt  }
0x87: {  	_ =	shalt  }
.Lfunc_end0:
.L_simem_size_0:
called_computation.3_lowered:
.L_overlay_start_0:
0x88: {  	s2 =	sld [smem:$0x3FD9]  }
0x89: {  	s3 =	sld [smem:$0x3FFE];
	_ =	sdelay $0x1  }
0x8a: {  	s1 =	srdreg.scid  }
0x8b: {  	s0 =	sand.u32 $0x1, s1  }
0x8c: {  	s17 =	sshll.u32 s0, $0xA;
	s2 =	sadd.s32 s3, s2  }
0x8d: {  	s2 =	sadd.s32 s2, s17  }
0x8e: {  	[smem:$0x3FBB] =	sst s2  }
0x8f: {  	_ = 	snop  }
0x90: {  	s2 =	sld [smem:$0x3FD0];
	(tm) =	ssettm $0x1  }
0x91: {  	s18 =	sld [smem:$0x3FFB];
	_ =	sdelay $0x3  }
0x92: {  	_ =	strace s18  }
0x93: {  	s3 =	sld [smem:$0x3FFC];
	_ =	sdelay $0x3  }
0x94: {  	_ =	strace s3  }
0x95: {  	s3 =	sld [smem:$0x3FFD];
	_ =	sdelay $0x3  }
0x96: {  	_ =	strace s3  }
0x97: {  	_ =	strace $0x8FFFFFFF  }
0x98: {  	s19 =	sld [smem:$0x3FDB];
	_ =	sdelay $0x1  }
0x99: {  	s4 =	simm.s32 $_scs_section_size  }
0x9a: {  	s5 =	simm.s32 $_size__tile_overlayer_lowered;
	s6 =	simm.s32 $_tile_overlayer_lowered  }
0x9b: {  	s22 =	simm.s32 $0x1BFF;
	s21 =	sshll.u32 s6, $0x1;
	s3 =	sadd.s32 s4, s19  }
0x9c: {  	s7 =	simm.s32 $0x0;
	s20 =	sshll.u32 s5, $0x1;
	s5 =	sadd.s32 s21, s3  }
0x9d: {  	[timem:s7], [sflag:s22] =	dma.local [hbm:s5], s20  }
0x9e: {  	_ =	swait.ge [sflag:s22], s20  }
0x9f: {  	s4 =	ssub.s32 $0x0, s20;
	[sflag:s22] =	ssyncset.done $0x0  }
0xa0: {  	[sflag:s22] =	ssyncadd.s32 s4;
	_ =	sdelay $0x1  }
0xa1: {  	s23 =	simm.s32 $0x1B8B  }
0xa2: {  	_ =	swait.ge [sflag:s23], $0x1  }
0xa3: {  	[sflag:s23] =	ssyncset.done $0x0  }
0xa4: {  	s25 =	simm.s32 $0x1B8E;
	s24 =	sld [smem:$0x3FFE];
	[sflag:s23] =	ssyncadd.s32 $0xFFFFFFFF  }
0xa5: {  	s26 =	simm.s32 $execute0_lowered;
	[smem:$0x3FD2] =	sst s25  }
0xa6: {  	s5 =	sshll.u32 s26, $0x1;
	_ =	strace $0x8000004F;
	[dreg:$0x1] =	wrdreg $0xFFFFFFFF  }
0xa7: {  	s28 =	simm.s32 $_size_execute0_lowered;
	s3 =	sadd.s32 s3, s5;
	[dreg:$0x0] =	wrdreg $0x0  }
0xa8: {  	s5 =	sshll.u32 s28, $0x1;
	[dreg:$0x2] =	wrdreg s3  }
0xa9: {  	[dreg:$0x3] =	wrdreg s5  }
0xaa: {  	[dreg:$0x4] =	wrdreg $0xC0  }
0xab: {  	_ =	task [dreg:s7], $0x5FFFF  }
0xac: {  	[dreg:$0x1] =	wrdreg $0xFFFFFFFF  }
0xad: {  	[dreg:$0x0] =	wrdreg $0x60  }
0xae: {  	[dreg:$0x2] =	wrdreg s2  }
0xaf: {  	[dreg:$0x3] =	wrdreg s24  }
0xb0: {  	[dreg:$0x4] =	wrdreg $0x48000  }
0xb1: {  	[dreg:$0x5] =	wrdreg $0x9  }
0xb2: {  	_ =	task.clear_ibuf [dreg:s7], $0x6FFFF;
	_ =	strace $0x9000004F  }
0xb3: {  	s29 =	simm.s32 $0x9;
	_ =	strace $0x80000051  }
0xb4: {  	_ =	swait.ge [sflag:s29], $0x1  }
0xb5: {  	[sflag:s29] =	ssyncadd.s32 $0xFFFFFFFF  }
0xb6: {  	_ =	strace $0x90000051  }
0xb7: {  	_ =	sfence  }
0xb8: {  	s30 =	sld [smem:$0x0];
	_ =	sdelay $0x2  }
0xb9: {  	s31 =	sshll.u32 s1, $0xD;
	s1 =	sshrl.u32 s1, $0x2  }
0xba: {  	s3 =	sand.u32 $0x4000, s31;
	s1 =	sadd.s32 s1, s30  }
0xbb: {  	s0 =	sor.u32 s3, s0;
	s1 =	sshll.u32 s1, $0x11  }
0xbc: {  	s0 =	sor.u32 s1, s0  }
0xbd: {  	s0 =	sadd.s32 $0x8F2B, s0  }
0xbe: {  	[sflag:s0] =	ssyncadd.remote.s32 $0x1  }
0xbf: {  	_ =	sfence.sel $0xFFFF  }
0xc0: {  	[dreg:$0x0] =	wrdreg $0xFFFFFFFF;
	(pc) =	sbr.abs _section_cstart, $3  }
0xc1: {  	[dreg:$0x1] =	wrdreg $0xFFFFFFFF  }
0xc2: {  	_ =	task.clear_ibuf [dreg:s7], $0x2FFFF;
	_ =	strace $0x9FFFFFFF  }
0xc3: {  	(tm) =	ssettm $0x7FFFFFFF  }
tec
execute0_lowered:
.L_overlay_start_1:
0x0: {  	(tag) =	ssettag $0x1  }
0x1: {  	s1 =	rddreg [dreg:$0x0]  }
0x2: {  	s8 =	rddreg [dreg:$0x1]  }
0x3: {  	s3 =	rddreg [dreg:$0x2]  }
0x4: {  	s5 =	srdreg.scid;
	s0 =	stileid.u32;
	s4 =	simm.s32 $0x0  }
0x5: {  	s17 =	simm.s32 $0x800;
	s18 =	simm.s32 $0x2800;
	s19 =	simm.s32 $0x1  }
0x6: {  	s20 =	simm.s32 $0x100;
	s21 =	simm.s32 $0x2;
	s22 =	simm.s32 $0x5  }
0x7: {  	s23 =	simm.s32 $0x6;
	s24 =	simm.s32 $0x3;
	s25 =	simm.s32 $0x4  }
0x8: {  	s9 =	sand.u32 $0x1, s5;
	s10 =	smul.u32 $0x31000, s0;
	[smem:$0x7FF] =	sst s4  }
0x9: {  	s5 =	sadd.s32 $0xF8800, s8;
	s6 =	sadd.s32 $0xDF800, s8;
	s31 =	smul.u32 $0x6400, s0  }
0xa: {  	s7 =	sadd.s32 $0x113200, s8;
	s29 =	sshll.u32 s0, $0x6;
	s11 =	smul.u32 $0x310000, s9  }
0xb: {  	_ =	strace $0x80000050;
	s12 =	sshll.u32 s9, $0x4;
	s13 =	ssub.s32 $0x2, s9  }
0xc: {  	s14 =	smul.u32 $0x64000, s9;
	s12 =	sor.u32 s0, s12;
	s26 =	sshrl.u32 s13, $0x1  }
0xd: {  	s28 =	sshrl.u32 s10, $0x1;
	s11 =	sadd.s32 s10, s11;
	s12 =	smul.u32 $0x6400, s12  }
0xe: {  	s13 =	ssub.s32 s13, s26;
	s15 =	sadd.s32 s28, s3;
	s11 =	sshrl.u32 s11, $0x4  }
0xf: {  	s14 =	sadd.s32 s31, s14;
	s26 =	simm.s32 $0x0;
	s11 =	sadd.s32 s11, s8  }
0x10: {  	s30 =	sshrl.u32 s12, $0x3;
	s8 =	sor.u32 $0x1C07, s29;
	s12 =	smax.u32 s13, $0x1  }
0x11: {  	s13 =	sor.u32 $0x200, s14;
	s14 =	sshrl.u32 s15, $0x3;
	s15 =	simm.s32 $0x7  }
0x12: {  	s9 =	sadd.s32 s5, s30;
	s10 =	sadd.s32 s6, s30;
	s11 =	sadd.s32 $0x116400, s11  }
.LBB2_1:
0x13: {  	[spmem:s14], [sflag:s8] =	dma.local [hbm:s7], $0x3100  }
0x14: {  	_ =	swait.ge [sflag:s15], $0x3100  }
0x15: {  	[sflag:s15] =	ssyncset.done $0x0  }
0x16: {  	[sflag:s15] =	ssyncadd.s32 $0xFFFFCF00  }
0x17: {  	[tilespmem:s4], [sflag:$0x7] =	stream.linear.gather [hbm4b:s9+s4], $0x200, $0x38;
	[tilespmem:$0x1D000] =	vst v63  }
0x18: {  	_ =	swait.ge [sflag:s15], $0x200  }
0x19: {  	[sflag:s15] =	ssyncset.done $0x0  }
0x1a: {  	s0 =	simm.s32 $0x400;
	[sflag:s15] =	ssyncadd.s32 $0xFFFFFE00  }
0x1b: {  	[tilespmem:s0], [sflag:$0x7] =	stream.linear.gather [hbm4b:s10+s4], $0x200, $0x38;
	[tilespmem:$0x1D000] =	vst v63  }
.Ltmp0:
0x1c: {  	_ =	swait.ge [sflag:s15], $0x200;
	(pc) =	sbr.rel .LBB2_2-.Ltmp0, $4  }
0x1d: {  	[sflag:s15] =	ssyncset.done $0x0  }
0x1e: {  	[sflag:s15] =	ssyncadd.s32 $0xFFFFFE00  }
0x1f: {  	[bflag:$0x0] =	sbarrier.arrive $0xFFFF  }
0x20: {  	s28 =	simm.s32 $0x31;
	s29 =	simm.s32 $0x0  }
.LBB2_3:
0x21: {  	s30 =	simm.s32 $0x100;
	s31 =	simm.s32 $0x0  }
0x22: {  	[tilespmem:s17], [sflag:$0x1] =	stream.indirect.gather [hbm4b:s1+s30], $0x20, s31, s30, $0xb8;
	[tilespmem:$0x1D000] =	vst v63  }
0x23: {  	_ = 	snop  }
0x24: {  	[tilespmem:s18], [sflag:$0x2] =	stream.indirect.gather [hbm4b:s1+s30], $0x20, s30, s30, $0xb8;
	[tilespmem:$0x1D000] =	vst v63  }
.LBB2_5:
0x25: {  	s0 =	sadd.s32 s29, s13  }
0x26: {  	s0 =	sshrl.u32 s0, $0x3  }
0x27: {  	s2 =	ssub.s32 $0x200, s31;
	s16 =	sadd.s32 s5, s0  }
0x28: {  	[tilespmem:s2], [sflag:$0x5] =	stream.linear.gather [hbm4b:s16+s4], $0x200, $0x38;
	[tilespmem:$0x1D000] =	vst v63  }
0x29: {  	s0 =	sadd.s32 s6, s0;
	s16 =	ssub.s32 $0x600, s31  }
0x2a: {  	[tilespmem:s16], [sflag:$0x6] =	stream.linear.gather [hbm4b:s0+s4], $0x200, $0x38;
	[tilespmem:$0x1D000] =	vst v63  }
0x2b: {  	_ =	swait.ge [sflag:s19], $0x2000  }
0x2c: {  	[sflag:s19] =	ssyncset.done $0x0  }
0x2d: {  	s16 =	sor.u32 $0x400, s31;
	[sflag:s19] =	ssyncadd.s32 $0xFFFFE000  }
0x2e: {  	[spmem:s3] =	stream.indirect.scatter.add.bf16 [tilespmem:s17], [sflag:$0x3], $0x20, s16, s20, $0xb8;
	[tilespmem:$0x1D000] =	vst v63  }
0x2f: {  	_ =	swait.ge [sflag:s21], $0x2000  }
0x30: {  	[sflag:s21] =	ssyncset.done $0x0  }
0x31: {  	s31 =	sor.u32 $0x400, s30;
	[sflag:s21] =	ssyncadd.s32 $0xFFFFE000  }
0x32: {  	[spmem:s3] =	stream.indirect.scatter.add.bf16 [tilespmem:s18], [sflag:$0x4], $0x20, s31, s20, $0xb8;
	[tilespmem:$0x1D000] =	vst v63  }
0x33: {  	_ =	swait.ge [sflag:s22], $0x200  }
0x34: {  	[sflag:s22] =	ssyncset.done $0x0  }
0x35: {  	[sflag:s22] =	ssyncadd.s32 $0xFFFFFE00  }
0x36: {  	_ =	swait.ge [sflag:s23], $0x200  }
0x37: {  	[sflag:s23] =	ssyncset.done $0x0  }
0x38: {  	s29 =	sadd.s32 $0x200, s29;
	s28 =	sadd.s32 $0xFFFFFFFF, s28;
	[sflag:s23] =	ssyncadd.s32 $0xFFFFFE00  }
.LBB2_2:
0x39: {  	p0 =	sne.s32 s28, $0x31  }
.Ltmp1:
0x3a: {  	_ = 	snop;
	(pc) =	sbr.rel @!p0 .LBB2_3-.Ltmp1, $1  }
0x3b: {  	_ =	sdelay $0x3  }
0x3c: {  	_ =	swait.ge [sflag:s24], $0x2000  }
0x3d: {  	[sflag:s24] =	ssyncset.done $0x0  }
0x3e: {  	s31 =	sand.u32 $0x200, s29;
	p0 =	seq.s32 s28, $0x0;
	[sflag:s24] =	ssyncadd.s32 $0xFFFFE000  }
0x3f: {  	[tilespmem:s17], [sflag:$0x1] =	stream.indirect.gather [hbm4b:s1+s20], $0x20, s31, s20, $0xb8;
	[tilespmem:$0x1D000] =	vst v63  }
.Ltmp2:
0x40: {  	_ = 	snop;
	(pc) =	sbr.rel @!p0 .LBB2_5-.Ltmp2, $4  }
0x41: {  	_ =	swait.ge [sflag:s25], $0x2000  }
0x42: {  	[sflag:s25] =	ssyncset.done $0x0  }
0x43: {  	s30 =	sor.u32 $0x100, s31;
	[sflag:s25] =	ssyncadd.s32 $0xFFFFE000  }
0x44: {  	[tilespmem:s18], [sflag:$0x2] =	stream.indirect.gather [hbm4b:s1+s20], $0x20, s30, s20, $0xb8;
	[tilespmem:$0x1D000] =	vst v63  }
0x45: {  	_ =	swait.ge [sflag:s19], $0x2000  }
0x46: {  	[sflag:s19] =	ssyncset.done $0x0  }
0x47: {  	s0 =	sor.u32 $0x400, s31;
	[sflag:s19] =	ssyncadd.s32 $0xFFFFE000  }
0x48: {  	[spmem:s3] =	stream.indirect.scatter.add.bf16 [tilespmem:s17], [sflag:$0x3], $0x20, s0, s20, $0xb8;
	[tilespmem:$0x1D000] =	vst v63  }
0x49: {  	_ =	swait.ge [sflag:s21], $0x2000  }
0x4a: {  	[sflag:s21] =	ssyncset.done $0x0  }
0x4b: {  	s31 =	sor.u32 $0x400, s30;
	[sflag:s21] =	ssyncadd.s32 $0xFFFFE000  }
0x4c: {  	[spmem:s3] =	stream.indirect.scatter.add.bf16 [tilespmem:s18], [sflag:$0x4], $0x20, s31, s20, $0xb8;
	[tilespmem:$0x1D000] =	vst v63  }
0x4d: {  	_ =	swait.ge [sflag:s24], $0x2000  }
0x4e: {  	[sflag:s24] =	ssyncset.done $0x0  }
0x4f: {  	[sflag:s24] =	ssyncadd.s32 $0xFFFFE000  }
0x50: {  	_ =	swait.ge [sflag:s25], $0x2000  }
0x51: {  	s26 =	sadd.s32 $0x1, s26;
	[sflag:s25] =	ssyncset.done $0x0  }
0x52: {  	p0 =	sne.s32 s26, s12;
	[sflag:s25] =	ssyncadd.s32 $0xFFFFE000  }
.Ltmp3:
0x53: {  	[bflag:$0x0] =	sbarrier.arrive $0xFFFF;
	(pc) =	sbr.rel @p0 .LBB2_1-.Ltmp3, $4  }
0x54: {  	[hbm:s11], [sflag:s8] =	dma.local [spmem:s14], $0x3100  }
0x55: {  	_ =	swait.ge [sflag:s15], $0x3100  }
0x56: {  	[sflag:s15] =	ssyncset.done $0x0  }
0x57: {  	[sflag:s15] =	ssyncadd.s32 $0xFFFFCF00  }
0x58: {  	_ =	sfence.sel $0x180000  }
0x59: {  	[bflag:$0x0] =	sbarrier.arrive $0xFFFF  }
0x5a: {  	_ =	strace $0x90000050  }
0x5b: {  	s0 =	stileid.u32;
	[bflag:$0x2] =	sbarrier.arrive $0xFFFF  }
0x5c: {  	p0 =	sne.s32 s0, $0x0;
	s0 =	rddreg [dreg:$0x3]  }
0x5d: {  	s0 =	sadd.s32 @!p0 $0x100000, s0  }
0x5e: {  	[sflag:s0] =	ssyncadd.tile.s32 @!p0 $0x1;
	_ =	shalt  }
.Lfunc_end2:
_tile_overlayer_lowered:
.L_overlay_start_2:
0x5f: {  	(tag) =	ssettag $0x2  }
0x60: {  	s0 =	rddreg [dreg:$0x0];
	s2 =	stileid.u32  }
0x61: {  	s1 =	rddreg [dreg:$0x1];
	p0 =	sne.s32 s2, $0x0  }
0x62: {  	s3 =	rddreg [dreg:$0x2];
	[bflag:$0x3] =	sbarrier.arrive $0xFFFF;
	s2 =	simm.s32 @!p0 $0x1C07  }
0x63: {  	[timem:s3], [sflag:s2] =	dma.local @!p0 [hbm:s0], s1  }
0x64: {  	s0 =	simm.s32 @!p0 $0x7  }
0x65: {  	_ =	swait.ge @!p0 [sflag:s0], s1  }
0x66: {  	s1 =	ssub.s32 @!p0 $0x0, s1;
	[sflag:s0] =	ssyncset.done @!p0 $0x0  }
0x67: {  	[sflag:s0] =	ssyncadd.s32 @!p0 s1  }
0x68: {  	[bflag:$0x3] =	sbarrier.arrive $0xFFFF  }
0x69: {  	_ =	shalt  }

// kernel: kernel.9.cloned.1.call-start
scs
__scs_entry_jumppad:
0x0: {  	(pc) =	sbr.rel $0x88, $3  }
0x1: {  	(tag) =	ssettag $0x0;
	lr =	simm.s32 $0x1  }
0x2: {  	[smem:$0x3F94] =	sst lr;
	_ =	strace $0xD0000000  }
0x3: {  	_ = 	snop  }
0x4: {  	_ = 	snop  }
0x5: {  	_ = 	snop  }
0x6: {  	_ = 	snop  }
0x7: {  	_ = 	snop  }
__scs_overlays_trampoline_lowered:
0x8: {  	[smem:$0x3FA3] =	sst s0  }
0x9: {  	[smem:$0x3FA4] =	sst s1  }
0xa: {  	[smem:$0x3FA5] =	sst s2  }
0xb: {  	[smem:$0x3FA6] =	sst s3  }
0xc: {  	[smem:$0x3FA7] =	sst s4  }
0xd: {  	[smem:$0x3FA8] =	sst s5  }
0xe: {  	[smem:$0x3FA9] =	sst s6  }
0xf: {  	[smem:$0x3FAA] =	sst s7  }
0x10: {  	[smem:$0x3FAB] =	sst s8  }
0x11: {  	[smem:$0x3FAC] =	sst s9;
	s0 =	simm.s32 @!p0 $0x0  }
0x12: {  	s1 =	sld [smem:$0x3F92];
	s0 =	simm.s32 @p0 $0x1  }
0x13: {  	[smem:$0x3FAD] =	sst s0;
	s0 =	simm.s32 @!p1 $0x0  }
0x14: {  	s2 =	sld [smem:$0x3F91];
	s0 =	simm.s32 @p1 $0x1  }
0x15: {  	[smem:$0x3FAE] =	sst s0;
	s0 =	simm.s32 @!p2 $0x0  }
0x16: {  	s3 =	sld [smem:$0x3FDB];
	s0 =	simm.s32 @p2 $0x1  }
0x17: {  	s4 =	simm.s32 $0x1BF5;
	[smem:$0x3FB0] =	sst s0  }
0x18: {  	s0 =	sld [smem:$0x3F93];
	_ =	swait.ge [sflag:s4], $0x0  }
0x19: {  	s7 =	sld [smem:$0x3F94]  }
0x1a: {  	s8 =	sadd.s32 $0xFFFFE003, lr  }
0x1b: {  	s9 =	sadd.s32 $0xFFFFFEF7, lr;
	s5 =	simm.s32 $0xFFFFFFFF;
	p2 =	slt.u32 s8, $0xFFFFF086  }
0x1c: {  	p1 =	slt.u32 s9, $0xF7A;
	s5 =	simm.s32 @!p2 $0x0  }
0x1d: {  	s5 =	simm.s32 @p1 $0x1;
	p0 =	seq.s32 s7, s2  }
0x1e: {  	s7 =	smul.u32 @!p0 $0xF7A, s2;
	p2 =	seq.s32 @!p0 s5, $0x0  }
0x1f: {  	s9 =	smul.u32 $0xF7A, s1;
	s8 =	simm.s32 @!p0 $0x1BF5;
	p2 =	por !p2, p0  }
0x20: {  	[sflag:s8] =	ssyncset.s32 @!p0 $0xFFFFF086;
	s6 =	sadd.s32 @!p0 s3, s7;
	s7 =	simm.s32 @!p0 $0x108  }
0x21: {  	s3 =	sadd.s32 s3, s9;
	s6 =	sadd.s32 @!p0 $0x88, s6;
	s7 =	simm.s32 @p2 $0x1082  }
0x22: {  	[simem:s7], [sflag:s8] =	dma.local @!p0 [hbm:s6], $0xF7A  }
0x23: {  	s9 =	sor.u32 $0xD0000000, s2;
	s6 =	simm.s32 $0x108;
	_ =	swait.ge @!p0 [sflag:s8], $0x0  }
0x24: {  	s3 =	sadd.s32 $0x88, s3;
	s6 =	simm.s32 @!p1 $0x1082;
	[sflag:s4] =	ssyncset.s32 $0xFFFFF086  }
0x25: {  	[simem:s6], [sflag:s4] =	dma.local [hbm:s3], $0xF7A  }
0x26: {  	[smem:$0x3F94] =	sst s1;
	(tag) =	ssettag s2;
	_ =	strace s9  }
0x27: {  	s1 =	sld [smem:$0x3FA4]  }
0x28: {  	s2 =	sld [smem:$0x3FA5]  }
0x29: {  	s4 =	sld [smem:$0x3FA7]  }
0x2a: {  	p0 =	seq.s32 s5, $0x0;
	s5 =	sld [smem:$0x3FA8]  }
0x2b: {  	s6 =	sld [smem:$0x3FA9]  }
0x2c: {  	s7 =	sld [smem:$0x3FAA]  }
0x2d: {  	s3 =	simm.s32 $0x108;
	s8 =	sld [smem:$0x3FAB]  }
0x2e: {  	s3 =	simm.s32 @!p0 $0x1082;
	s9 =	sld [smem:$0x3FAC]  }
0x2f: {  	lr =	sadd.s32 s0, s3;
	s0 =	sld [smem:$0x3FA3]  }
0x30: {  	s3 =	sld [smem:$0x3FA6]  }
0x31: {  	[smem:$0x3FAF] =	sst s10  }
0x32: {  	s10 =	sld [smem:$0x3FAD];
	_ =	sdelay $0x3  }
0x33: {  	p0 =	seq.s32 s10, $0x1;
	s10 =	sld [smem:$0x3FAF];
	_ =	sdelay $0x3  }
0x34: {  	[smem:$0x3FAF] =	sst s10  }
0x35: {  	s10 =	sld [smem:$0x3FAE];
	_ =	sdelay $0x3  }
0x36: {  	p1 =	seq.s32 s10, $0x1;
	s10 =	sld [smem:$0x3FAF];
	_ =	sdelay $0x3  }
0x37: {  	[smem:$0x3FAF] =	sst s10  }
0x38: {  	s10 =	sld [smem:$0x3FB0]  }
0x39: {  	_ = 	snop;
	(pc) =	sbr.ind lr, $3  }
0x3a: {  	_ = 	snop  }
0x3b: {  	_ = 	snop  }
0x3c: {  	p2 =	seq.s32 s10, $0x1;
	s10 =	sld [smem:$0x3FAF]  }
0x3d: {  	_ =	shalt  }
0x3e: {  	_ =	shalt  }
0x3f: {  	_ =	shalt  }
0x40: {  	_ =	shalt  }
0x41: {  	_ =	shalt  }
0x42: {  	_ =	shalt  }
0x43: {  	_ =	shalt  }
0x44: {  	_ =	shalt  }
0x45: {  	_ =	shalt  }
0x46: {  	_ =	shalt  }
0x47: {  	_ =	shalt  }
0x48: {  	_ =	shalt  }
0x49: {  	_ =	shalt  }
0x4a: {  	_ =	shalt  }
0x4b: {  	_ =	shalt  }
0x4c: {  	_ =	shalt  }
0x4d: {  	_ =	shalt  }
0x4e: {  	_ =	shalt  }
0x4f: {  	_ =	shalt  }
0x50: {  	_ =	shalt  }
0x51: {  	_ =	shalt  }
0x52: {  	_ =	shalt  }
0x53: {  	_ =	shalt  }
0x54: {  	_ =	shalt  }
0x55: {  	_ =	shalt  }
0x56: {  	_ =	shalt  }
0x57: {  	_ =	shalt  }
0x58: {  	_ =	shalt  }
0x59: {  	_ =	shalt  }
0x5a: {  	_ =	shalt  }
0x5b: {  	_ =	shalt  }
0x5c: {  	_ =	shalt  }
0x5d: {  	_ =	shalt  }
0x5e: {  	_ =	shalt  }
0x5f: {  	_ =	shalt  }
0x60: {  	_ =	shalt  }
0x61: {  	_ =	shalt  }
0x62: {  	_ =	shalt  }
0x63: {  	_ =	shalt  }
0x64: {  	_ =	shalt  }
0x65: {  	_ =	shalt  }
0x66: {  	_ =	shalt  }
0x67: {  	_ =	shalt  }
0x68: {  	_ =	shalt  }
0x69: {  	_ =	shalt  }
0x6a: {  	_ =	shalt  }
0x6b: {  	_ =	shalt  }
0x6c: {  	_ =	shalt  }
0x6d: {  	_ =	shalt  }
0x6e: {  	_ =	shalt  }
0x6f: {  	_ =	shalt  }
0x70: {  	_ =	shalt  }
0x71: {  	_ =	shalt  }
0x72: {  	_ =	shalt  }
0x73: {  	_ =	shalt  }
0x74: {  	_ =	shalt  }
0x75: {  	_ =	shalt  }
0x76: {  	_ =	shalt  }
0x77: {  	_ =	shalt  }
0x78: {  	_ =	shalt  }
0x79: {  	_ =	shalt  }
0x7a: {  	_ =	shalt  }
0x7b: {  	_ =	shalt  }
0x7c: {  	_ =	shalt  }
0x7d: {  	_ =	shalt  }
0x7e: {  	_ =	shalt  }
0x7f: {  	_ =	shalt  }
0x80: {  	_ =	shalt  }
0x81: {  	_ =	shalt  }
0x82: {  	_ =	shalt  }
0x83: {  	_ =	shalt  }
0x84: {  	_ =	shalt  }
0x85: {  	_ =	shalt  }
0x86: {  	_ =	shalt  }
0x87: {  	_ =	shalt  }
.Lfunc_end0:
.L_simem_size_0:
called_computation_lowered:
.L_overlay_start_0:
0x88: {  	s2 =	sld [smem:$0x3FD9]  }
0x89: {  	s3 =	sld [smem:$0x3FFE];
	_ =	sdelay $0x1  }
0x8a: {  	s1 =	srdreg.scid  }
0x8b: {  	s0 =	sand.u32 $0x1, s1  }
0x8c: {  	s17 =	sshll.u32 s0, $0xA;
	s2 =	sadd.s32 s3, s2  }
0x8d: {  	s2 =	sadd.s32 s2, s17  }
0x8e: {  	[smem:$0x3FBB] =	sst s2  }
0x8f: {  	_ = 	snop  }
0x90: {  	s2 =	sld [smem:$0x3FD0];
	(tm) =	ssettm $0x1  }
0x91: {  	s18 =	sld [smem:$0x3FFB];
	_ =	sdelay $0x3  }
0x92: {  	_ =	strace s18  }
0x93: {  	s3 =	sld [smem:$0x3FFC];
	_ =	sdelay $0x3  }
0x94: {  	_ =	strace s3  }
0x95: {  	s3 =	sld [smem:$0x3FFD];
	_ =	sdelay $0x3  }
0x96: {  	_ =	strace s3  }
0x97: {  	_ =	strace $0x8FFFFFFF  }
0x98: {  	s19 =	sld [smem:$0x3FDB];
	_ =	sdelay $0x1  }
0x99: {  	s4 =	simm.s32 $_scs_section_size  }
0x9a: {  	s5 =	simm.s32 $_size__tile_overlayer_lowered;
	s6 =	simm.s32 $_tile_overlayer_lowered  }
0x9b: {  	s22 =	simm.s32 $0x1BFF;
	s21 =	sshll.u32 s6, $0x1;
	s3 =	sadd.s32 s4, s19  }
0x9c: {  	s7 =	simm.s32 $0x0;
	s20 =	sshll.u32 s5, $0x1;
	s5 =	sadd.s32 s21, s3  }
0x9d: {  	[timem:s7], [sflag:s22] =	dma.local [hbm:s5], s20  }
0x9e: {  	_ =	swait.ge [sflag:s22], s20  }
0x9f: {  	s4 =	ssub.s32 $0x0, s20;
	[sflag:s22] =	ssyncset.done $0x0  }
0xa0: {  	[sflag:s22] =	ssyncadd.s32 s4;
	_ =	sdelay $0x1  }
0xa1: {  	s23 =	simm.s32 $0x1B8B  }
0xa2: {  	_ =	swait.ge [sflag:s23], $0x1  }
0xa3: {  	[sflag:s23] =	ssyncset.done $0x0  }
0xa4: {  	s25 =	simm.s32 $0x1B8E;
	s24 =	sld [smem:$0x3FFE];
	[sflag:s23] =	ssyncadd.s32 $0xFFFFFFFF  }
0xa5: {  	s26 =	simm.s32 $execute0_lowered;
	[smem:$0x3FD2] =	sst s25  }
0xa6: {  	s5 =	sshll.u32 s26, $0x1;
	_ =	strace $0x80000046;
	[dreg:$0x1] =	wrdreg $0xFFFFFFFF  }
0xa7: {  	s28 =	simm.s32 $_size_execute0_lowered;
	s3 =	sadd.s32 s3, s5;
	[dreg:$0x0] =	wrdreg $0x0  }
0xa8: {  	s5 =	sshll.u32 s28, $0x1;
	[dreg:$0x2] =	wrdreg s3  }
0xa9: {  	[dreg:$0x3] =	wrdreg s5  }
0xaa: {  	[dreg:$0x4] =	wrdreg $0xC0  }
0xab: {  	_ =	task [dreg:s7], $0x5FFFF  }
0xac: {  	[dreg:$0x1] =	wrdreg $0xFFFFFFFF  }
0xad: {  	[dreg:$0x0] =	wrdreg $0x60  }
0xae: {  	[dreg:$0x2] =	wrdreg s24  }
0xaf: {  	[dreg:$0x3] =	wrdreg s2  }
0xb0: {  	[dreg:$0x4] =	wrdreg $0x28000  }
0xb1: {  	[dreg:$0x5] =	wrdreg $0x9  }
0xb2: {  	_ =	task.clear_ibuf [dreg:s7], $0x6FFFF;
	_ =	strace $0x90000046  }
0xb3: {  	s29 =	simm.s32 $0x9;
	_ =	strace $0x80000048  }
0xb4: {  	_ =	swait.ge [sflag:s29], $0x1  }
0xb5: {  	[sflag:s29] =	ssyncadd.s32 $0xFFFFFFFF  }
0xb6: {  	_ =	strace $0x90000048  }
0xb7: {  	_ =	sfence  }
0xb8: {  	s30 =	sld [smem:$0x0];
	_ =	sdelay $0x2  }
0xb9: {  	s31 =	sshll.u32 s1, $0xD;
	s1 =	sshrl.u32 s1, $0x2  }
0xba: {  	s3 =	sand.u32 $0x4000, s31;
	s1 =	sadd.s32 s1, s30  }
0xbb: {  	s0 =	sor.u32 s3, s0;
	s1 =	sshll.u32 s1, $0x11  }
0xbc: {  	s0 =	sor.u32 s1, s0  }
0xbd: {  	s0 =	sadd.s32 $0x8F2B, s0  }
0xbe: {  	[sflag:s0] =	ssyncadd.remote.s32 $0x1  }
0xbf: {  	_ =	sfence.sel $0xFFFF  }
0xc0: {  	[dreg:$0x0] =	wrdreg $0xFFFFFFFF;
	(pc) =	sbr.abs _section_cstart, $3  }
0xc1: {  	[dreg:$0x1] =	wrdreg $0xFFFFFFFF  }
0xc2: {  	_ =	task.clear_ibuf [dreg:s7], $0x2FFFF;
	_ =	strace $0x9FFFFFFF  }
0xc3: {  	(tm) =	ssettm $0x7FFFFFFF  }
tec
execute0_lowered:
.L_overlay_start_1:
0x0: {  	(tag) =	ssettag $0x1  }
0x1: {  	s7 =	rddreg [dreg:$0x0]  }
0x2: {  	s11 =	rddreg [dreg:$0x1]  }
0x3: {  	s1 =	rddreg [dreg:$0x2];
	s2 =	simm.s32 $0x0;
	s3 =	srdreg.scid  }
0x4: {  	s0 =	stileid.u32;
	s18 =	simm.s32 $0x1800;
	s19 =	simm.s32 $0x1  }
0x5: {  	s20 =	simm.s32 $0x100;
	s21 =	simm.s32 $0x2;
	s22 =	simm.s32 $0x5  }
0x6: {  	s23 =	simm.s32 $0x6;
	s24 =	simm.s32 $0x3;
	s25 =	simm.s32 $0x4  }
0x7: {  	s26 =	simm.s32 $0x0;
	[smem:$0x7FF] =	sst s2;
	s4 =	sadd.s32 $0xC7000, s7  }
0x8: {  	s8 =	sand.u32 $0x1, s3;
	s5 =	sadd.s32 $0xF8800, s7;
	s12 =	smul.u32 $0xC400, s0  }
0x9: {  	s15 =	sshll.u32 s0, $0x6;
	s17 =	smul.u32 $0x6400, s0;
	_ =	strace $0x80000047  }
0xa: {  	s6 =	sshll.u32 s8, $0x4;
	s9 =	ssub.s32 $0x2, s8;
	s30 =	smul.u32 $0xC4000, s8  }
0xb: {  	s16 =	smul.u32 $0x64000, s8;
	s8 =	sor.u32 $0x1C07, s15;
	s15 =	simm.s32 $0x7  }
0xc: {  	s10 =	sor.u32 s0, s6;
	s6 =	sadd.s32 $0xDF800, s7;
	s13 =	sshrl.u32 s9, $0x1  }
0xd: {  	s7 =	sadd.s32 $0x111800, s7;
	s14 =	sadd.s32 s12, s1;
	s10 =	smul.u32 $0x6400, s10  }
0xe: {  	s13 =	ssub.s32 s9, s13;
	s12 =	sadd.s32 s12, s30;
	s31 =	sadd.s32 s17, s16  }
0xf: {  	s14 =	sshrl.u32 s14, $0x3;
	s17 =	simm.s32 $0x800;
	s12 =	sshrl.u32 s12, $0x3  }
0x10: {  	s10 =	sshrl.u32 s10, $0x3;
	s11 =	sadd.s32 s11, s12;
	s12 =	smax.u32 s13, $0x1  }
0x11: {  	s13 =	sor.u32 $0x200, s31;
	s9 =	sadd.s32 s5, s10;
	s10 =	sadd.s32 s6, s10  }
.LBB2_1:
0x12: {  	[spmem:s14], [sflag:s8] =	dma.local [hbm:s7], $0x1880  }
0x13: {  	_ =	swait.ge [sflag:s15], $0x1880  }
0x14: {  	[sflag:s15] =	ssyncset.done $0x0  }
0x15: {  	[sflag:s15] =	ssyncadd.s32 $0xFFFFE780  }
0x16: {  	[tilespmem:s2], [sflag:$0x7] =	stream.linear.gather [hbm4b:s9+s2], $0x200, $0x38;
	[tilespmem:$0xEC00] =	vst v63  }
0x17: {  	_ =	swait.ge [sflag:s15], $0x200  }
0x18: {  	[sflag:s15] =	ssyncset.done $0x0  }
0x19: {  	s0 =	simm.s32 $0x400;
	[sflag:s15] =	ssyncadd.s32 $0xFFFFFE00  }
0x1a: {  	[tilespmem:s0], [sflag:$0x7] =	stream.linear.gather [hbm4b:s10+s2], $0x200, $0x38;
	[tilespmem:$0xEC00] =	vst v63  }
.Ltmp0:
0x1b: {  	_ =	swait.ge [sflag:s15], $0x200;
	(pc) =	sbr.rel .LBB2_2-.Ltmp0, $4  }
0x1c: {  	[sflag:s15] =	ssyncset.done $0x0  }
0x1d: {  	[sflag:s15] =	ssyncadd.s32 $0xFFFFFE00  }
0x1e: {  	[bflag:$0x0] =	sbarrier.arrive $0xFFFF  }
0x1f: {  	s28 =	simm.s32 $0x31;
	s29 =	simm.s32 $0x0  }
.LBB2_3:
0x20: {  	s30 =	simm.s32 $0x100;
	s31 =	simm.s32 $0x0  }
0x21: {  	[tilespmem:s17], [sflag:$0x1] =	stream.indirect.gather [hbm4b:s4+s30], $0x10, s31, s30, $0xb8;
	[tilespmem:$0xEC00] =	vst v63  }
0x22: {  	_ = 	snop  }
0x23: {  	[tilespmem:s18], [sflag:$0x2] =	stream.indirect.gather [hbm4b:s4+s30], $0x10, s30, s30, $0xb8;
	[tilespmem:$0xEC00] =	vst v63  }
.LBB2_5:
0x24: {  	s0 =	sadd.s32 s29, s13  }
0x25: {  	s0 =	sshrl.u32 s0, $0x3  }
0x26: {  	s3 =	ssub.s32 $0x200, s31;
	s16 =	sadd.s32 s5, s0  }
0x27: {  	[tilespmem:s3], [sflag:$0x5] =	stream.linear.gather [hbm4b:s16+s2], $0x200, $0x38;
	[tilespmem:$0xEC00] =	vst v63  }
0x28: {  	s0 =	sadd.s32 s6, s0;
	s16 =	ssub.s32 $0x600, s31  }
0x29: {  	[tilespmem:s16], [sflag:$0x6] =	stream.linear.gather [hbm4b:s0+s2], $0x200, $0x38;
	[tilespmem:$0xEC00] =	vst v63  }
0x2a: {  	_ =	swait.ge [sflag:s19], $0x1000  }
0x2b: {  	[sflag:s19] =	ssyncset.done $0x0  }
0x2c: {  	s16 =	sor.u32 $0x400, s31;
	[sflag:s19] =	ssyncadd.s32 $0xFFFFF000  }
0x2d: {  	[spmem:s1] =	stream.indirect.scatter.add.f32 [tilespmem:s17], [sflag:$0x3], $0x10, s16, s20, $0xb8;
	[tilespmem:$0xEC00] =	vst v63  }
0x2e: {  	_ =	swait.ge [sflag:s21], $0x1000  }
0x2f: {  	[sflag:s21] =	ssyncset.done $0x0  }
0x30: {  	s31 =	sor.u32 $0x400, s30;
	[sflag:s21] =	ssyncadd.s32 $0xFFFFF000  }
0x31: {  	[spmem:s1] =	stream.indirect.scatter.add.f32 [tilespmem:s18], [sflag:$0x4], $0x10, s31, s20, $0xb8;
	[tilespmem:$0xEC00] =	vst v63  }
0x32: {  	_ =	swait.ge [sflag:s22], $0x200  }
0x33: {  	[sflag:s22] =	ssyncset.done $0x0  }
0x34: {  	[sflag:s22] =	ssyncadd.s32 $0xFFFFFE00  }
0x35: {  	_ =	swait.ge [sflag:s23], $0x200  }
0x36: {  	[sflag:s23] =	ssyncset.done $0x0  }
0x37: {  	s29 =	sadd.s32 $0x200, s29;
	s28 =	sadd.s32 $0xFFFFFFFF, s28;
	[sflag:s23] =	ssyncadd.s32 $0xFFFFFE00  }
.LBB2_2:
0x38: {  	p0 =	sne.s32 s28, $0x31  }
.Ltmp1:
0x39: {  	_ = 	snop;
	(pc) =	sbr.rel @!p0 .LBB2_3-.Ltmp1, $1  }
0x3a: {  	_ =	sdelay $0x3  }
0x3b: {  	_ =	swait.ge [sflag:s24], $0x1000  }
0x3c: {  	[sflag:s24] =	ssyncset.done $0x0  }
0x3d: {  	s31 =	sand.u32 $0x200, s29;
	p0 =	seq.s32 s28, $0x0;
	[sflag:s24] =	ssyncadd.s32 $0xFFFFF000  }
0x3e: {  	[tilespmem:s17], [sflag:$0x1] =	stream.indirect.gather [hbm4b:s4+s20], $0x10, s31, s20, $0xb8;
	[tilespmem:$0xEC00] =	vst v63  }
.Ltmp2:
0x3f: {  	_ = 	snop;
	(pc) =	sbr.rel @!p0 .LBB2_5-.Ltmp2, $4  }
0x40: {  	_ =	swait.ge [sflag:s25], $0x1000  }
0x41: {  	[sflag:s25] =	ssyncset.done $0x0  }
0x42: {  	s30 =	sor.u32 $0x100, s31;
	[sflag:s25] =	ssyncadd.s32 $0xFFFFF000  }
0x43: {  	[tilespmem:s18], [sflag:$0x2] =	stream.indirect.gather [hbm4b:s4+s20], $0x10, s30, s20, $0xb8;
	[tilespmem:$0xEC00] =	vst v63  }
0x44: {  	_ =	swait.ge [sflag:s19], $0x1000  }
0x45: {  	[sflag:s19] =	ssyncset.done $0x0  }
0x46: {  	s0 =	sor.u32 $0x400, s31;
	[sflag:s19] =	ssyncadd.s32 $0xFFFFF000  }
0x47: {  	[spmem:s1] =	stream.indirect.scatter.add.f32 [tilespmem:s17], [sflag:$0x3], $0x10, s0, s20, $0xb8;
	[tilespmem:$0xEC00] =	vst v63  }
0x48: {  	_ =	swait.ge [sflag:s21], $0x1000  }
0x49: {  	[sflag:s21] =	ssyncset.done $0x0  }
0x4a: {  	s31 =	sor.u32 $0x400, s30;
	[sflag:s21] =	ssyncadd.s32 $0xFFFFF000  }
0x4b: {  	[spmem:s1] =	stream.indirect.scatter.add.f32 [tilespmem:s18], [sflag:$0x4], $0x10, s31, s20, $0xb8;
	[tilespmem:$0xEC00] =	vst v63  }
0x4c: {  	_ =	swait.ge [sflag:s24], $0x1000  }
0x4d: {  	[sflag:s24] =	ssyncset.done $0x0  }
0x4e: {  	[sflag:s24] =	ssyncadd.s32 $0xFFFFF000  }
0x4f: {  	_ =	swait.ge [sflag:s25], $0x1000  }
0x50: {  	s26 =	sadd.s32 $0x1, s26;
	[sflag:s25] =	ssyncset.done $0x0  }
0x51: {  	p0 =	sne.s32 s26, s12;
	[sflag:s25] =	ssyncadd.s32 $0xFFFFF000  }
.Ltmp3:
0x52: {  	[bflag:$0x0] =	sbarrier.arrive $0xFFFF;
	(pc) =	sbr.rel @p0 .LBB2_1-.Ltmp3, $4  }
0x53: {  	[hbm:s11], [sflag:s8] =	dma.local [spmem:s14], $0x1880  }
0x54: {  	_ =	swait.ge [sflag:s15], $0x1880  }
0x55: {  	[sflag:s15] =	ssyncset.done $0x0  }
0x56: {  	[sflag:s15] =	ssyncadd.s32 $0xFFFFE780  }
0x57: {  	_ =	sfence.sel $0x180000  }
0x58: {  	[bflag:$0x0] =	sbarrier.arrive $0xFFFF  }
0x59: {  	_ =	strace $0x90000047  }
0x5a: {  	s0 =	stileid.u32;
	[bflag:$0x2] =	sbarrier.arrive $0xFFFF  }
0x5b: {  	p0 =	sne.s32 s0, $0x0;
	s0 =	rddreg [dreg:$0x3]  }
0x5c: {  	s0 =	sadd.s32 @!p0 $0x100000, s0  }
0x5d: {  	[sflag:s0] =	ssyncadd.tile.s32 @!p0 $0x1;
	_ =	shalt  }
.Lfunc_end2:
_tile_overlayer_lowered:
.L_overlay_start_2:
0x5e: {  	(tag) =	ssettag $0x2  }
0x5f: {  	s0 =	rddreg [dreg:$0x0];
	s2 =	stileid.u32  }
0x60: {  	s1 =	rddreg [dreg:$0x1];
	p0 =	sne.s32 s2, $0x0  }
0x61: {  	s3 =	rddreg [dreg:$0x2];
	[bflag:$0x3] =	sbarrier.arrive $0xFFFF;
	s2 =	simm.s32 @!p0 $0x1C07  }
0x62: {  	[timem:s3], [sflag:s2] =	dma.local @!p0 [hbm:s0], s1  }
0x63: {  	s0 =	simm.s32 @!p0 $0x7  }
0x64: {  	_ =	swait.ge @!p0 [sflag:s0], s1  }
0x65: {  	s1 =	ssub.s32 @!p0 $0x0, s1;
	[sflag:s0] =	ssyncset.done @!p0 $0x0  }
0x66: {  	[sflag:s0] =	ssyncadd.s32 @!p0 s1  }
0x67: {  	[bflag:$0x3] =	sbarrier.arrive $0xFFFF  }
0x68: {  	_ =	shalt  }

</sc_bundles>
